<compile_context>
chip_gen: v7x
topology: tpu7x:2x2x1
jax: 0.10.2.dev20260603
libtpu: 0.0.44.dev20260713+nightly
codegen_flags: <defaults>
</compile_context>

<pallas_src>
import functools
import math

import jax
import jax.numpy as jnp
from jax import lax
from jax.experimental import pallas as pl
from jax.experimental.pallas import tpu as pltpu
from jax.experimental.pallas import tpu_sc as plsc

N = 10000
NP = 10240
E = 320000
E_TOT = E + N
K = 128
NTILES = 32
M = -(-E_TOT // (NTILES * K))
E_PAD = NTILES * K * M
RPT = NP // NTILES
ZR = 40
ST = 128
BN = 2048


def _tc_pre(Din, HC, H, interpret=False):

    def body(x_ref, w_ref, s_ref, d_ref, st_ref, gm_ref):
        h = jnp.dot(x_ref[...], w_ref[...], preferred_element_type=jnp.float32,
                    precision=jax.lax.Precision.HIGHEST)
        a_s = jnp.dot(h, s_ref[...], preferred_element_type=jnp.float32,
                    precision=jax.lax.Precision.HIGHEST)
        a_d = jnp.dot(h, d_ref[...], preferred_element_type=jnp.float32,
                    precision=jax.lax.Precision.HIGHEST)
        st_ref[...] = jnp.concatenate(
            [h, a_s, a_d, jnp.zeros((BN, ST - HC - 2 * H), jnp.float32)],
            axis=1)
        a_sp = jnp.concatenate(
            [a_s, jnp.full((BN, 128 - H), -3e38, jnp.float32)], axis=1)
        bm = jnp.broadcast_to(jnp.max(a_sp, axis=0, keepdims=True), (8, 128))

        @pl.when(pl.program_id(0) == 0)
        def _():
            gm_ref[...] = bm

        @pl.when(pl.program_id(0) > 0)
        def _():
            gm_ref[...] = jnp.maximum(gm_ref[...], bm)

    return pl.pallas_call(
        body,
        grid=(NP // BN,),
        in_specs=[
            pl.BlockSpec((BN, Din), lambda i: (i, 0)),
            pl.BlockSpec((Din, HC), lambda i: (0, 0)),
            pl.BlockSpec((HC, H), lambda i: (0, 0)),
            pl.BlockSpec((HC, H), lambda i: (0, 0)),
        ],
        out_specs=[
            pl.BlockSpec((BN, ST), lambda i: (i, 0)),
            pl.BlockSpec((8, 128), lambda i: (0, 0)),
        ],
        out_shape=[
            jax.ShapeDtypeStruct((NP, ST), jnp.float32),
            jax.ShapeDtypeStruct((8, 128), jnp.float32),
        ],
        interpret=interpret,
    )


def _tc_mid(HCp, Hp, RWp, Din, HC, H, relu, interpret=False):

    def body(p_ref, dh_ref, b_ref, w_ref, s_ref, d_ref,
             st_ref, gm_ref):
        tot = p_ref[...]
        num = tot[:, :HCp]
        den = tot[:, HCp:HCp + Hp]
        y = num / (jnp.dot(den, dh_ref[...],
                           preferred_element_type=jnp.float32,
                    precision=jax.lax.Precision.HIGHEST) + 1e-16)
        y = y + b_ref[...]
        if relu:
            y = jnp.maximum(y, 0.0)
        h = jnp.dot(y, w_ref[...], preferred_element_type=jnp.float32,
                    precision=jax.lax.Precision.HIGHEST)
        a_s = jnp.dot(h, s_ref[...], preferred_element_type=jnp.float32,
                    precision=jax.lax.Precision.HIGHEST)
        a_d = jnp.dot(h, d_ref[...], preferred_element_type=jnp.float32,
                    precision=jax.lax.Precision.HIGHEST)
        st_ref[...] = jnp.concatenate(
            [h, a_s, a_d, jnp.zeros((BN, ST - HC - 2 * H), jnp.float32)],
            axis=1)
        a_sp = jnp.concatenate(
            [a_s, jnp.full((BN, 128 - H), -3e38, jnp.float32)], axis=1)
        bm = jnp.broadcast_to(jnp.max(a_sp, axis=0, keepdims=True), (8, 128))

        @pl.when(pl.program_id(0) == 0)
        def _():
            gm_ref[...] = bm

        @pl.when(pl.program_id(0) > 0)
        def _():
            gm_ref[...] = jnp.maximum(gm_ref[...], bm)

    return pl.pallas_call(
        body,
        grid=(NP // BN,),
        in_specs=[
            pl.BlockSpec((BN, 128), lambda i: (i, 0)),
            pl.BlockSpec((Hp, HCp), lambda i: (0, 0)),
            pl.BlockSpec((1, HCp), lambda i: (0, 0)),
            pl.BlockSpec((Din, HC), lambda i: (0, 0)),
            pl.BlockSpec((HC, H), lambda i: (0, 0)),
            pl.BlockSpec((HC, H), lambda i: (0, 0)),
        ],
        out_specs=[
            pl.BlockSpec((BN, ST), lambda i: (i, 0)),
            pl.BlockSpec((8, 128), lambda i: (0, 0)),
        ],
        out_shape=[
            jax.ShapeDtypeStruct((NP, ST), jnp.float32),
            jax.ShapeDtypeStruct((8, 128), jnp.float32),
        ],
        interpret=interpret,
    )


def _tc_fin(HCp, Hp, RWp, C, interpret=False):

    def body(p_ref, dh_ref, f_ref, b_ref, o_ref):
        tot = p_ref[...]
        num = tot[:, :HCp]
        den = tot[:, HCp:HCp + Hp]
        r = num / (jnp.dot(den, dh_ref[...],
                           preferred_element_type=jnp.float32,
                    precision=jax.lax.Precision.HIGHEST) + 1e-16)
        o_ref[...] = jnp.dot(r, f_ref[...],
                             preferred_element_type=jnp.float32,
                    precision=jax.lax.Precision.HIGHEST) + b_ref[...]

    return pl.pallas_call(
        body,
        grid=(NP // BN,),
        in_specs=[
            pl.BlockSpec((BN, 128), lambda i: (i, 0)),
            pl.BlockSpec((Hp, HCp), lambda i: (0, 0)),
            pl.BlockSpec((HCp, C), lambda i: (0, 0)),
            pl.BlockSpec((1, C), lambda i: (0, 0)),
        ],
        out_specs=[pl.BlockSpec((BN, C), lambda i: (i, 0))],
        out_shape=[jax.ShapeDtypeStruct((NP, C), jnp.float32)],
        interpret=interpret,
    )


def _sc_edge(H, HC, RW, interpret=False):
    GH = (16 * H) // math.gcd(16, H)
    GV = GH // 16
    NG = K * H // 16
    NR = NP // 2
    AR = NR + 640
    M2 = E_PAD // (K * 16)
    mesh = plsc.VectorSubcoreMesh(core_axis_name="c", subcore_axis_name="s",
                                  num_cores=2, num_subcores=16)

    @functools.partial(
        pl.kernel,
        out_type=jax.ShapeDtypeStruct((NP, 128), jnp.float32),
        mesh=mesh,
        interpret=interpret,
        compiler_params=pltpu.CompilerParams(needs_layout_passes=False),
        scratch_types=[
            pltpu.VMEM((K,), jnp.int32),
            pltpu.VMEM((K,), jnp.int32),
            pltpu.VMEM((K,), jnp.int32),
            pltpu.VMEM((K, ST), jnp.float32),
            pltpu.VMEM((K, ST), jnp.float32),
            pltpu.VMEM((K, 128), jnp.float32),
            pltpu.VMEM((K * H,), jnp.float32),
            pltpu.VMEM((GH,), jnp.float32),
            pltpu.VMEM((ZR, 128), jnp.float32),
            pltpu.VMEM_SHARED((AR, 128), jnp.float32),
            pltpu.SemaphoreType.DMA,
            pltpu.SemaphoreType.DMA,
        ],
    )
    def sc(st_hbm, gp_hbm, s_hbm, d_hbm, out,
           sidx, didx, didx2, srow, arow, contrib, pbuf, gpat, zbuf, acc,
           sem1, sem2):
        c = lax.axis_index("c")
        s = lax.axis_index("s")
        zv = jnp.zeros((16,), jnp.float32)

        def zrow(r, carry):
            for j in range(128 // 16):
                zbuf[r, pl.ds(j * 16, 16)] = zv
            return carry

        lax.fori_loop(0, ZR, zrow, 0)
        for i in range(360 // ZR):
            pltpu.sync_copy(zbuf, acc.at[pl.ds(s * 360 + i * ZR, ZR)])
        pltpu.sync_copy(gp_hbm, gpat)
        plsc.subcore_barrier()

        iota = lax.iota(jnp.int32, 16)
        ebase = s * (M2 * K)
        cbase = c * NR

        def chunk(ci, carry):
            eb = pl.multiple_of(ebase + ci * K, K)
            pltpu.sync_copy(s_hbm.at[pl.ds(eb, K)], sidx)
            pltpu.sync_copy(d_hbm.at[pl.ds(eb, K)], didx)
            cp1 = pltpu.async_copy(st_hbm.at[sidx], srow, sem1)
            cp2 = pltpu.async_copy(st_hbm.at[didx], arow, sem2)
            for g in range(K // 16):
                d_v = didx[pl.ds(16 * g, 16)] - cbase
                m = jnp.logical_and(d_v >= 0, d_v < NR)
                didx2[pl.ds(16 * g, 16)] = jnp.where(m, d_v, NR)
            cp1.wait()
            cp2.wait()

            def agroup(v, carry2):
                q = iota + 16 * v
                e_ = q // H
                h_ = q % H
                a_s = plsc.load_gather(srow, [e_, h_ + HC])
                a_d = plsc.load_gather(arow, [e_, h_ + HC + H])
                gm = gpat[pl.ds(16 * (v % GV), 16)]
                ev = a_s + a_d
                ev = jnp.maximum(ev, 0.2 * ev)
                kv = jnp.maximum(gm + a_d, 0.0)
                pv = jnp.exp(ev - kv)
                pbuf[pl.ds(16 * v, 16)] = pv
                plsc.store_scatter(contrib, [e_, h_ + HC], pv)
                return carry2

            lax.fori_loop(0, NG, agroup, 0)

            def edge(e, carry2):
                for h in range(H):
                    pb = plsc.load_gather(
                        pbuf, [jnp.full((16,), e * H + h, jnp.int32)])
                    contrib[e, pl.ds(h * 16, 16)] = (
                        srow[e, pl.ds(h * 16, 16)] * pb)
                return carry2

            lax.fori_loop(0, K, edge, 0)
            pltpu.sync_copy(contrib, acc.at[didx2], add=True)
            return carry

        lax.fori_loop(0, M2, chunk, 0)
        plsc.subcore_barrier()
        pltpu.sync_copy(acc.at[pl.ds(s * 320, 320)],
                        out.at[pl.ds(c * NR + s * 320, 320)])

    return sc


def _head_proj(a, H, C):
    flat = a.reshape(H * C)
    mask = (jnp.arange(H * C)[:, None] // C == jnp.arange(H)[None, :])
    return flat[:, None] * mask.astype(jnp.float32)


def _den_expand(H, C):
    return (jnp.arange(H)[:, None] == jnp.arange(H * C)[None, :] // C
            ).astype(jnp.float32)


def _head_mean(H, C):
    return (jnp.arange(H * C)[:, None] % C == jnp.arange(C)[None, :]
            ).astype(jnp.float32) / H


def _gpat(gmax, H):
    GH = (16 * H) // math.gcd(16, H)
    return jnp.tile(gmax[0, :H], GH // H)


def kernel(x, edge_index, W1, a_src1, a_dst1, b1, W2, a_src2, a_dst2, b2,
           W3, a_src3, a_dst3, b3):
    xp = jnp.pad(x, ((0, NP - N), (0, 0)))
    loop = jnp.arange(N, dtype=edge_index.dtype)
    padv = jnp.full((E_PAD - E_TOT,), NP - 1, dtype=edge_index.dtype)
    src = jnp.concatenate([edge_index[0], loop, padv])
    dst = jnp.concatenate([edge_index[1], loop, padv])

    st1, gm1 = _tc_pre(128, 64, 4)(
        xp, W1, _head_proj(a_src1, 4, 16), _head_proj(a_dst1, 4, 16))
    p1 = _sc_edge(4, 64, 80)(st1, _gpat(gm1, 4), src, dst)

    st2, gm2 = _tc_mid(64, 4, 80, 64, 64, 4, True)(
        p1, _den_expand(4, 16), b1.reshape(1, 64), W2,
        _head_proj(a_src2, 4, 16), _head_proj(a_dst2, 4, 16))
    p2 = _sc_edge(4, 64, 80)(st2, _gpat(gm2, 4), src, dst)

    st3, gm3 = _tc_mid(64, 4, 80, 64, 96, 6, False)(
        p2, _den_expand(4, 16), b2.reshape(1, 64), W3,
        _head_proj(a_src3, 6, 16), _head_proj(a_dst3, 6, 16))
    p3 = _sc_edge(6, 96, 112)(st3, _gpat(gm3, 6), src, dst)

    out = _tc_fin(96, 6, 112, 16)(
        p3, _den_expand(6, 16), _head_mean(6, 16),
        b3.reshape(1, 16))[0]
    return out[:N]

# --- scband reference (transcript-rebuilt; emitter-appended) ---
"""Pipeline reference for scband-model-42803644072533 (READ-ONLY COPY).

The authoritative reference and input builder live on the scoring server;
editing this copy changes nothing except your own understanding.
"""

import jax, jax.numpy as jnp
import numpy as np


def gat_layer(x, src, dst, W, a_src, a_dst, b, heads, C, concat):
    N = x.shape[0]
    h = (x @ W).reshape(N, heads, C)
    alpha_s = jnp.sum(h * a_src, axis=-1)  # [N, H]
    alpha_d = jnp.sum(h * a_dst, axis=-1)  # [N, H]
    e = alpha_s[src] + alpha_d[dst]        # [E, H]
    e = jax.nn.leaky_relu(e, negative_slope=0.2)
    emax = jax.ops.segment_max(e, dst, num_segments=N)
    e = jnp.exp(e - emax[dst])
    denom = jax.ops.segment_sum(e, dst, num_segments=N)
    alpha = e / (denom[dst] + 1e-16)
    msg = h[src] * alpha[:, :, None]       # [E, H, C]
    out = jax.ops.segment_sum(msg, dst, num_segments=N)
    if concat:
        out = out.reshape(N, heads * C)
    else:
        out = out.mean(axis=1)
    return out + b


def setup_inputs(seed: int = 0):
    key = jax.random.key(seed)
    ks = jax.random.split(key, 16)
    N, E, D = 10000, 320000, 128
    Hd, Hh = 16, 4   # hidden_dim, heads for conv1/conv2
    Oc, Oh = 16, 6   # output_dim, heads for conv3 (concat=False)
    inp = {}
    inp['x'] = jax.random.normal(ks[0], (N, D), dtype=jnp.float32)
    inp['edge_index'] = jax.random.randint(ks[1], (2, E), 0, N, dtype=jnp.int32)
    s = 0.1
    inp['W1'] = jax.random.normal(ks[2], (D, Hh * Hd), dtype=jnp.float32) * s
    inp['a_src1'] = jax.random.normal(ks[3], (1, Hh, Hd), dtype=jnp.float32) * s
    inp['a_dst1'] = jax.random.normal(ks[4], (1, Hh, Hd), dtype=jnp.float32) * s
    inp['b1'] = jnp.zeros((Hh * Hd,), dtype=jnp.float32)
    inp['W2'] = jax.random.normal(ks[5], (Hh * Hd, Hh * Hd), dtype=jnp.float32) * s
    inp['a_src2'] = jax.random.normal(ks[6], (1, Hh, Hd), dtype=jnp.float32) * s
    inp['a_dst2'] = jax.random.normal(ks[7], (1, Hh, Hd), dtype=jnp.float32) * s
    inp['b2'] = jnp.zeros((Hh * Hd,), dtype=jnp.float32)
    inp['W3'] = jax.random.normal(ks[8], (Hh * Hd, Oh * Oc), dtype=jnp.float32) * s
    inp['a_src3'] = jax.random.normal(ks[9], (1, Oh, Oc), dtype=jnp.float32) * s
    inp['a_dst3'] = jax.random.normal(ks[10], (1, Oh, Oc), dtype=jnp.float32) * s
    inp['b3'] = jnp.zeros((Oc,), dtype=jnp.float32)
    return inp


def reference(x, edge_index, W1, a_src1, a_dst1, b1, W2, a_src2, a_dst2, b2, W3, a_src3, a_dst3, b3):
    N = x.shape[0]
    loop = jnp.arange(N, dtype=edge_index.dtype)
    src = jnp.concatenate([edge_index[0], loop])
    dst = jnp.concatenate([edge_index[1], loop])
    # dropout is a no-op in eval mode
    h = gat_layer(x, src, dst, W1, a_src1, a_dst1, b1, 4, 16, True)
    h = jax.nn.relu(h)
    h = gat_layer(h, src, dst, W2, a_src2, a_dst2, b2, 4, 16, True)
    out = gat_layer(h, src, dst, W3, a_src3, a_dst3, b3, 6, 16, False)
    return out

if __name__ == "__main__":
    import jax
    _d = setup_inputs()
    print(jax.jit(kernel)(*tuple(_d.values())))

</pallas_src>

<mosaic_0001>
#map = affine_map<(d0, d1) -> (0, 0)>
#map1 = affine_map<(d0, d1) -> (0)>
module attributes {stable_mosaic.version = 14 : i64} {
  func.func @sc(%arg0: i32, %arg1: i32, %arg2: memref<10240x128xf32, #tpu.memory_space<hbm>>, %arg3: memref<48xf32, #tpu.memory_space<hbm>>, %arg4: memref<331776xi32, #tpu.memory_space<hbm>>, %arg5: memref<331776xi32, #tpu.memory_space<hbm>>, %arg6: memref<10240x128xf32, #tpu.memory_space<hbm>>, %arg7: memref<128xi32, #tpu.memory_space<vmem>>, %arg8: memref<128xi32, #tpu.memory_space<vmem>>, %arg9: memref<128xi32, #tpu.memory_space<vmem>>, %arg10: memref<128x128xf32, #tpu.memory_space<vmem>>, %arg11: memref<128x128xf32, #tpu.memory_space<vmem>>, %arg12: memref<128x128xf32, #tpu.memory_space<vmem>>, %arg13: memref<768xf32, #tpu.memory_space<vmem>>, %arg14: memref<48xf32, #tpu.memory_space<vmem>>, %arg15: memref<40x128xf32, #tpu.memory_space<vmem>>, %arg16: memref<5760x128xf32, #tpu.memory_space<vmem_shared>>, %arg17: memref<!tpu.dma_semaphore, #tpu.memory_space<semaphore_mem>>, %arg18: memref<!tpu.dma_semaphore, #tpu.memory_space<semaphore_mem>>) attributes {dimension_semantics = [#tpu.dimension_semantics<core_parallel>, #tpu.dimension_semantics<subcore_parallel>], iteration_bounds = array<i64: 2, 16>, scalar_prefetch = 0 : i64, scratch_operands = 12 : i64, tpu.core_type = #tpu.core_type<sc_vector_subcore>, window_params = [{transform_indices = #map}, {transform_indices = #map1}, {transform_indices = #map1}, {transform_indices = #map1}, {transform_indices = #map}]} {
    %broadcast_in_dim3A = arith.constant 0.000000e+00 : f32
    %broadcast_in_dim3A_0 = vector.broadcast %broadcast_in_dim3A : f32 to vector<16xf32>
    %scan3A = arith.constant 0 : i32
    %scan3A_1 = arith.constant 0 : i32
    %scan3A_2 = arith.constant 40 : i32
    %scan3A_3 = arith.addi %scan3A_1, %scan3A_2 : i32
    %scan3A_4 = arith.constant 1 : i32
    scf.for %scan3A_58 = %scan3A_1 to %scan3A_3 step %scan3A_4  : i32 {
      %swap3A = arith.index_cast %scan3A_58 : i32 to index
      %swap3A_59 = arith.constant 0 : index
      %swap3A_60 = tpu.vector_load %arg15[%swap3A, %swap3A_59] {strides = array<i32>} : memref<40x128xf32, #tpu.memory_space<vmem>>, vector<16xf32>,
      tpu.vector_store %arg15[%swap3A, %swap3A_59], %broadcast_in_dim3A_0 {strides = array<i32>} : memref<40x128xf32, #tpu.memory_space<vmem>>, vector<16xf32>,
      %swap3A_61 = arith.index_cast %scan3A_58 : i32 to index
      %swap3A_62 = arith.constant 16 : index
      %swap3A_63 = tpu.vector_load %arg15[%swap3A_61, %swap3A_62] {strides = array<i32>} : memref<40x128xf32, #tpu.memory_space<vmem>>, vector<16xf32>,
      tpu.vector_store %arg15[%swap3A_61, %swap3A_62], %broadcast_in_dim3A_0 {strides = array<i32>} : memref<40x128xf32, #tpu.memory_space<vmem>>, vector<16xf32>,
      %swap3A_64 = arith.index_cast %scan3A_58 : i32 to index
      %swap3A_65 = arith.constant 32 : index
      %swap3A_66 = tpu.vector_load %arg15[%swap3A_64, %swap3A_65] {strides = array<i32>} : memref<40x128xf32, #tpu.memory_space<vmem>>, vector<16xf32>,
      tpu.vector_store %arg15[%swap3A_64, %swap3A_65], %broadcast_in_dim3A_0 {strides = array<i32>} : memref<40x128xf32, #tpu.memory_space<vmem>>, vector<16xf32>,
      %swap3A_67 = arith.index_cast %scan3A_58 : i32 to index
      %swap3A_68 = arith.constant 48 : index
      %swap3A_69 = tpu.vector_load %arg15[%swap3A_67, %swap3A_68] {strides = array<i32>} : memref<40x128xf32, #tpu.memory_space<vmem>>, vector<16xf32>,
      tpu.vector_store %arg15[%swap3A_67, %swap3A_68], %broadcast_in_dim3A_0 {strides = array<i32>} : memref<40x128xf32, #tpu.memory_space<vmem>>, vector<16xf32>,
      %swap3A_70 = arith.index_cast %scan3A_58 : i32 to index
      %swap3A_71 = arith.constant 64 : index
      %swap3A_72 = tpu.vector_load %arg15[%swap3A_70, %swap3A_71] {strides = array<i32>} : memref<40x128xf32, #tpu.memory_space<vmem>>, vector<16xf32>,
      tpu.vector_store %arg15[%swap3A_70, %swap3A_71], %broadcast_in_dim3A_0 {strides = array<i32>} : memref<40x128xf32, #tpu.memory_space<vmem>>, vector<16xf32>,
      %swap3A_73 = arith.index_cast %scan3A_58 : i32 to index
      %swap3A_74 = arith.constant 80 : index
      %swap3A_75 = tpu.vector_load %arg15[%swap3A_73, %swap3A_74] {strides = array<i32>} : memref<40x128xf32, #tpu.memory_space<vmem>>, vector<16xf32>,
      tpu.vector_store %arg15[%swap3A_73, %swap3A_74], %broadcast_in_dim3A_0 {strides = array<i32>} : memref<40x128xf32, #tpu.memory_space<vmem>>, vector<16xf32>,
      %swap3A_76 = arith.index_cast %scan3A_58 : i32 to index
      %swap3A_77 = arith.constant 96 : index
      %swap3A_78 = tpu.vector_load %arg15[%swap3A_76, %swap3A_77] {strides = array<i32>} : memref<40x128xf32, #tpu.memory_space<vmem>>, vector<16xf32>,
      tpu.vector_store %arg15[%swap3A_76, %swap3A_77], %broadcast_in_dim3A_0 {strides = array<i32>} : memref<40x128xf32, #tpu.memory_space<vmem>>, vector<16xf32>,
      %swap3A_79 = arith.index_cast %scan3A_58 : i32 to index
      %swap3A_80 = arith.constant 112 : index
      %swap3A_81 = tpu.vector_load %arg15[%swap3A_79, %swap3A_80] {strides = array<i32>} : memref<40x128xf32, #tpu.memory_space<vmem>>, vector<16xf32>,
      tpu.vector_store %arg15[%swap3A_79, %swap3A_80], %broadcast_in_dim3A_0 {strides = array<i32>} : memref<40x128xf32, #tpu.memory_space<vmem>>, vector<16xf32>,
    }
    %scan3A_5 = arith.constant 40 : i32
    %mul3A = arith.constant 360 : i32
    %mul3A_6 = arith.muli %arg1, %mul3A : i32
    %add3A = arith.constant 0 : i32
    %add3A_7 = arith.addi %mul3A_6, %add3A : i32
    "tpu.region"() ({
      %run_scoped3A = tpu.sem_alloc : memref<!tpu.dma_semaphore, #tpu.memory_space<semaphore_mem>>
      %dma_start3A = arith.constant 0 : i32
      %dma_start3A_58 = tpu.memref_slice %arg16[%add3A_7, %dma_start3A] : memref<5760x128xf32, #tpu.memory_space<vmem_shared>> -> memref<40x128xf32, #tpu.memory_space<vmem_shared>>
      %dma_start3A_59 = arith.constant 0 : i32
      %dma_start3A_60 = tpu.memref_slice %arg16[%add3A_7, %dma_start3A_59] : memref<5760x128xf32, #tpu.memory_space<vmem_shared>> -> memref<40x128xf32, #tpu.memory_space<vmem_shared>>
      tpu.enqueue_dma source(%arg15 : memref<40x128xf32, #tpu.memory_space<vmem>>) target(%dma_start3A_60 : memref<40x128xf32, #tpu.memory_space<vmem_shared>>) target_semaphore(%run_scoped3A : memref<!tpu.dma_semaphore, #tpu.memory_space<semaphore_mem>>)
      %dma_wait3A = arith.constant 0 : i32
      %dma_wait3A_61 = tpu.memref_slice %arg16[%add3A_7, %dma_wait3A] : memref<5760x128xf32, #tpu.memory_space<vmem_shared>> -> memref<40x128xf32, #tpu.memory_space<vmem_shared>>
      %dma_wait3A_62 = arith.constant 0 : i32
      %dma_wait3A_63 = tpu.memref_slice %arg16[%add3A_7, %dma_wait3A_62] : memref<5760x128xf32, #tpu.memory_space<vmem_shared>> -> memref<40x128xf32, #tpu.memory_space<vmem_shared>>
      tpu.wait_dma2 semaphore(%run_scoped3A : memref<!tpu.dma_semaphore, #tpu.memory_space<semaphore_mem>>) src(%arg15 : memref<40x128xf32, #tpu.memory_space<vmem>>) dst(%dma_wait3A_63 : memref<40x128xf32, #tpu.memory_space<vmem_shared>>)
      tpu.yield
    }) : () -> ()
    %mul3A_8 = arith.constant 360 : i32
    %mul3A_9 = arith.muli %arg1, %mul3A_8 : i32
    %add3A_10 = arith.constant 40 : i32
    %add3A_11 = arith.addi %mul3A_9, %add3A_10 : i32
    "tpu.region"() ({
      %run_scoped3A = tpu.sem_alloc : memref<!tpu.dma_semaphore, #tpu.memory_space<semaphore_mem>>
      %dma_start3A = arith.constant 0 : i32
      %dma_start3A_58 = tpu.memref_slice %arg16[%add3A_11, %dma_start3A] : memref<5760x128xf32, #tpu.memory_space<vmem_shared>> -> memref<40x128xf32, #tpu.memory_space<vmem_shared>>
      %dma_start3A_59 = arith.constant 0 : i32
      %dma_start3A_60 = tpu.memref_slice %arg16[%add3A_11, %dma_start3A_59] : memref<5760x128xf32, #tpu.memory_space<vmem_shared>> -> memref<40x128xf32, #tpu.memory_space<vmem_shared>>
      tpu.enqueue_dma source(%arg15 : memref<40x128xf32, #tpu.memory_space<vmem>>) target(%dma_start3A_60 : memref<40x128xf32, #tpu.memory_space<vmem_shared>>) target_semaphore(%run_scoped3A : memref<!tpu.dma_semaphore, #tpu.memory_space<semaphore_mem>>)
      %dma_wait3A = arith.constant 0 : i32
      %dma_wait3A_61 = tpu.memref_slice %arg16[%add3A_11, %dma_wait3A] : memref<5760x128xf32, #tpu.memory_space<vmem_shared>> -> memref<40x128xf32, #tpu.memory_space<vmem_shared>>
      %dma_wait3A_62 = arith.constant 0 : i32
      %dma_wait3A_63 = tpu.memref_slice %arg16[%add3A_11, %dma_wait3A_62] : memref<5760x128xf32, #tpu.memory_space<vmem_shared>> -> memref<40x128xf32, #tpu.memory_space<vmem_shared>>
      tpu.wait_dma2 semaphore(%run_scoped3A : memref<!tpu.dma_semaphore, #tpu.memory_space<semaphore_mem>>) src(%arg15 : memref<40x128xf32, #tpu.memory_space<vmem>>) dst(%dma_wait3A_63 : memref<40x128xf32, #tpu.memory_space<vmem_shared>>)
      tpu.yield
    }) : () -> ()
    %mul3A_12 = arith.constant 360 : i32
    %mul3A_13 = arith.muli %arg1, %mul3A_12 : i32
    %add3A_14 = arith.constant 80 : i32
    %add3A_15 = arith.addi %mul3A_13, %add3A_14 : i32
    "tpu.region"() ({
      %run_scoped3A = tpu.sem_alloc : memref<!tpu.dma_semaphore, #tpu.memory_space<semaphore_mem>>
      %dma_start3A = arith.constant 0 : i32
      %dma_start3A_58 = tpu.memref_slice %arg16[%add3A_15, %dma_start3A] : memref<5760x128xf32, #tpu.memory_space<vmem_shared>> -> memref<40x128xf32, #tpu.memory_space<vmem_shared>>
      %dma_start3A_59 = arith.constant 0 : i32
      %dma_start3A_60 = tpu.memref_slice %arg16[%add3A_15, %dma_start3A_59] : memref<5760x128xf32, #tpu.memory_space<vmem_shared>> -> memref<40x128xf32, #tpu.memory_space<vmem_shared>>
      tpu.enqueue_dma source(%arg15 : memref<40x128xf32, #tpu.memory_space<vmem>>) target(%dma_start3A_60 : memref<40x128xf32, #tpu.memory_space<vmem_shared>>) target_semaphore(%run_scoped3A : memref<!tpu.dma_semaphore, #tpu.memory_space<semaphore_mem>>)
      %dma_wait3A = arith.constant 0 : i32
      %dma_wait3A_61 = tpu.memref_slice %arg16[%add3A_15, %dma_wait3A] : memref<5760x128xf32, #tpu.memory_space<vmem_shared>> -> memref<40x128xf32, #tpu.memory_space<vmem_shared>>
      %dma_wait3A_62 = arith.constant 0 : i32
      %dma_wait3A_63 = tpu.memref_slice %arg16[%add3A_15, %dma_wait3A_62] : memref<5760x128xf32, #tpu.memory_space<vmem_shared>> -> memref<40x128xf32, #tpu.memory_space<vmem_shared>>
      tpu.wait_dma2 semaphore(%run_scoped3A : memref<!tpu.dma_semaphore, #tpu.memory_space<semaphore_mem>>) src(%arg15 : memref<40x128xf32, #tpu.memory_space<vmem>>) dst(%dma_wait3A_63 : memref<40x128xf32, #tpu.memory_space<vmem_shared>>)
      tpu.yield
    }) : () -> ()
    %mul3A_16 = arith.constant 360 : i32
    %mul3A_17 = arith.muli %arg1, %mul3A_16 : i32
    %add3A_18 = arith.constant 120 : i32
    %add3A_19 = arith.addi %mul3A_17, %add3A_18 : i32
    "tpu.region"() ({
      %run_scoped3A = tpu.sem_alloc : memref<!tpu.dma_semaphore, #tpu.memory_space<semaphore_mem>>
      %dma_start3A = arith.constant 0 : i32
      %dma_start3A_58 = tpu.memref_slice %arg16[%add3A_19, %dma_start3A] : memref<5760x128xf32, #tpu.memory_space<vmem_shared>> -> memref<40x128xf32, #tpu.memory_space<vmem_shared>>
      %dma_start3A_59 = arith.constant 0 : i32
      %dma_start3A_60 = tpu.memref_slice %arg16[%add3A_19, %dma_start3A_59] : memref<5760x128xf32, #tpu.memory_space<vmem_shared>> -> memref<40x128xf32, #tpu.memory_space<vmem_shared>>
      tpu.enqueue_dma source(%arg15 : memref<40x128xf32, #tpu.memory_space<vmem>>) target(%dma_start3A_60 : memref<40x128xf32, #tpu.memory_space<vmem_shared>>) target_semaphore(%run_scoped3A : memref<!tpu.dma_semaphore, #tpu.memory_space<semaphore_mem>>)
      %dma_wait3A = arith.constant 0 : i32
      %dma_wait3A_61 = tpu.memref_slice %arg16[%add3A_19, %dma_wait3A] : memref<5760x128xf32, #tpu.memory_space<vmem_shared>> -> memref<40x128xf32, #tpu.memory_space<vmem_shared>>
      %dma_wait3A_62 = arith.constant 0 : i32
      %dma_wait3A_63 = tpu.memref_slice %arg16[%add3A_19, %dma_wait3A_62] : memref<5760x128xf32, #tpu.memory_space<vmem_shared>> -> memref<40x128xf32, #tpu.memory_space<vmem_shared>>
      tpu.wait_dma2 semaphore(%run_scoped3A : memref<!tpu.dma_semaphore, #tpu.memory_space<semaphore_mem>>) src(%arg15 : memref<40x128xf32, #tpu.memory_space<vmem>>) dst(%dma_wait3A_63 : memref<40x128xf32, #tpu.memory_space<vmem_shared>>)
      tpu.yield
    }) : () -> ()
    %mul3A_20 = arith.constant 360 : i32
    %mul3A_21 = arith.muli %arg1, %mul3A_20 : i32
    %add3A_22 = arith.constant 160 : i32
    %add3A_23 = arith.addi %mul3A_21, %add3A_22 : i32
    "tpu.region"() ({
      %run_scoped3A = tpu.sem_alloc : memref<!tpu.dma_semaphore, #tpu.memory_space<semaphore_mem>>
      %dma_start3A = arith.constant 0 : i32
      %dma_start3A_58 = tpu.memref_slice %arg16[%add3A_23, %dma_start3A] : memref<5760x128xf32, #tpu.memory_space<vmem_shared>> -> memref<40x128xf32, #tpu.memory_space<vmem_shared>>
      %dma_start3A_59 = arith.constant 0 : i32
      %dma_start3A_60 = tpu.memref_slice %arg16[%add3A_23, %dma_start3A_59] : memref<5760x128xf32, #tpu.memory_space<vmem_shared>> -> memref<40x128xf32, #tpu.memory_space<vmem_shared>>
      tpu.enqueue_dma source(%arg15 : memref<40x128xf32, #tpu.memory_space<vmem>>) target(%dma_start3A_60 : memref<40x128xf32, #tpu.memory_space<vmem_shared>>) target_semaphore(%run_scoped3A : memref<!tpu.dma_semaphore, #tpu.memory_space<semaphore_mem>>)
      %dma_wait3A = arith.constant 0 : i32
      %dma_wait3A_61 = tpu.memref_slice %arg16[%add3A_23, %dma_wait3A] : memref<5760x128xf32, #tpu.memory_space<vmem_shared>> -> memref<40x128xf32, #tpu.memory_space<vmem_shared>>
      %dma_wait3A_62 = arith.constant 0 : i32
      %dma_wait3A_63 = tpu.memref_slice %arg16[%add3A_23, %dma_wait3A_62] : memref<5760x128xf32, #tpu.memory_space<vmem_shared>> -> memref<40x128xf32, #tpu.memory_space<vmem_shared>>
      tpu.wait_dma2 semaphore(%run_scoped3A : memref<!tpu.dma_semaphore, #tpu.memory_space<semaphore_mem>>) src(%arg15 : memref<40x128xf32, #tpu.memory_space<vmem>>) dst(%dma_wait3A_63 : memref<40x128xf32, #tpu.memory_space<vmem_shared>>)
      tpu.yield
    }) : () -> ()
    %mul3A_24 = arith.constant 360 : i32
    %mul3A_25 = arith.muli %arg1, %mul3A_24 : i32
    %add3A_26 = arith.constant 200 : i32
    %add3A_27 = arith.addi %mul3A_25, %add3A_26 : i32
    "tpu.region"() ({
      %run_scoped3A = tpu.sem_alloc : memref<!tpu.dma_semaphore, #tpu.memory_space<semaphore_mem>>
      %dma_start3A = arith.constant 0 : i32
      %dma_start3A_58 = tpu.memref_slice %arg16[%add3A_27, %dma_start3A] : memref<5760x128xf32, #tpu.memory_space<vmem_shared>> -> memref<40x128xf32, #tpu.memory_space<vmem_shared>>
      %dma_start3A_59 = arith.constant 0 : i32
      %dma_start3A_60 = tpu.memref_slice %arg16[%add3A_27, %dma_start3A_59] : memref<5760x128xf32, #tpu.memory_space<vmem_shared>> -> memref<40x128xf32, #tpu.memory_space<vmem_shared>>
      tpu.enqueue_dma source(%arg15 : memref<40x128xf32, #tpu.memory_space<vmem>>) target(%dma_start3A_60 : memref<40x128xf32, #tpu.memory_space<vmem_shared>>) target_semaphore(%run_scoped3A : memref<!tpu.dma_semaphore, #tpu.memory_space<semaphore_mem>>)
      %dma_wait3A = arith.constant 0 : i32
      %dma_wait3A_61 = tpu.memref_slice %arg16[%add3A_27, %dma_wait3A] : memref<5760x128xf32, #tpu.memory_space<vmem_shared>> -> memref<40x128xf32, #tpu.memory_space<vmem_shared>>
      %dma_wait3A_62 = arith.constant 0 : i32
      %dma_wait3A_63 = tpu.memref_slice %arg16[%add3A_27, %dma_wait3A_62] : memref<5760x128xf32, #tpu.memory_space<vmem_shared>> -> memref<40x128xf32, #tpu.memory_space<vmem_shared>>
      tpu.wait_dma2 semaphore(%run_scoped3A : memref<!tpu.dma_semaphore, #tpu.memory_space<semaphore_mem>>) src(%arg15 : memref<40x128xf32, #tpu.memory_space<vmem>>) dst(%dma_wait3A_63 : memref<40x128xf32, #tpu.memory_space<vmem_shared>>)
      tpu.yield
    }) : () -> ()
    %mul3A_28 = arith.constant 360 : i32
    %mul3A_29 = arith.muli %arg1, %mul3A_28 : i32
    %add3A_30 = arith.constant 240 : i32
    %add3A_31 = arith.addi %mul3A_29, %add3A_30 : i32
    "tpu.region"() ({
      %run_scoped3A = tpu.sem_alloc : memref<!tpu.dma_semaphore, #tpu.memory_space<semaphore_mem>>
      %dma_start3A = arith.constant 0 : i32
      %dma_start3A_58 = tpu.memref_slice %arg16[%add3A_31, %dma_start3A] : memref<5760x128xf32, #tpu.memory_space<vmem_shared>> -> memref<40x128xf32, #tpu.memory_space<vmem_shared>>
      %dma_start3A_59 = arith.constant 0 : i32
      %dma_start3A_60 = tpu.memref_slice %arg16[%add3A_31, %dma_start3A_59] : memref<5760x128xf32, #tpu.memory_space<vmem_shared>> -> memref<40x128xf32, #tpu.memory_space<vmem_shared>>
      tpu.enqueue_dma source(%arg15 : memref<40x128xf32, #tpu.memory_space<vmem>>) target(%dma_start3A_60 : memref<40x128xf32, #tpu.memory_space<vmem_shared>>) target_semaphore(%run_scoped3A : memref<!tpu.dma_semaphore, #tpu.memory_space<semaphore_mem>>)
      %dma_wait3A = arith.constant 0 : i32
      %dma_wait3A_61 = tpu.memref_slice %arg16[%add3A_31, %dma_wait3A] : memref<5760x128xf32, #tpu.memory_space<vmem_shared>> -> memref<40x128xf32, #tpu.memory_space<vmem_shared>>
      %dma_wait3A_62 = arith.constant 0 : i32
      %dma_wait3A_63 = tpu.memref_slice %arg16[%add3A_31, %dma_wait3A_62] : memref<5760x128xf32, #tpu.memory_space<vmem_shared>> -> memref<40x128xf32, #tpu.memory_space<vmem_shared>>
      tpu.wait_dma2 semaphore(%run_scoped3A : memref<!tpu.dma_semaphore, #tpu.memory_space<semaphore_mem>>) src(%arg15 : memref<40x128xf32, #tpu.memory_space<vmem>>) dst(%dma_wait3A_63 : memref<40x128xf32, #tpu.memory_space<vmem_shared>>)
      tpu.yield
    }) : () -> ()
    %mul3A_32 = arith.constant 360 : i32
    %mul3A_33 = arith.muli %arg1, %mul3A_32 : i32
    %add3A_34 = arith.constant 280 : i32
    %add3A_35 = arith.addi %mul3A_33, %add3A_34 : i32
    "tpu.region"() ({
      %run_scoped3A = tpu.sem_alloc : memref<!tpu.dma_semaphore, #tpu.memory_space<semaphore_mem>>
      %dma_start3A = arith.constant 0 : i32
      %dma_start3A_58 = tpu.memref_slice %arg16[%add3A_35, %dma_start3A] : memref<5760x128xf32, #tpu.memory_space<vmem_shared>> -> memref<40x128xf32, #tpu.memory_space<vmem_shared>>
      %dma_start3A_59 = arith.constant 0 : i32
      %dma_start3A_60 = tpu.memref_slice %arg16[%add3A_35, %dma_start3A_59] : memref<5760x128xf32, #tpu.memory_space<vmem_shared>> -> memref<40x128xf32, #tpu.memory_space<vmem_shared>>
      tpu.enqueue_dma source(%arg15 : memref<40x128xf32, #tpu.memory_space<vmem>>) target(%dma_start3A_60 : memref<40x128xf32, #tpu.memory_space<vmem_shared>>) target_semaphore(%run_scoped3A : memref<!tpu.dma_semaphore, #tpu.memory_space<semaphore_mem>>)
      %dma_wait3A = arith.constant 0 : i32
      %dma_wait3A_61 = tpu.memref_slice %arg16[%add3A_35, %dma_wait3A] : memref<5760x128xf32, #tpu.memory_space<vmem_shared>> -> memref<40x128xf32, #tpu.memory_space<vmem_shared>>
      %dma_wait3A_62 = arith.constant 0 : i32
      %dma_wait3A_63 = tpu.memref_slice %arg16[%add3A_35, %dma_wait3A_62] : memref<5760x128xf32, #tpu.memory_space<vmem_shared>> -> memref<40x128xf32, #tpu.memory_space<vmem_shared>>
      tpu.wait_dma2 semaphore(%run_scoped3A : memref<!tpu.dma_semaphore, #tpu.memory_space<semaphore_mem>>) src(%arg15 : memref<40x128xf32, #tpu.memory_space<vmem>>) dst(%dma_wait3A_63 : memref<40x128xf32, #tpu.memory_space<vmem_shared>>)
      tpu.yield
    }) : () -> ()
    %mul3A_36 = arith.constant 360 : i32
    %mul3A_37 = arith.muli %arg1, %mul3A_36 : i32
    %add3A_38 = arith.constant 320 : i32
    %add3A_39 = arith.addi %mul3A_37, %add3A_38 : i32
    "tpu.region"() ({
      %run_scoped3A = tpu.sem_alloc : memref<!tpu.dma_semaphore, #tpu.memory_space<semaphore_mem>>
      %dma_start3A = arith.constant 0 : i32
      %dma_start3A_58 = tpu.memref_slice %arg16[%add3A_39, %dma_start3A] : memref<5760x128xf32, #tpu.memory_space<vmem_shared>> -> memref<40x128xf32, #tpu.memory_space<vmem_shared>>
      %dma_start3A_59 = arith.constant 0 : i32
      %dma_start3A_60 = tpu.memref_slice %arg16[%add3A_39, %dma_start3A_59] : memref<5760x128xf32, #tpu.memory_space<vmem_shared>> -> memref<40x128xf32, #tpu.memory_space<vmem_shared>>
      tpu.enqueue_dma source(%arg15 : memref<40x128xf32, #tpu.memory_space<vmem>>) target(%dma_start3A_60 : memref<40x128xf32, #tpu.memory_space<vmem_shared>>) target_semaphore(%run_scoped3A : memref<!tpu.dma_semaphore, #tpu.memory_space<semaphore_mem>>)
      %dma_wait3A = arith.constant 0 : i32
      %dma_wait3A_61 = tpu.memref_slice %arg16[%add3A_39, %dma_wait3A] : memref<5760x128xf32, #tpu.memory_space<vmem_shared>> -> memref<40x128xf32, #tpu.memory_space<vmem_shared>>
      %dma_wait3A_62 = arith.constant 0 : i32
      %dma_wait3A_63 = tpu.memref_slice %arg16[%add3A_39, %dma_wait3A_62] : memref<5760x128xf32, #tpu.memory_space<vmem_shared>> -> memref<40x128xf32, #tpu.memory_space<vmem_shared>>
      tpu.wait_dma2 semaphore(%run_scoped3A : memref<!tpu.dma_semaphore, #tpu.memory_space<semaphore_mem>>) src(%arg15 : memref<40x128xf32, #tpu.memory_space<vmem>>) dst(%dma_wait3A_63 : memref<40x128xf32, #tpu.memory_space<vmem_shared>>)
      tpu.yield
    }) : () -> ()
    "tpu.region"() ({
      %run_scoped3A = tpu.sem_alloc : memref<!tpu.dma_semaphore, #tpu.memory_space<semaphore_mem>>
      tpu.enqueue_dma source(%arg3 : memref<48xf32, #tpu.memory_space<hbm>>) target(%arg14 : memref<48xf32, #tpu.memory_space<vmem>>) target_semaphore(%run_scoped3A : memref<!tpu.dma_semaphore, #tpu.memory_space<semaphore_mem>>)
      tpu.wait_dma2 semaphore(%run_scoped3A : memref<!tpu.dma_semaphore, #tpu.memory_space<semaphore_mem>>) src(%arg3 : memref<48xf32, #tpu.memory_space<hbm>>) dst(%arg14 : memref<48xf32, #tpu.memory_space<vmem>>)
      tpu.yield
    }) : () -> ()
    %barrier3A = arith.constant 0 : index
    tpu.barrier barrier_id(%barrier3A)
    %iota3A = tpu.iota {dimensions = array<i32: 0>} : vector<16xi32>
    %mul3A_40 = arith.constant 20736 : i32
    %mul3A_41 = arith.muli %arg1, %mul3A_40 : i32
    %mul3A_42 = arith.constant 5120 : i32
    %mul3A_43 = arith.muli %arg0, %mul3A_42 : i32
    %scan3A_44 = arith.constant 0 : i32
    %scan3A_45 = arith.constant 0 : i32
    %scan3A_46 = arith.constant 162 : i32
    %scan3A_47 = arith.addi %scan3A_45, %scan3A_46 : i32
    %scan3A_48 = arith.constant 1 : i32
    scf.for %scan3A_58 = %scan3A_45 to %scan3A_47 step %scan3A_48  : i32 {
      %mul3A_59 = arith.constant 128 : i32
      %mul3A_60 = arith.muli %scan3A_58, %mul3A_59 : i32
      %add3A_61 = arith.addi %mul3A_41, %mul3A_60 : i32
      %multiple_of3A = tpu.assume_multiple %add3A_61, 128 : i32
      "tpu.region"() ({
        %run_scoped3A = tpu.sem_alloc : memref<!tpu.dma_semaphore, #tpu.memory_space<semaphore_mem>>
        %dma_start3A_204 = tpu.memref_slice %arg4[%multiple_of3A] : memref<331776xi32, #tpu.memory_space<hbm>> -> memref<128xi32, #tpu.memory_space<hbm>>
        %dma_start3A_205 = tpu.memref_slice %arg4[%multiple_of3A] : memref<331776xi32, #tpu.memory_space<hbm>> -> memref<128xi32, #tpu.memory_space<hbm>>
        tpu.enqueue_dma source(%dma_start3A_205 : memref<128xi32, #tpu.memory_space<hbm>>) target(%arg7 : memref<128xi32, #tpu.memory_space<vmem>>) target_semaphore(%run_scoped3A : memref<!tpu.dma_semaphore, #tpu.memory_space<semaphore_mem>>)
        %dma_wait3A_206 = tpu.memref_slice %arg4[%multiple_of3A] : memref<331776xi32, #tpu.memory_space<hbm>> -> memref<128xi32, #tpu.memory_space<hbm>>
        %dma_wait3A_207 = tpu.memref_slice %arg4[%multiple_of3A] : memref<331776xi32, #tpu.memory_space<hbm>> -> memref<128xi32, #tpu.memory_space<hbm>>
        tpu.wait_dma2 semaphore(%run_scoped3A : memref<!tpu.dma_semaphore, #tpu.memory_space<semaphore_mem>>) src(%dma_wait3A_207 : memref<128xi32, #tpu.memory_space<hbm>>) dst(%arg7 : memref<128xi32, #tpu.memory_space<vmem>>)
        tpu.yield
      }) : () -> ()
      "tpu.region"() ({
        %run_scoped3A = tpu.sem_alloc : memref<!tpu.dma_semaphore, #tpu.memory_space<semaphore_mem>>
        %dma_start3A_204 = tpu.memref_slice %arg5[%multiple_of3A] : memref<331776xi32, #tpu.memory_space<hbm>> -> memref<128xi32, #tpu.memory_space<hbm>>
        %dma_start3A_205 = tpu.memref_slice %arg5[%multiple_of3A] : memref<331776xi32, #tpu.memory_space<hbm>> -> memref<128xi32, #tpu.memory_space<hbm>>
        tpu.enqueue_dma source(%dma_start3A_205 : memref<128xi32, #tpu.memory_space<hbm>>) target(%arg8 : memref<128xi32, #tpu.memory_space<vmem>>) target_semaphore(%run_scoped3A : memref<!tpu.dma_semaphore, #tpu.memory_space<semaphore_mem>>)
        %dma_wait3A_206 = tpu.memref_slice %arg5[%multiple_of3A] : memref<331776xi32, #tpu.memory_space<hbm>> -> memref<128xi32, #tpu.memory_space<hbm>>
        %dma_wait3A_207 = tpu.memref_slice %arg5[%multiple_of3A] : memref<331776xi32, #tpu.memory_space<hbm>> -> memref<128xi32, #tpu.memory_space<hbm>>
        tpu.wait_dma2 semaphore(%run_scoped3A : memref<!tpu.dma_semaphore, #tpu.memory_space<semaphore_mem>>) src(%dma_wait3A_207 : memref<128xi32, #tpu.memory_space<hbm>>) dst(%arg8 : memref<128xi32, #tpu.memory_space<vmem>>)
        tpu.yield
      }) : () -> ()
      %dma_start3A = arith.constant 0 : i32
      %dma_start3A_62 = arith.constant 0 : i32
      %dma_start3A_63 = tpu.memref_slice %arg2[%dma_start3A, %dma_start3A_62] : memref<10240x128xf32, #tpu.memory_space<hbm>> -> memref<10240x128xf32, #tpu.memory_space<hbm>>
      tpu.enqueue_indirect_dma source(%dma_start3A_63 : memref<10240x128xf32, #tpu.memory_space<hbm>>) target(%arg10 : memref<128x128xf32, #tpu.memory_space<vmem>>) offsets(%arg7 : memref<128xi32, #tpu.memory_space<vmem>>) semaphore(%arg17 : memref<!tpu.dma_semaphore, #tpu.memory_space<semaphore_mem>>)
      %dma_start3A_64 = arith.constant 0 : i32
      %dma_start3A_65 = arith.constant 0 : i32
      %dma_start3A_66 = tpu.memref_slice %arg2[%dma_start3A_64, %dma_start3A_65] : memref<10240x128xf32, #tpu.memory_space<hbm>> -> memref<10240x128xf32, #tpu.memory_space<hbm>>
      tpu.enqueue_indirect_dma source(%dma_start3A_66 : memref<10240x128xf32, #tpu.memory_space<hbm>>) target(%arg11 : memref<128x128xf32, #tpu.memory_space<vmem>>) offsets(%arg8 : memref<128xi32, #tpu.memory_space<vmem>>) semaphore(%arg18 : memref<!tpu.dma_semaphore, #tpu.memory_space<semaphore_mem>>)
      %get3A = arith.constant 0 : index
      %get3A_67 = tpu.vector_load %arg8[%get3A] {strides = array<i32>} : memref<128xi32, #tpu.memory_space<vmem>>, vector<16xi32>,
      %sub3A = vector.broadcast %mul3A_43 : i32 to vector<16xi32>
      %sub3A_68 = arith.subi %get3A_67, %sub3A : vector<16xi32>
      %ge3A = arith.constant 0 : i32
      %ge3A_69 = vector.broadcast %ge3A : i32 to vector<16xi32>
      %ge3A_70 = arith.cmpi sge, %sub3A_68, %ge3A_69 : vector<16xi32>
      %lt3A = arith.constant 5120 : i32
      %lt3A_71 = vector.broadcast %lt3A : i32 to vector<16xi32>
      %lt3A_72 = arith.cmpi slt, %sub3A_68, %lt3A_71 : vector<16xi32>
      %and3A = arith.andi %ge3A_70, %lt3A_72 : vector<16xi1>
      %jit3A = arith.constant 5120 : i32
      %broadcast_in_dim3A_73 = vector.broadcast %jit3A : i32 to vector<16xi32>
      %select_n3A = arith.select %and3A, %sub3A_68, %broadcast_in_dim3A_73 : vector<16xi1>, vector<16xi32>
      %swap3A = arith.constant 0 : index
      %swap3A_74 = tpu.vector_load %arg9[%swap3A] {strides = array<i32>} : memref<128xi32, #tpu.memory_space<vmem>>, vector<16xi32>,
      tpu.vector_store %arg9[%swap3A], %select_n3A {strides = array<i32>} : memref<128xi32, #tpu.memory_space<vmem>>, vector<16xi32>,
      %get3A_75 = arith.constant 16 : index
      %get3A_76 = tpu.vector_load %arg8[%get3A_75] {strides = array<i32>} : memref<128xi32, #tpu.memory_space<vmem>>, vector<16xi32>,
      %sub3A_77 = vector.broadcast %mul3A_43 : i32 to vector<16xi32>
      %sub3A_78 = arith.subi %get3A_76, %sub3A_77 : vector<16xi32>
      %ge3A_79 = arith.constant 0 : i32
      %ge3A_80 = vector.broadcast %ge3A_79 : i32 to vector<16xi32>
      %ge3A_81 = arith.cmpi sge, %sub3A_78, %ge3A_80 : vector<16xi32>
      %lt3A_82 = arith.constant 5120 : i32
      %lt3A_83 = vector.broadcast %lt3A_82 : i32 to vector<16xi32>
      %lt3A_84 = arith.cmpi slt, %sub3A_78, %lt3A_83 : vector<16xi32>
      %and3A_85 = arith.andi %ge3A_81, %lt3A_84 : vector<16xi1>
      %jit3A_86 = arith.constant 5120 : i32
      %broadcast_in_dim3A_87 = vector.broadcast %jit3A_86 : i32 to vector<16xi32>
      %select_n3A_88 = arith.select %and3A_85, %sub3A_78, %broadcast_in_dim3A_87 : vector<16xi1>, vector<16xi32>
      %swap3A_89 = arith.constant 16 : index
      %swap3A_90 = tpu.vector_load %arg9[%swap3A_89] {strides = array<i32>} : memref<128xi32, #tpu.memory_space<vmem>>, vector<16xi32>,
      tpu.vector_store %arg9[%swap3A_89], %select_n3A_88 {strides = array<i32>} : memref<128xi32, #tpu.memory_space<vmem>>, vector<16xi32>,
      %get3A_91 = arith.constant 32 : index
      %get3A_92 = tpu.vector_load %arg8[%get3A_91] {strides = array<i32>} : memref<128xi32, #tpu.memory_space<vmem>>, vector<16xi32>,
      %sub3A_93 = vector.broadcast %mul3A_43 : i32 to vector<16xi32>
      %sub3A_94 = arith.subi %get3A_92, %sub3A_93 : vector<16xi32>
      %ge3A_95 = arith.constant 0 : i32
      %ge3A_96 = vector.broadcast %ge3A_95 : i32 to vector<16xi32>
      %ge3A_97 = arith.cmpi sge, %sub3A_94, %ge3A_96 : vector<16xi32>
      %lt3A_98 = arith.constant 5120 : i32
      %lt3A_99 = vector.broadcast %lt3A_98 : i32 to vector<16xi32>
      %lt3A_100 = arith.cmpi slt, %sub3A_94, %lt3A_99 : vector<16xi32>
      %and3A_101 = arith.andi %ge3A_97, %lt3A_100 : vector<16xi1>
      %jit3A_102 = arith.constant 5120 : i32
      %broadcast_in_dim3A_103 = vector.broadcast %jit3A_102 : i32 to vector<16xi32>
      %select_n3A_104 = arith.select %and3A_101, %sub3A_94, %broadcast_in_dim3A_103 : vector<16xi1>, vector<16xi32>
      %swap3A_105 = arith.constant 32 : index
      %swap3A_106 = tpu.vector_load %arg9[%swap3A_105] {strides = array<i32>} : memref<128xi32, #tpu.memory_space<vmem>>, vector<16xi32>,
      tpu.vector_store %arg9[%swap3A_105], %select_n3A_104 {strides = array<i32>} : memref<128xi32, #tpu.memory_space<vmem>>, vector<16xi32>,
      %get3A_107 = arith.constant 48 : index
      %get3A_108 = tpu.vector_load %arg8[%get3A_107] {strides = array<i32>} : memref<128xi32, #tpu.memory_space<vmem>>, vector<16xi32>,
      %sub3A_109 = vector.broadcast %mul3A_43 : i32 to vector<16xi32>
      %sub3A_110 = arith.subi %get3A_108, %sub3A_109 : vector<16xi32>
      %ge3A_111 = arith.constant 0 : i32
      %ge3A_112 = vector.broadcast %ge3A_111 : i32 to vector<16xi32>
      %ge3A_113 = arith.cmpi sge, %sub3A_110, %ge3A_112 : vector<16xi32>
      %lt3A_114 = arith.constant 5120 : i32
      %lt3A_115 = vector.broadcast %lt3A_114 : i32 to vector<16xi32>
      %lt3A_116 = arith.cmpi slt, %sub3A_110, %lt3A_115 : vector<16xi32>
      %and3A_117 = arith.andi %ge3A_113, %lt3A_116 : vector<16xi1>
      %jit3A_118 = arith.constant 5120 : i32
      %broadcast_in_dim3A_119 = vector.broadcast %jit3A_118 : i32 to vector<16xi32>
      %select_n3A_120 = arith.select %and3A_117, %sub3A_110, %broadcast_in_dim3A_119 : vector<16xi1>, vector<16xi32>
      %swap3A_121 = arith.constant 48 : index
      %swap3A_122 = tpu.vector_load %arg9[%swap3A_121] {strides = array<i32>} : memref<128xi32, #tpu.memory_space<vmem>>, vector<16xi32>,
      tpu.vector_store %arg9[%swap3A_121], %select_n3A_120 {strides = array<i32>} : memref<128xi32, #tpu.memory_space<vmem>>, vector<16xi32>,
      %get3A_123 = arith.constant 64 : index
      %get3A_124 = tpu.vector_load %arg8[%get3A_123] {strides = array<i32>} : memref<128xi32, #tpu.memory_space<vmem>>, vector<16xi32>,
      %sub3A_125 = vector.broadcast %mul3A_43 : i32 to vector<16xi32>
      %sub3A_126 = arith.subi %get3A_124, %sub3A_125 : vector<16xi32>
      %ge3A_127 = arith.constant 0 : i32
      %ge3A_128 = vector.broadcast %ge3A_127 : i32 to vector<16xi32>
      %ge3A_129 = arith.cmpi sge, %sub3A_126, %ge3A_128 : vector<16xi32>
      %lt3A_130 = arith.constant 5120 : i32
      %lt3A_131 = vector.broadcast %lt3A_130 : i32 to vector<16xi32>
      %lt3A_132 = arith.cmpi slt, %sub3A_126, %lt3A_131 : vector<16xi32>
      %and3A_133 = arith.andi %ge3A_129, %lt3A_132 : vector<16xi1>
      %jit3A_134 = arith.constant 5120 : i32
      %broadcast_in_dim3A_135 = vector.broadcast %jit3A_134 : i32 to vector<16xi32>
      %select_n3A_136 = arith.select %and3A_133, %sub3A_126, %broadcast_in_dim3A_135 : vector<16xi1>, vector<16xi32>
      %swap3A_137 = arith.constant 64 : index
      %swap3A_138 = tpu.vector_load %arg9[%swap3A_137] {strides = array<i32>} : memref<128xi32, #tpu.memory_space<vmem>>, vector<16xi32>,
      tpu.vector_store %arg9[%swap3A_137], %select_n3A_136 {strides = array<i32>} : memref<128xi32, #tpu.memory_space<vmem>>, vector<16xi32>,
      %get3A_139 = arith.constant 80 : index
      %get3A_140 = tpu.vector_load %arg8[%get3A_139] {strides = array<i32>} : memref<128xi32, #tpu.memory_space<vmem>>, vector<16xi32>,
      %sub3A_141 = vector.broadcast %mul3A_43 : i32 to vector<16xi32>
      %sub3A_142 = arith.subi %get3A_140, %sub3A_141 : vector<16xi32>
      %ge3A_143 = arith.constant 0 : i32
      %ge3A_144 = vector.broadcast %ge3A_143 : i32 to vector<16xi32>
      %ge3A_145 = arith.cmpi sge, %sub3A_142, %ge3A_144 : vector<16xi32>
      %lt3A_146 = arith.constant 5120 : i32
      %lt3A_147 = vector.broadcast %lt3A_146 : i32 to vector<16xi32>
      %lt3A_148 = arith.cmpi slt, %sub3A_142, %lt3A_147 : vector<16xi32>
      %and3A_149 = arith.andi %ge3A_145, %lt3A_148 : vector<16xi1>
      %jit3A_150 = arith.constant 5120 : i32
      %broadcast_in_dim3A_151 = vector.broadcast %jit3A_150 : i32 to vector<16xi32>
      %select_n3A_152 = arith.select %and3A_149, %sub3A_142, %broadcast_in_dim3A_151 : vector<16xi1>, vector<16xi32>
      %swap3A_153 = arith.constant 80 : index
      %swap3A_154 = tpu.vector_load %arg9[%swap3A_153] {strides = array<i32>} : memref<128xi32, #tpu.memory_space<vmem>>, vector<16xi32>,
      tpu.vector_store %arg9[%swap3A_153], %select_n3A_152 {strides = array<i32>} : memref<128xi32, #tpu.memory_space<vmem>>, vector<16xi32>,
      %get3A_155 = arith.constant 96 : index
      %get3A_156 = tpu.vector_load %arg8[%get3A_155] {strides = array<i32>} : memref<128xi32, #tpu.memory_space<vmem>>, vector<16xi32>,
      %sub3A_157 = vector.broadcast %mul3A_43 : i32 to vector<16xi32>
      %sub3A_158 = arith.subi %get3A_156, %sub3A_157 : vector<16xi32>
      %ge3A_159 = arith.constant 0 : i32
      %ge3A_160 = vector.broadcast %ge3A_159 : i32 to vector<16xi32>
      %ge3A_161 = arith.cmpi sge, %sub3A_158, %ge3A_160 : vector<16xi32>
      %lt3A_162 = arith.constant 5120 : i32
      %lt3A_163 = vector.broadcast %lt3A_162 : i32 to vector<16xi32>
      %lt3A_164 = arith.cmpi slt, %sub3A_158, %lt3A_163 : vector<16xi32>
      %and3A_165 = arith.andi %ge3A_161, %lt3A_164 : vector<16xi1>
      %jit3A_166 = arith.constant 5120 : i32
      %broadcast_in_dim3A_167 = vector.broadcast %jit3A_166 : i32 to vector<16xi32>
      %select_n3A_168 = arith.select %and3A_165, %sub3A_158, %broadcast_in_dim3A_167 : vector<16xi1>, vector<16xi32>
      %swap3A_169 = arith.constant 96 : index
      %swap3A_170 = tpu.vector_load %arg9[%swap3A_169] {strides = array<i32>} : memref<128xi32, #tpu.memory_space<vmem>>, vector<16xi32>,
      tpu.vector_store %arg9[%swap3A_169], %select_n3A_168 {strides = array<i32>} : memref<128xi32, #tpu.memory_space<vmem>>, vector<16xi32>,
      %get3A_171 = arith.constant 112 : index
      %get3A_172 = tpu.vector_load %arg8[%get3A_171] {strides = array<i32>} : memref<128xi32, #tpu.memory_space<vmem>>, vector<16xi32>,
      %sub3A_173 = vector.broadcast %mul3A_43 : i32 to vector<16xi32>
      %sub3A_174 = arith.subi %get3A_172, %sub3A_173 : vector<16xi32>
      %ge3A_175 = arith.constant 0 : i32
      %ge3A_176 = vector.broadcast %ge3A_175 : i32 to vector<16xi32>
      %ge3A_177 = arith.cmpi sge, %sub3A_174, %ge3A_176 : vector<16xi32>
      %lt3A_178 = arith.constant 5120 : i32
      %lt3A_179 = vector.broadcast %lt3A_178 : i32 to vector<16xi32>
      %lt3A_180 = arith.cmpi slt, %sub3A_174, %lt3A_179 : vector<16xi32>
      %and3A_181 = arith.andi %ge3A_177, %lt3A_180 : vector<16xi1>
      %jit3A_182 = arith.constant 5120 : i32
      %broadcast_in_dim3A_183 = vector.broadcast %jit3A_182 : i32 to vector<16xi32>
      %select_n3A_184 = arith.select %and3A_181, %sub3A_174, %broadcast_in_dim3A_183 : vector<16xi1>, vector<16xi32>
      %swap3A_185 = arith.constant 112 : index
      %swap3A_186 = tpu.vector_load %arg9[%swap3A_185] {strides = array<i32>} : memref<128xi32, #tpu.memory_space<vmem>>, vector<16xi32>,
      tpu.vector_store %arg9[%swap3A_185], %select_n3A_184 {strides = array<i32>} : memref<128xi32, #tpu.memory_space<vmem>>, vector<16xi32>,
      %dma_wait3A = arith.constant 0 : i32
      %dma_wait3A_187 = arith.constant 0 : i32
      %dma_wait3A_188 = tpu.memref_slice %arg2[%dma_wait3A, %dma_wait3A_187] : memref<10240x128xf32, #tpu.memory_space<hbm>> -> memref<10240x128xf32, #tpu.memory_space<hbm>>
      tpu.wait_indirect_dma semaphore(%arg17 : memref<!tpu.dma_semaphore, #tpu.memory_space<semaphore_mem>>) src(%dma_wait3A_188 : memref<10240x128xf32, #tpu.memory_space<hbm>>) dst(%arg10 : memref<128x128xf32, #tpu.memory_space<vmem>>)
      %dma_wait3A_189 = arith.constant 0 : i32
      %dma_wait3A_190 = arith.constant 0 : i32
      %dma_wait3A_191 = tpu.memref_slice %arg2[%dma_wait3A_189, %dma_wait3A_190] : memref<10240x128xf32, #tpu.memory_space<hbm>> -> memref<10240x128xf32, #tpu.memory_space<hbm>>
      tpu.wait_indirect_dma semaphore(%arg18 : memref<!tpu.dma_semaphore, #tpu.memory_space<semaphore_mem>>) src(%dma_wait3A_191 : memref<10240x128xf32, #tpu.memory_space<hbm>>) dst(%arg11 : memref<128x128xf32, #tpu.memory_space<vmem>>)
      %scan3A_192 = arith.constant 0 : i32
      %scan3A_193 = arith.constant 0 : i32
      %scan3A_194 = arith.constant 48 : i32
      %scan3A_195 = arith.addi %scan3A_193, %scan3A_194 : i32
      %scan3A_196 = arith.constant 1 : i32
      scf.for %scan3A_204 = %scan3A_193 to %scan3A_195 step %scan3A_196  : i32 {
        %mul3A_205 = arith.constant 16 : i32
        %mul3A_206 = arith.muli %mul3A_205, %scan3A_204 : i32
        %add3A_207 = vector.broadcast %mul3A_206 : i32 to vector<16xi32>
        %add3A_208 = arith.addi %iota3A, %add3A_207 : vector<16xi32>
        %jit3A_209 = arith.constant 6 : i32
        %div3A = vector.broadcast %jit3A_209 : i32 to vector<16xi32>
        %div3A_210 = arith.divsi %add3A_208, %div3A : vector<16xi32>
        %sign3A = arith.constant 0 : i32
        %sign3A_211 = vector.broadcast %sign3A : i32 to vector<16xi32>
        %sign3A_212 = arith.cmpi sgt, %add3A_208, %sign3A_211 : vector<16xi32>
        %sign3A_213 = arith.extui %sign3A_212 : vector<16xi1> to vector<16xi32>
        %sign3A_214 = arith.constant 0 : i32
        %sign3A_215 = vector.broadcast %sign3A_214 : i32 to vector<16xi32>
        %sign3A_216 = arith.cmpi slt, %add3A_208, %sign3A_215 : vector<16xi32>
        %sign3A_217 = arith.extui %sign3A_216 : vector<16xi1> to vector<16xi32>
        %sign3A_218 = arith.subi %sign3A_213, %sign3A_217 : vector<16xi32>
        %sign3A_219 = arith.constant 0 : i32
        %sign3A_220 = arith.cmpi sgt, %jit3A_209, %sign3A_219 : i32
        %sign3A_221 = arith.extui %sign3A_220 : i1 to i32
        %sign3A_222 = arith.constant 0 : i32
        %sign3A_223 = arith.cmpi slt, %jit3A_209, %sign3A_222 : i32
        %sign3A_224 = arith.extui %sign3A_223 : i1 to i32
        %sign3A_225 = arith.subi %sign3A_221, %sign3A_224 : i32
        %ne3A = vector.broadcast %sign3A_225 : i32 to vector<16xi32>
        %ne3A_226 = arith.cmpi ne, %sign3A_218, %ne3A : vector<16xi32>
        %rem3A = vector.broadcast %jit3A_209 : i32 to vector<16xi32>
        %rem3A_227 = arith.remsi %add3A_208, %rem3A : vector<16xi32>
        %ne3A_228 = arith.constant 0 : i32
        %ne3A_229 = vector.broadcast %ne3A_228 : i32 to vector<16xi32>
        %ne3A_230 = arith.cmpi ne, %rem3A_227, %ne3A_229 : vector<16xi32>
        %and3A_231 = arith.andi %ne3A_226, %ne3A_230 : vector<16xi1>
        %sub3A_232 = arith.constant 1 : i32
        %sub3A_233 = vector.broadcast %sub3A_232 : i32 to vector<16xi32>
        %sub3A_234 = arith.subi %div3A_210, %sub3A_233 : vector<16xi32>
        %select_n3A_235 = arith.select %and3A_231, %sub3A_234, %div3A_210 : vector<16xi1>, vector<16xi32>
        %jit3A_236 = arith.constant 6 : i32
        %eq3A = arith.constant 0 : i32
        %eq3A_237 = arith.cmpi eq, %jit3A_236, %eq3A : i32
        %jit3A_238 = arith.constant 1 : i32
        %select_n3A_239 = arith.select %eq3A_237, %jit3A_238, %jit3A_236 : i32
        %rem3A_240 = vector.broadcast %select_n3A_239 : i32 to vector<16xi32>
        %rem3A_241 = arith.remsi %add3A_208, %rem3A_240 : vector<16xi32>
        %ne3A_242 = arith.constant 0 : i32
        %ne3A_243 = vector.broadcast %ne3A_242 : i32 to vector<16xi32>
        %ne3A_244 = arith.cmpi ne, %rem3A_241, %ne3A_243 : vector<16xi32>
        %lt3A_245 = arith.constant 0 : i32
        %lt3A_246 = vector.broadcast %lt3A_245 : i32 to vector<16xi32>
        %lt3A_247 = arith.cmpi slt, %rem3A_241, %lt3A_246 : vector<16xi32>
        %lt3A_248 = arith.constant 0 : i32
        %lt3A_249 = arith.cmpi slt, %select_n3A_239, %lt3A_248 : i32
        %ne3A_250 = vector.broadcast %lt3A_249 : i1 to vector<16xi1>
        %ne3A_251 = vector.broadcast %ne3A_250 : vector<16xi1> to vector<16xi1>
        %ne3A_252 = arith.xori %lt3A_247, %ne3A_251 : vector<16xi1>
        %and3A_253 = arith.andi %ne3A_252, %ne3A_244 : vector<16xi1>
        %add3A_254 = vector.broadcast %select_n3A_239 : i32 to vector<16xi32>
        %add3A_255 = arith.addi %rem3A_241, %add3A_254 : vector<16xi32>
        %select_n3A_256 = arith.select %and3A_253, %add3A_255, %rem3A_241 : vector<16xi1>, vector<16xi32>
        %add3A_257 = arith.constant 96 : i32
        %add3A_258 = vector.broadcast %add3A_257 : i32 to vector<16xi32>
        %add3A_259 = arith.addi %select_n3A_256, %add3A_258 : vector<16xi32>
        %gather3A = tpu.vector_load_idx %arg10[%select_n3A_235, %add3A_259] : memref<128x128xf32, #tpu.memory_space<vmem>>[vector<16xi32>, vector<16xi32>], vector<16xf32>,
        %add3A_260 = arith.constant 96 : i32
        %add3A_261 = vector.broadcast %add3A_260 : i32 to vector<16xi32>
        %add3A_262 = arith.addi %select_n3A_256, %add3A_261 : vector<16xi32>
        %add3A_263 = arith.constant 6 : i32
        %add3A_264 = vector.broadcast %add3A_263 : i32 to vector<16xi32>
        %add3A_265 = arith.addi %add3A_262, %add3A_264 : vector<16xi32>
        %gather3A_266 = tpu.vector_load_idx %arg11[%select_n3A_235, %add3A_265] : memref<128x128xf32, #tpu.memory_space<vmem>>[vector<16xi32>, vector<16xi32>], vector<16xf32>,
        %jit3A_267 = arith.constant 3 : i32
        %eq3A_268 = arith.constant 0 : i32
        %eq3A_269 = arith.cmpi eq, %jit3A_267, %eq3A_268 : i32
        %jit3A_270 = arith.constant 1 : i32
        %select_n3A_271 = arith.select %eq3A_269, %jit3A_270, %jit3A_267 : i32
        %rem3A_272 = arith.remsi %scan3A_204, %select_n3A_271 : i32
        %ne3A_273 = arith.constant 0 : i32
        %ne3A_274 = arith.cmpi ne, %rem3A_272, %ne3A_273 : i32
        %lt3A_275 = arith.constant 0 : i32
        %lt3A_276 = arith.cmpi slt, %rem3A_272, %lt3A_275 : i32
        %lt3A_277 = arith.constant 0 : i32
        %lt3A_278 = arith.cmpi slt, %select_n3A_271, %lt3A_277 : i32
        %ne3A_279 = arith.xori %lt3A_276, %lt3A_278 : i1
        %and3A_280 = arith.andi %ne3A_279, %ne3A_274 : i1
        %add3A_281 = arith.addi %rem3A_272, %select_n3A_271 : i32
        %select_n3A_282 = arith.select %and3A_280, %add3A_281, %rem3A_272 : i32
        %mul3A_283 = arith.constant 16 : i32
        %mul3A_284 = arith.muli %mul3A_283, %select_n3A_282 : i32
        %get3A_285 = arith.index_cast %mul3A_284 : i32 to index
        %get3A_286 = tpu.vector_load %arg14[%get3A_285] {strides = array<i32>} : memref<48xf32, #tpu.memory_space<vmem>>, vector<16xf32>,
        %add3A_287 = arith.addf %gather3A, %gather3A_266 : vector<16xf32>
        %mul3A_288 = arith.constant 2.000000e-01 : f32
        %mul3A_289 = vector.broadcast %mul3A_288 : f32 to vector<16xf32>
        %mul3A_290 = arith.mulf %mul3A_289, %add3A_287 : vector<16xf32>
        %max3A = arith.maximumf %add3A_287, %mul3A_290 : vector<16xf32>
        %add3A_291 = arith.addf %get3A_286, %gather3A_266 : vector<16xf32>
        %max3A_292 = arith.constant 0.000000e+00 : f32
        %max3A_293 = vector.broadcast %max3A_292 : f32 to vector<16xf32>
        %max3A_294 = arith.maximumf %add3A_291, %max3A_293 : vector<16xf32>
        %sub3A_295 = arith.subf %max3A, %max3A_294 : vector<16xf32>
        %exp3A = math.exp %sub3A_295 : vector<16xf32>
        %mul3A_296 = arith.constant 16 : i32
        %mul3A_297 = arith.muli %mul3A_296, %scan3A_204 : i32
        %swap3A_298 = arith.index_cast %mul3A_297 : i32 to index
        %swap3A_299 = tpu.vector_load %arg13[%swap3A_298] {strides = array<i32>} : memref<768xf32, #tpu.memory_space<vmem>>, vector<16xf32>,
        tpu.vector_store %arg13[%swap3A_298], %exp3A {strides = array<i32>} : memref<768xf32, #tpu.memory_space<vmem>>, vector<16xf32>,
        %add3A_300 = arith.constant 96 : i32
        %add3A_301 = vector.broadcast %add3A_300 : i32 to vector<16xi32>
        %add3A_302 = arith.addi %select_n3A_256, %add3A_301 : vector<16xi32>
        tpu.vector_store_idx %arg12[%select_n3A_235, %add3A_302], %exp3A : memref<128x128xf32, #tpu.memory_space<vmem>>[vector<16xi32>, vector<16xi32>], vector<16xf32>,
      }
      %scan3A_197 = arith.constant 48 : i32
      %scan3A_198 = arith.constant 0 : i32
      %scan3A_199 = arith.constant 0 : i32
      %scan3A_200 = arith.constant 128 : i32
      %scan3A_201 = arith.addi %scan3A_199, %scan3A_200 : i32
      %scan3A_202 = arith.constant 1 : i32
      scf.for %scan3A_204 = %scan3A_199 to %scan3A_201 step %scan3A_202  : i32 {
        %mul3A_205 = arith.constant 6 : i32
        %mul3A_206 = arith.muli %scan3A_204, %mul3A_205 : i32
        %add3A_207 = arith.constant 0 : i32
        %add3A_208 = arith.addi %mul3A_206, %add3A_207 : i32
        %broadcast_in_dim3A_209 = vector.broadcast %add3A_208 : i32 to vector<16xi32>
        %gather3A = tpu.vector_load_idx %arg13[%broadcast_in_dim3A_209] : memref<768xf32, #tpu.memory_space<vmem>>[vector<16xi32>], vector<16xf32>,
        %get3A_210 = arith.index_cast %scan3A_204 : i32 to index
        %get3A_211 = arith.constant 0 : index
        %get3A_212 = tpu.vector_load %arg10[%get3A_210, %get3A_211] {strides = array<i32>} : memref<128x128xf32, #tpu.memory_space<vmem>>, vector<16xf32>,
        %mul3A_213 = arith.mulf %get3A_212, %gather3A : vector<16xf32>
        %swap3A_214 = arith.index_cast %scan3A_204 : i32 to index
        %swap3A_215 = arith.constant 0 : index
        %swap3A_216 = tpu.vector_load %arg12[%swap3A_214, %swap3A_215] {strides = array<i32>} : memref<128x128xf32, #tpu.memory_space<vmem>>, vector<16xf32>,
        tpu.vector_store %arg12[%swap3A_214, %swap3A_215], %mul3A_213 {strides = array<i32>} : memref<128x128xf32, #tpu.memory_space<vmem>>, vector<16xf32>,
        %mul3A_217 = arith.constant 6 : i32
        %mul3A_218 = arith.muli %scan3A_204, %mul3A_217 : i32
        %add3A_219 = arith.constant 1 : i32
        %add3A_220 = arith.addi %mul3A_218, %add3A_219 : i32
        %broadcast_in_dim3A_221 = vector.broadcast %add3A_220 : i32 to vector<16xi32>
        %gather3A_222 = tpu.vector_load_idx %arg13[%broadcast_in_dim3A_221] : memref<768xf32, #tpu.memory_space<vmem>>[vector<16xi32>], vector<16xf32>,
        %get3A_223 = arith.index_cast %scan3A_204 : i32 to index
        %get3A_224 = arith.constant 16 : index
        %get3A_225 = tpu.vector_load %arg10[%get3A_223, %get3A_224] {strides = array<i32>} : memref<128x128xf32, #tpu.memory_space<vmem>>, vector<16xf32>,
        %mul3A_226 = arith.mulf %get3A_225, %gather3A_222 : vector<16xf32>
        %swap3A_227 = arith.index_cast %scan3A_204 : i32 to index
        %swap3A_228 = arith.constant 16 : index
        %swap3A_229 = tpu.vector_load %arg12[%swap3A_227, %swap3A_228] {strides = array<i32>} : memref<128x128xf32, #tpu.memory_space<vmem>>, vector<16xf32>,
        tpu.vector_store %arg12[%swap3A_227, %swap3A_228], %mul3A_226 {strides = array<i32>} : memref<128x128xf32, #tpu.memory_space<vmem>>, vector<16xf32>,
        %mul3A_230 = arith.constant 6 : i32
        %mul3A_231 = arith.muli %scan3A_204, %mul3A_230 : i32
        %add3A_232 = arith.constant 2 : i32
        %add3A_233 = arith.addi %mul3A_231, %add3A_232 : i32
        %broadcast_in_dim3A_234 = vector.broadcast %add3A_233 : i32 to vector<16xi32>
        %gather3A_235 = tpu.vector_load_idx %arg13[%broadcast_in_dim3A_234] : memref<768xf32, #tpu.memory_space<vmem>>[vector<16xi32>], vector<16xf32>,
        %get3A_236 = arith.index_cast %scan3A_204 : i32 to index
        %get3A_237 = arith.constant 32 : index
        %get3A_238 = tpu.vector_load %arg10[%get3A_236, %get3A_237] {strides = array<i32>} : memref<128x128xf32, #tpu.memory_space<vmem>>, vector<16xf32>,
        %mul3A_239 = arith.mulf %get3A_238, %gather3A_235 : vector<16xf32>
        %swap3A_240 = arith.index_cast %scan3A_204 : i32 to index
        %swap3A_241 = arith.constant 32 : index
        %swap3A_242 = tpu.vector_load %arg12[%swap3A_240, %swap3A_241] {strides = array<i32>} : memref<128x128xf32, #tpu.memory_space<vmem>>, vector<16xf32>,
        tpu.vector_store %arg12[%swap3A_240, %swap3A_241], %mul3A_239 {strides = array<i32>} : memref<128x128xf32, #tpu.memory_space<vmem>>, vector<16xf32>,
        %mul3A_243 = arith.constant 6 : i32
        %mul3A_244 = arith.muli %scan3A_204, %mul3A_243 : i32
        %add3A_245 = arith.constant 3 : i32
        %add3A_246 = arith.addi %mul3A_244, %add3A_245 : i32
        %broadcast_in_dim3A_247 = vector.broadcast %add3A_246 : i32 to vector<16xi32>
        %gather3A_248 = tpu.vector_load_idx %arg13[%broadcast_in_dim3A_247] : memref<768xf32, #tpu.memory_space<vmem>>[vector<16xi32>], vector<16xf32>,
        %get3A_249 = arith.index_cast %scan3A_204 : i32 to index
        %get3A_250 = arith.constant 48 : index
        %get3A_251 = tpu.vector_load %arg10[%get3A_249, %get3A_250] {strides = array<i32>} : memref<128x128xf32, #tpu.memory_space<vmem>>, vector<16xf32>,
        %mul3A_252 = arith.mulf %get3A_251, %gather3A_248 : vector<16xf32>
        %swap3A_253 = arith.index_cast %scan3A_204 : i32 to index
        %swap3A_254 = arith.constant 48 : index
        %swap3A_255 = tpu.vector_load %arg12[%swap3A_253, %swap3A_254] {strides = array<i32>} : memref<128x128xf32, #tpu.memory_space<vmem>>, vector<16xf32>,
        tpu.vector_store %arg12[%swap3A_253, %swap3A_254], %mul3A_252 {strides = array<i32>} : memref<128x128xf32, #tpu.memory_space<vmem>>, vector<16xf32>,
        %mul3A_256 = arith.constant 6 : i32
        %mul3A_257 = arith.muli %scan3A_204, %mul3A_256 : i32
        %add3A_258 = arith.constant 4 : i32
        %add3A_259 = arith.addi %mul3A_257, %add3A_258 : i32
        %broadcast_in_dim3A_260 = vector.broadcast %add3A_259 : i32 to vector<16xi32>
        %gather3A_261 = tpu.vector_load_idx %arg13[%broadcast_in_dim3A_260] : memref<768xf32, #tpu.memory_space<vmem>>[vector<16xi32>], vector<16xf32>,
        %get3A_262 = arith.index_cast %scan3A_204 : i32 to index
        %get3A_263 = arith.constant 64 : index
        %get3A_264 = tpu.vector_load %arg10[%get3A_262, %get3A_263] {strides = array<i32>} : memref<128x128xf32, #tpu.memory_space<vmem>>, vector<16xf32>,
        %mul3A_265 = arith.mulf %get3A_264, %gather3A_261 : vector<16xf32>
        %swap3A_266 = arith.index_cast %scan3A_204 : i32 to index
        %swap3A_267 = arith.constant 64 : index
        %swap3A_268 = tpu.vector_load %arg12[%swap3A_266, %swap3A_267] {strides = array<i32>} : memref<128x128xf32, #tpu.memory_space<vmem>>, vector<16xf32>,
        tpu.vector_store %arg12[%swap3A_266, %swap3A_267], %mul3A_265 {strides = array<i32>} : memref<128x128xf32, #tpu.memory_space<vmem>>, vector<16xf32>,
        %mul3A_269 = arith.constant 6 : i32
        %mul3A_270 = arith.muli %scan3A_204, %mul3A_269 : i32
        %add3A_271 = arith.constant 5 : i32
        %add3A_272 = arith.addi %mul3A_270, %add3A_271 : i32
        %broadcast_in_dim3A_273 = vector.broadcast %add3A_272 : i32 to vector<16xi32>
        %gather3A_274 = tpu.vector_load_idx %arg13[%broadcast_in_dim3A_273] : memref<768xf32, #tpu.memory_space<vmem>>[vector<16xi32>], vector<16xf32>,
        %get3A_275 = arith.index_cast %scan3A_204 : i32 to index
        %get3A_276 = arith.constant 80 : index
        %get3A_277 = tpu.vector_load %arg10[%get3A_275, %get3A_276] {strides = array<i32>} : memref<128x128xf32, #tpu.memory_space<vmem>>, vector<16xf32>,
        %mul3A_278 = arith.mulf %get3A_277, %gather3A_274 : vector<16xf32>
        %swap3A_279 = arith.index_cast %scan3A_204 : i32 to index
        %swap3A_280 = arith.constant 80 : index
        %swap3A_281 = tpu.vector_load %arg12[%swap3A_279, %swap3A_280] {strides = array<i32>} : memref<128x128xf32, #tpu.memory_space<vmem>>, vector<16xf32>,
        tpu.vector_store %arg12[%swap3A_279, %swap3A_280], %mul3A_278 {strides = array<i32>} : memref<128x128xf32, #tpu.memory_space<vmem>>, vector<16xf32>,
      }
      %scan3A_203 = arith.constant 128 : i32
      "tpu.region"() ({
        %run_scoped3A = tpu.sem_alloc : memref<!tpu.dma_semaphore, #tpu.memory_space<semaphore_mem>>
        %dma_start3A_204 = arith.constant 0 : i32
        %dma_start3A_205 = arith.constant 0 : i32
        %dma_start3A_206 = tpu.memref_slice %arg16[%dma_start3A_204, %dma_start3A_205] : memref<5760x128xf32, #tpu.memory_space<vmem_shared>> -> memref<5760x128xf32, #tpu.memory_space<vmem_shared>>
        tpu.enqueue_indirect_dma source(%arg12 : memref<128x128xf32, #tpu.memory_space<vmem>>) target(%dma_start3A_206 : memref<5760x128xf32, #tpu.memory_space<vmem_shared>>) offsets(%arg9 : memref<128xi32, #tpu.memory_space<vmem>>) semaphore(%run_scoped3A : memref<!tpu.dma_semaphore, #tpu.memory_space<semaphore_mem>>) {add = true}
        %dma_wait3A_207 = arith.constant 0 : i32
        %dma_wait3A_208 = arith.constant 0 : i32
        %dma_wait3A_209 = tpu.memref_slice %arg16[%dma_wait3A_207, %dma_wait3A_208] : memref<5760x128xf32, #tpu.memory_space<vmem_shared>> -> memref<5760x128xf32, #tpu.memory_space<vmem_shared>>
        tpu.wait_indirect_dma semaphore(%run_scoped3A : memref<!tpu.dma_semaphore, #tpu.memory_space<semaphore_mem>>) src(%arg12 : memref<128x128xf32, #tpu.memory_space<vmem>>) dst(%dma_wait3A_209 : memref<5760x128xf32, #tpu.memory_space<vmem_shared>>)
        tpu.yield
      }) : () -> ()
    }
    %scan3A_49 = arith.constant 162 : i32
    %barrier3A_50 = arith.constant 0 : index
    tpu.barrier barrier_id(%barrier3A_50)
    %mul3A_51 = arith.constant 320 : i32
    %mul3A_52 = arith.muli %arg1, %mul3A_51 : i32
    %mul3A_53 = arith.constant 5120 : i32
    %mul3A_54 = arith.muli %arg0, %mul3A_53 : i32
    %mul3A_55 = arith.constant 320 : i32
    %mul3A_56 = arith.muli %arg1, %mul3A_55 : i32
    %add3A_57 = arith.addi %mul3A_54, %mul3A_56 : i32
    "tpu.region"() ({
      %run_scoped3A = tpu.sem_alloc : memref<!tpu.dma_semaphore, #tpu.memory_space<semaphore_mem>>
      %dma_start3A = arith.constant 0 : i32
      %dma_start3A_58 = tpu.memref_slice %arg6[%add3A_57, %dma_start3A] : memref<10240x128xf32, #tpu.memory_space<hbm>> -> memref<320x128xf32, #tpu.memory_space<hbm>>
      %dma_start3A_59 = arith.constant 0 : i32
      %dma_start3A_60 = tpu.memref_slice %arg16[%mul3A_52, %dma_start3A_59] : memref<5760x128xf32, #tpu.memory_space<vmem_shared>> -> memref<320x128xf32, #tpu.memory_space<vmem_shared>>
      tpu.enqueue_dma source(%dma_start3A_60 : memref<320x128xf32, #tpu.memory_space<vmem_shared>>) target(%dma_start3A_58 : memref<320x128xf32, #tpu.memory_space<hbm>>) target_semaphore(%run_scoped3A : memref<!tpu.dma_semaphore, #tpu.memory_space<semaphore_mem>>)
      %dma_wait3A = arith.constant 0 : i32
      %dma_wait3A_61 = tpu.memref_slice %arg6[%add3A_57, %dma_wait3A] : memref<10240x128xf32, #tpu.memory_space<hbm>> -> memref<320x128xf32, #tpu.memory_space<hbm>>
      %dma_wait3A_62 = arith.constant 0 : i32
      %dma_wait3A_63 = tpu.memref_slice %arg16[%mul3A_52, %dma_wait3A_62] : memref<5760x128xf32, #tpu.memory_space<vmem_shared>> -> memref<320x128xf32, #tpu.memory_space<vmem_shared>>
      tpu.wait_dma2 semaphore(%run_scoped3A : memref<!tpu.dma_semaphore, #tpu.memory_space<semaphore_mem>>) src(%dma_wait3A_63 : memref<320x128xf32, #tpu.memory_space<vmem_shared>>) dst(%dma_wait3A_61 : memref<320x128xf32, #tpu.memory_space<hbm>>)
      tpu.yield
    }) : () -> ()
    return
  }
}

#map = affine_map<(d0, d1) -> (0, 0)>
#map1 = affine_map<(d0, d1) -> (0)>
module attributes {stable_mosaic.version = 14 : i64} {
  func.func @sc(%arg0: i32, %arg1: i32, %arg2: memref<10240x128xf32, #tpu.memory_space<hbm>>, %arg3: memref<16xf32, #tpu.memory_space<hbm>>, %arg4: memref<331776xi32, #tpu.memory_space<hbm>>, %arg5: memref<331776xi32, #tpu.memory_space<hbm>>, %arg6: memref<10240x128xf32, #tpu.memory_space<hbm>>, %arg7: memref<128xi32, #tpu.memory_space<vmem>>, %arg8: memref<128xi32, #tpu.memory_space<vmem>>, %arg9: memref<128xi32, #tpu.memory_space<vmem>>, %arg10: memref<128x128xf32, #tpu.memory_space<vmem>>, %arg11: memref<128x128xf32, #tpu.memory_space<vmem>>, %arg12: memref<128x128xf32, #tpu.memory_space<vmem>>, %arg13: memref<512xf32, #tpu.memory_space<vmem>>, %arg14: memref<16xf32, #tpu.memory_space<vmem>>, %arg15: memref<40x128xf32, #tpu.memory_space<vmem>>, %arg16: memref<5760x128xf32, #tpu.memory_space<vmem_shared>>, %arg17: memref<!tpu.dma_semaphore, #tpu.memory_space<semaphore_mem>>, %arg18: memref<!tpu.dma_semaphore, #tpu.memory_space<semaphore_mem>>) attributes {dimension_semantics = [#tpu.dimension_semantics<core_parallel>, #tpu.dimension_semantics<subcore_parallel>], iteration_bounds = array<i64: 2, 16>, scalar_prefetch = 0 : i64, scratch_operands = 12 : i64, tpu.core_type = #tpu.core_type<sc_vector_subcore>, window_params = [{transform_indices = #map}, {transform_indices = #map1}, {transform_indices = #map1}, {transform_indices = #map1}, {transform_indices = #map}]} {
    %broadcast_in_dim3A = arith.constant 0.000000e+00 : f32
    %broadcast_in_dim3A_0 = vector.broadcast %broadcast_in_dim3A : f32 to vector<16xf32>
    %scan3A = arith.constant 0 : i32
    %scan3A_1 = arith.constant 0 : i32
    %scan3A_2 = arith.constant 40 : i32
    %scan3A_3 = arith.addi %scan3A_1, %scan3A_2 : i32
    %scan3A_4 = arith.constant 1 : i32
    scf.for %scan3A_58 = %scan3A_1 to %scan3A_3 step %scan3A_4  : i32 {
      %swap3A = arith.index_cast %scan3A_58 : i32 to index
      %swap3A_59 = arith.constant 0 : index
      %swap3A_60 = tpu.vector_load %arg15[%swap3A, %swap3A_59] {strides = array<i32>} : memref<40x128xf32, #tpu.memory_space<vmem>>, vector<16xf32>,
      tpu.vector_store %arg15[%swap3A, %swap3A_59], %broadcast_in_dim3A_0 {strides = array<i32>} : memref<40x128xf32, #tpu.memory_space<vmem>>, vector<16xf32>,
      %swap3A_61 = arith.index_cast %scan3A_58 : i32 to index
      %swap3A_62 = arith.constant 16 : index
      %swap3A_63 = tpu.vector_load %arg15[%swap3A_61, %swap3A_62] {strides = array<i32>} : memref<40x128xf32, #tpu.memory_space<vmem>>, vector<16xf32>,
      tpu.vector_store %arg15[%swap3A_61, %swap3A_62], %broadcast_in_dim3A_0 {strides = array<i32>} : memref<40x128xf32, #tpu.memory_space<vmem>>, vector<16xf32>,
      %swap3A_64 = arith.index_cast %scan3A_58 : i32 to index
      %swap3A_65 = arith.constant 32 : index
      %swap3A_66 = tpu.vector_load %arg15[%swap3A_64, %swap3A_65] {strides = array<i32>} : memref<40x128xf32, #tpu.memory_space<vmem>>, vector<16xf32>,
      tpu.vector_store %arg15[%swap3A_64, %swap3A_65], %broadcast_in_dim3A_0 {strides = array<i32>} : memref<40x128xf32, #tpu.memory_space<vmem>>, vector<16xf32>,
      %swap3A_67 = arith.index_cast %scan3A_58 : i32 to index
      %swap3A_68 = arith.constant 48 : index
      %swap3A_69 = tpu.vector_load %arg15[%swap3A_67, %swap3A_68] {strides = array<i32>} : memref<40x128xf32, #tpu.memory_space<vmem>>, vector<16xf32>,
      tpu.vector_store %arg15[%swap3A_67, %swap3A_68], %broadcast_in_dim3A_0 {strides = array<i32>} : memref<40x128xf32, #tpu.memory_space<vmem>>, vector<16xf32>,
      %swap3A_70 = arith.index_cast %scan3A_58 : i32 to index
      %swap3A_71 = arith.constant 64 : index
      %swap3A_72 = tpu.vector_load %arg15[%swap3A_70, %swap3A_71] {strides = array<i32>} : memref<40x128xf32, #tpu.memory_space<vmem>>, vector<16xf32>,
      tpu.vector_store %arg15[%swap3A_70, %swap3A_71], %broadcast_in_dim3A_0 {strides = array<i32>} : memref<40x128xf32, #tpu.memory_space<vmem>>, vector<16xf32>,
      %swap3A_73 = arith.index_cast %scan3A_58 : i32 to index
      %swap3A_74 = arith.constant 80 : index
      %swap3A_75 = tpu.vector_load %arg15[%swap3A_73, %swap3A_74] {strides = array<i32>} : memref<40x128xf32, #tpu.memory_space<vmem>>, vector<16xf32>,
      tpu.vector_store %arg15[%swap3A_73, %swap3A_74], %broadcast_in_dim3A_0 {strides = array<i32>} : memref<40x128xf32, #tpu.memory_space<vmem>>, vector<16xf32>,
      %swap3A_76 = arith.index_cast %scan3A_58 : i32 to index
      %swap3A_77 = arith.constant 96 : index
      %swap3A_78 = tpu.vector_load %arg15[%swap3A_76, %swap3A_77] {strides = array<i32>} : memref<40x128xf32, #tpu.memory_space<vmem>>, vector<16xf32>,
      tpu.vector_store %arg15[%swap3A_76, %swap3A_77], %broadcast_in_dim3A_0 {strides = array<i32>} : memref<40x128xf32, #tpu.memory_space<vmem>>, vector<16xf32>,
      %swap3A_79 = arith.index_cast %scan3A_58 : i32 to index
      %swap3A_80 = arith.constant 112 : index
      %swap3A_81 = tpu.vector_load %arg15[%swap3A_79, %swap3A_80] {strides = array<i32>} : memref<40x128xf32, #tpu.memory_space<vmem>>, vector<16xf32>,
      tpu.vector_store %arg15[%swap3A_79, %swap3A_80], %broadcast_in_dim3A_0 {strides = array<i32>} : memref<40x128xf32, #tpu.memory_space<vmem>>, vector<16xf32>,
    }
    %scan3A_5 = arith.constant 40 : i32
    %mul3A = arith.constant 360 : i32
    %mul3A_6 = arith.muli %arg1, %mul3A : i32
    %add3A = arith.constant 0 : i32
    %add3A_7 = arith.addi %mul3A_6, %add3A : i32
    "tpu.region"() ({
      %run_scoped3A = tpu.sem_alloc : memref<!tpu.dma_semaphore, #tpu.memory_space<semaphore_mem>>
      %dma_start3A = arith.constant 0 : i32
      %dma_start3A_58 = tpu.memref_slice %arg16[%add3A_7, %dma_start3A] : memref<5760x128xf32, #tpu.memory_space<vmem_shared>> -> memref<40x128xf32, #tpu.memory_space<vmem_shared>>
      %dma_start3A_59 = arith.constant 0 : i32
      %dma_start3A_60 = tpu.memref_slice %arg16[%add3A_7, %dma_start3A_59] : memref<5760x128xf32, #tpu.memory_space<vmem_shared>> -> memref<40x128xf32, #tpu.memory_space<vmem_shared>>
      tpu.enqueue_dma source(%arg15 : memref<40x128xf32, #tpu.memory_space<vmem>>) target(%dma_start3A_60 : memref<40x128xf32, #tpu.memory_space<vmem_shared>>) target_semaphore(%run_scoped3A : memref<!tpu.dma_semaphore, #tpu.memory_space<semaphore_mem>>)
      %dma_wait3A = arith.constant 0 : i32
      %dma_wait3A_61 = tpu.memref_slice %arg16[%add3A_7, %dma_wait3A] : memref<5760x128xf32, #tpu.memory_space<vmem_shared>> -> memref<40x128xf32, #tpu.memory_space<vmem_shared>>
      %dma_wait3A_62 = arith.constant 0 : i32
      %dma_wait3A_63 = tpu.memref_slice %arg16[%add3A_7, %dma_wait3A_62] : memref<5760x128xf32, #tpu.memory_space<vmem_shared>> -> memref<40x128xf32, #tpu.memory_space<vmem_shared>>
      tpu.wait_dma2 semaphore(%run_scoped3A : memref<!tpu.dma_semaphore, #tpu.memory_space<semaphore_mem>>) src(%arg15 : memref<40x128xf32, #tpu.memory_space<vmem>>) dst(%dma_wait3A_63 : memref<40x128xf32, #tpu.memory_space<vmem_shared>>)
      tpu.yield
    }) : () -> ()
    %mul3A_8 = arith.constant 360 : i32
    %mul3A_9 = arith.muli %arg1, %mul3A_8 : i32
    %add3A_10 = arith.constant 40 : i32
    %add3A_11 = arith.addi %mul3A_9, %add3A_10 : i32
    "tpu.region"() ({
      %run_scoped3A = tpu.sem_alloc : memref<!tpu.dma_semaphore, #tpu.memory_space<semaphore_mem>>
      %dma_start3A = arith.constant 0 : i32
      %dma_start3A_58 = tpu.memref_slice %arg16[%add3A_11, %dma_start3A] : memref<5760x128xf32, #tpu.memory_space<vmem_shared>> -> memref<40x128xf32, #tpu.memory_space<vmem_shared>>
      %dma_start3A_59 = arith.constant 0 : i32
      %dma_start3A_60 = tpu.memref_slice %arg16[%add3A_11, %dma_start3A_59] : memref<5760x128xf32, #tpu.memory_space<vmem_shared>> -> memref<40x128xf32, #tpu.memory_space<vmem_shared>>
      tpu.enqueue_dma source(%arg15 : memref<40x128xf32, #tpu.memory_space<vmem>>) target(%dma_start3A_60 : memref<40x128xf32, #tpu.memory_space<vmem_shared>>) target_semaphore(%run_scoped3A : memref<!tpu.dma_semaphore, #tpu.memory_space<semaphore_mem>>)
      %dma_wait3A = arith.constant 0 : i32
      %dma_wait3A_61 = tpu.memref_slice %arg16[%add3A_11, %dma_wait3A] : memref<5760x128xf32, #tpu.memory_space<vmem_shared>> -> memref<40x128xf32, #tpu.memory_space<vmem_shared>>
      %dma_wait3A_62 = arith.constant 0 : i32
      %dma_wait3A_63 = tpu.memref_slice %arg16[%add3A_11, %dma_wait3A_62] : memref<5760x128xf32, #tpu.memory_space<vmem_shared>> -> memref<40x128xf32, #tpu.memory_space<vmem_shared>>
      tpu.wait_dma2 semaphore(%run_scoped3A : memref<!tpu.dma_semaphore, #tpu.memory_space<semaphore_mem>>) src(%arg15 : memref<40x128xf32, #tpu.memory_space<vmem>>) dst(%dma_wait3A_63 : memref<40x128xf32, #tpu.memory_space<vmem_shared>>)
      tpu.yield
    }) : () -> ()
    %mul3A_12 = arith.constant 360 : i32
    %mul3A_13 = arith.muli %arg1, %mul3A_12 : i32
    %add3A_14 = arith.constant 80 : i32
    %add3A_15 = arith.addi %mul3A_13, %add3A_14 : i32
    "tpu.region"() ({
      %run_scoped3A = tpu.sem_alloc : memref<!tpu.dma_semaphore, #tpu.memory_space<semaphore_mem>>
      %dma_start3A = arith.constant 0 : i32
      %dma_start3A_58 = tpu.memref_slice %arg16[%add3A_15, %dma_start3A] : memref<5760x128xf32, #tpu.memory_space<vmem_shared>> -> memref<40x128xf32, #tpu.memory_space<vmem_shared>>
      %dma_start3A_59 = arith.constant 0 : i32
      %dma_start3A_60 = tpu.memref_slice %arg16[%add3A_15, %dma_start3A_59] : memref<5760x128xf32, #tpu.memory_space<vmem_shared>> -> memref<40x128xf32, #tpu.memory_space<vmem_shared>>
      tpu.enqueue_dma source(%arg15 : memref<40x128xf32, #tpu.memory_space<vmem>>) target(%dma_start3A_60 : memref<40x128xf32, #tpu.memory_space<vmem_shared>>) target_semaphore(%run_scoped3A : memref<!tpu.dma_semaphore, #tpu.memory_space<semaphore_mem>>)
      %dma_wait3A = arith.constant 0 : i32
      %dma_wait3A_61 = tpu.memref_slice %arg16[%add3A_15, %dma_wait3A] : memref<5760x128xf32, #tpu.memory_space<vmem_shared>> -> memref<40x128xf32, #tpu.memory_space<vmem_shared>>
      %dma_wait3A_62 = arith.constant 0 : i32
      %dma_wait3A_63 = tpu.memref_slice %arg16[%add3A_15, %dma_wait3A_62] : memref<5760x128xf32, #tpu.memory_space<vmem_shared>> -> memref<40x128xf32, #tpu.memory_space<vmem_shared>>
      tpu.wait_dma2 semaphore(%run_scoped3A : memref<!tpu.dma_semaphore, #tpu.memory_space<semaphore_mem>>) src(%arg15 : memref<40x128xf32, #tpu.memory_space<vmem>>) dst(%dma_wait3A_63 : memref<40x128xf32, #tpu.memory_space<vmem_shared>>)
      tpu.yield
    }) : () -> ()
    %mul3A_16 = arith.constant 360 : i32
    %mul3A_17 = arith.muli %arg1, %mul3A_16 : i32
    %add3A_18 = arith.constant 120 : i32
    %add3A_19 = arith.addi %mul3A_17, %add3A_18 : i32
    "tpu.region"() ({
      %run_scoped3A = tpu.sem_alloc : memref<!tpu.dma_semaphore, #tpu.memory_space<semaphore_mem>>
      %dma_start3A = arith.constant 0 : i32
      %dma_start3A_58 = tpu.memref_slice %arg16[%add3A_19, %dma_start3A] : memref<5760x128xf32, #tpu.memory_space<vmem_shared>> -> memref<40x128xf32, #tpu.memory_space<vmem_shared>>
      %dma_start3A_59 = arith.constant 0 : i32
      %dma_start3A_60 = tpu.memref_slice %arg16[%add3A_19, %dma_start3A_59] : memref<5760x128xf32, #tpu.memory_space<vmem_shared>> -> memref<40x128xf32, #tpu.memory_space<vmem_shared>>
      tpu.enqueue_dma source(%arg15 : memref<40x128xf32, #tpu.memory_space<vmem>>) target(%dma_start3A_60 : memref<40x128xf32, #tpu.memory_space<vmem_shared>>) target_semaphore(%run_scoped3A : memref<!tpu.dma_semaphore, #tpu.memory_space<semaphore_mem>>)
      %dma_wait3A = arith.constant 0 : i32
      %dma_wait3A_61 = tpu.memref_slice %arg16[%add3A_19, %dma_wait3A] : memref<5760x128xf32, #tpu.memory_space<vmem_shared>> -> memref<40x128xf32, #tpu.memory_space<vmem_shared>>
      %dma_wait3A_62 = arith.constant 0 : i32
      %dma_wait3A_63 = tpu.memref_slice %arg16[%add3A_19, %dma_wait3A_62] : memref<5760x128xf32, #tpu.memory_space<vmem_shared>> -> memref<40x128xf32, #tpu.memory_space<vmem_shared>>
      tpu.wait_dma2 semaphore(%run_scoped3A : memref<!tpu.dma_semaphore, #tpu.memory_space<semaphore_mem>>) src(%arg15 : memref<40x128xf32, #tpu.memory_space<vmem>>) dst(%dma_wait3A_63 : memref<40x128xf32, #tpu.memory_space<vmem_shared>>)
      tpu.yield
    }) : () -> ()
    %mul3A_20 = arith.constant 360 : i32
    %mul3A_21 = arith.muli %arg1, %mul3A_20 : i32
    %add3A_22 = arith.constant 160 : i32
    %add3A_23 = arith.addi %mul3A_21, %add3A_22 : i32
    "tpu.region"() ({
      %run_scoped3A = tpu.sem_alloc : memref<!tpu.dma_semaphore, #tpu.memory_space<semaphore_mem>>
      %dma_start3A = arith.constant 0 : i32
      %dma_start3A_58 = tpu.memref_slice %arg16[%add3A_23, %dma_start3A] : memref<5760x128xf32, #tpu.memory_space<vmem_shared>> -> memref<40x128xf32, #tpu.memory_space<vmem_shared>>
      %dma_start3A_59 = arith.constant 0 : i32
      %dma_start3A_60 = tpu.memref_slice %arg16[%add3A_23, %dma_start3A_59] : memref<5760x128xf32, #tpu.memory_space<vmem_shared>> -> memref<40x128xf32, #tpu.memory_space<vmem_shared>>
      tpu.enqueue_dma source(%arg15 : memref<40x128xf32, #tpu.memory_space<vmem>>) target(%dma_start3A_60 : memref<40x128xf32, #tpu.memory_space<vmem_shared>>) target_semaphore(%run_scoped3A : memref<!tpu.dma_semaphore, #tpu.memory_space<semaphore_mem>>)
      %dma_wait3A = arith.constant 0 : i32
      %dma_wait3A_61 = tpu.memref_slice %arg16[%add3A_23, %dma_wait3A] : memref<5760x128xf32, #tpu.memory_space<vmem_shared>> -> memref<40x128xf32, #tpu.memory_space<vmem_shared>>
      %dma_wait3A_62 = arith.constant 0 : i32
      %dma_wait3A_63 = tpu.memref_slice %arg16[%add3A_23, %dma_wait3A_62] : memref<5760x128xf32, #tpu.memory_space<vmem_shared>> -> memref<40x128xf32, #tpu.memory_space<vmem_shared>>
      tpu.wait_dma2 semaphore(%run_scoped3A : memref<!tpu.dma_semaphore, #tpu.memory_space<semaphore_mem>>) src(%arg15 : memref<40x128xf32, #tpu.memory_space<vmem>>) dst(%dma_wait3A_63 : memref<40x128xf32, #tpu.memory_space<vmem_shared>>)
      tpu.yield
    }) : () -> ()
    %mul3A_24 = arith.constant 360 : i32
    %mul3A_25 = arith.muli %arg1, %mul3A_24 : i32
    %add3A_26 = arith.constant 200 : i32
    %add3A_27 = arith.addi %mul3A_25, %add3A_26 : i32
    "tpu.region"() ({
      %run_scoped3A = tpu.sem_alloc : memref<!tpu.dma_semaphore, #tpu.memory_space<semaphore_mem>>
      %dma_start3A = arith.constant 0 : i32
      %dma_start3A_58 = tpu.memref_slice %arg16[%add3A_27, %dma_start3A] : memref<5760x128xf32, #tpu.memory_space<vmem_shared>> -> memref<40x128xf32, #tpu.memory_space<vmem_shared>>
      %dma_start3A_59 = arith.constant 0 : i32
      %dma_start3A_60 = tpu.memref_slice %arg16[%add3A_27, %dma_start3A_59] : memref<5760x128xf32, #tpu.memory_space<vmem_shared>> -> memref<40x128xf32, #tpu.memory_space<vmem_shared>>
      tpu.enqueue_dma source(%arg15 : memref<40x128xf32, #tpu.memory_space<vmem>>) target(%dma_start3A_60 : memref<40x128xf32, #tpu.memory_space<vmem_shared>>) target_semaphore(%run_scoped3A : memref<!tpu.dma_semaphore, #tpu.memory_space<semaphore_mem>>)
      %dma_wait3A = arith.constant 0 : i32
      %dma_wait3A_61 = tpu.memref_slice %arg16[%add3A_27, %dma_wait3A] : memref<5760x128xf32, #tpu.memory_space<vmem_shared>> -> memref<40x128xf32, #tpu.memory_space<vmem_shared>>
      %dma_wait3A_62 = arith.constant 0 : i32
      %dma_wait3A_63 = tpu.memref_slice %arg16[%add3A_27, %dma_wait3A_62] : memref<5760x128xf32, #tpu.memory_space<vmem_shared>> -> memref<40x128xf32, #tpu.memory_space<vmem_shared>>
      tpu.wait_dma2 semaphore(%run_scoped3A : memref<!tpu.dma_semaphore, #tpu.memory_space<semaphore_mem>>) src(%arg15 : memref<40x128xf32, #tpu.memory_space<vmem>>) dst(%dma_wait3A_63 : memref<40x128xf32, #tpu.memory_space<vmem_shared>>)
      tpu.yield
    }) : () -> ()
    %mul3A_28 = arith.constant 360 : i32
    %mul3A_29 = arith.muli %arg1, %mul3A_28 : i32
    %add3A_30 = arith.constant 240 : i32
    %add3A_31 = arith.addi %mul3A_29, %add3A_30 : i32
    "tpu.region"() ({
      %run_scoped3A = tpu.sem_alloc : memref<!tpu.dma_semaphore, #tpu.memory_space<semaphore_mem>>
      %dma_start3A = arith.constant 0 : i32
      %dma_start3A_58 = tpu.memref_slice %arg16[%add3A_31, %dma_start3A] : memref<5760x128xf32, #tpu.memory_space<vmem_shared>> -> memref<40x128xf32, #tpu.memory_space<vmem_shared>>
      %dma_start3A_59 = arith.constant 0 : i32
      %dma_start3A_60 = tpu.memref_slice %arg16[%add3A_31, %dma_start3A_59] : memref<5760x128xf32, #tpu.memory_space<vmem_shared>> -> memref<40x128xf32, #tpu.memory_space<vmem_shared>>
      tpu.enqueue_dma source(%arg15 : memref<40x128xf32, #tpu.memory_space<vmem>>) target(%dma_start3A_60 : memref<40x128xf32, #tpu.memory_space<vmem_shared>>) target_semaphore(%run_scoped3A : memref<!tpu.dma_semaphore, #tpu.memory_space<semaphore_mem>>)
      %dma_wait3A = arith.constant 0 : i32
      %dma_wait3A_61 = tpu.memref_slice %arg16[%add3A_31, %dma_wait3A] : memref<5760x128xf32, #tpu.memory_space<vmem_shared>> -> memref<40x128xf32, #tpu.memory_space<vmem_shared>>
      %dma_wait3A_62 = arith.constant 0 : i32
      %dma_wait3A_63 = tpu.memref_slice %arg16[%add3A_31, %dma_wait3A_62] : memref<5760x128xf32, #tpu.memory_space<vmem_shared>> -> memref<40x128xf32, #tpu.memory_space<vmem_shared>>
      tpu.wait_dma2 semaphore(%run_scoped3A : memref<!tpu.dma_semaphore, #tpu.memory_space<semaphore_mem>>) src(%arg15 : memref<40x128xf32, #tpu.memory_space<vmem>>) dst(%dma_wait3A_63 : memref<40x128xf32, #tpu.memory_space<vmem_shared>>)
      tpu.yield
    }) : () -> ()
    %mul3A_32 = arith.constant 360 : i32
    %mul3A_33 = arith.muli %arg1, %mul3A_32 : i32
    %add3A_34 = arith.constant 280 : i32
    %add3A_35 = arith.addi %mul3A_33, %add3A_34 : i32
    "tpu.region"() ({
      %run_scoped3A = tpu.sem_alloc : memref<!tpu.dma_semaphore, #tpu.memory_space<semaphore_mem>>
      %dma_start3A = arith.constant 0 : i32
      %dma_start3A_58 = tpu.memref_slice %arg16[%add3A_35, %dma_start3A] : memref<5760x128xf32, #tpu.memory_space<vmem_shared>> -> memref<40x128xf32, #tpu.memory_space<vmem_shared>>
      %dma_start3A_59 = arith.constant 0 : i32
      %dma_start3A_60 = tpu.memref_slice %arg16[%add3A_35, %dma_start3A_59] : memref<5760x128xf32, #tpu.memory_space<vmem_shared>> -> memref<40x128xf32, #tpu.memory_space<vmem_shared>>
      tpu.enqueue_dma source(%arg15 : memref<40x128xf32, #tpu.memory_space<vmem>>) target(%dma_start3A_60 : memref<40x128xf32, #tpu.memory_space<vmem_shared>>) target_semaphore(%run_scoped3A : memref<!tpu.dma_semaphore, #tpu.memory_space<semaphore_mem>>)
      %dma_wait3A = arith.constant 0 : i32
      %dma_wait3A_61 = tpu.memref_slice %arg16[%add3A_35, %dma_wait3A] : memref<5760x128xf32, #tpu.memory_space<vmem_shared>> -> memref<40x128xf32, #tpu.memory_space<vmem_shared>>
      %dma_wait3A_62 = arith.constant 0 : i32
      %dma_wait3A_63 = tpu.memref_slice %arg16[%add3A_35, %dma_wait3A_62] : memref<5760x128xf32, #tpu.memory_space<vmem_shared>> -> memref<40x128xf32, #tpu.memory_space<vmem_shared>>
      tpu.wait_dma2 semaphore(%run_scoped3A : memref<!tpu.dma_semaphore, #tpu.memory_space<semaphore_mem>>) src(%arg15 : memref<40x128xf32, #tpu.memory_space<vmem>>) dst(%dma_wait3A_63 : memref<40x128xf32, #tpu.memory_space<vmem_shared>>)
      tpu.yield
    }) : () -> ()
    %mul3A_36 = arith.constant 360 : i32
    %mul3A_37 = arith.muli %arg1, %mul3A_36 : i32
    %add3A_38 = arith.constant 320 : i32
    %add3A_39 = arith.addi %mul3A_37, %add3A_38 : i32
    "tpu.region"() ({
      %run_scoped3A = tpu.sem_alloc : memref<!tpu.dma_semaphore, #tpu.memory_space<semaphore_mem>>
      %dma_start3A = arith.constant 0 : i32
      %dma_start3A_58 = tpu.memref_slice %arg16[%add3A_39, %dma_start3A] : memref<5760x128xf32, #tpu.memory_space<vmem_shared>> -> memref<40x128xf32, #tpu.memory_space<vmem_shared>>
      %dma_start3A_59 = arith.constant 0 : i32
      %dma_start3A_60 = tpu.memref_slice %arg16[%add3A_39, %dma_start3A_59] : memref<5760x128xf32, #tpu.memory_space<vmem_shared>> -> memref<40x128xf32, #tpu.memory_space<vmem_shared>>
      tpu.enqueue_dma source(%arg15 : memref<40x128xf32, #tpu.memory_space<vmem>>) target(%dma_start3A_60 : memref<40x128xf32, #tpu.memory_space<vmem_shared>>) target_semaphore(%run_scoped3A : memref<!tpu.dma_semaphore, #tpu.memory_space<semaphore_mem>>)
      %dma_wait3A = arith.constant 0 : i32
      %dma_wait3A_61 = tpu.memref_slice %arg16[%add3A_39, %dma_wait3A] : memref<5760x128xf32, #tpu.memory_space<vmem_shared>> -> memref<40x128xf32, #tpu.memory_space<vmem_shared>>
      %dma_wait3A_62 = arith.constant 0 : i32
      %dma_wait3A_63 = tpu.memref_slice %arg16[%add3A_39, %dma_wait3A_62] : memref<5760x128xf32, #tpu.memory_space<vmem_shared>> -> memref<40x128xf32, #tpu.memory_space<vmem_shared>>
      tpu.wait_dma2 semaphore(%run_scoped3A : memref<!tpu.dma_semaphore, #tpu.memory_space<semaphore_mem>>) src(%arg15 : memref<40x128xf32, #tpu.memory_space<vmem>>) dst(%dma_wait3A_63 : memref<40x128xf32, #tpu.memory_space<vmem_shared>>)
      tpu.yield
    }) : () -> ()
    "tpu.region"() ({
      %run_scoped3A = tpu.sem_alloc : memref<!tpu.dma_semaphore, #tpu.memory_space<semaphore_mem>>
      tpu.enqueue_dma source(%arg3 : memref<16xf32, #tpu.memory_space<hbm>>) target(%arg14 : memref<16xf32, #tpu.memory_space<vmem>>) target_semaphore(%run_scoped3A : memref<!tpu.dma_semaphore, #tpu.memory_space<semaphore_mem>>)
      tpu.wait_dma2 semaphore(%run_scoped3A : memref<!tpu.dma_semaphore, #tpu.memory_space<semaphore_mem>>) src(%arg3 : memref<16xf32, #tpu.memory_space<hbm>>) dst(%arg14 : memref<16xf32, #tpu.memory_space<vmem>>)
      tpu.yield
    }) : () -> ()
    %barrier3A = arith.constant 0 : index
    tpu.barrier barrier_id(%barrier3A)
    %iota3A = tpu.iota {dimensions = array<i32: 0>} : vector<16xi32>
    %mul3A_40 = arith.constant 20736 : i32
    %mul3A_41 = arith.muli %arg1, %mul3A_40 : i32
    %mul3A_42 = arith.constant 5120 : i32
    %mul3A_43 = arith.muli %arg0, %mul3A_42 : i32
    %scan3A_44 = arith.constant 0 : i32
    %scan3A_45 = arith.constant 0 : i32
    %scan3A_46 = arith.constant 162 : i32
    %scan3A_47 = arith.addi %scan3A_45, %scan3A_46 : i32
    %scan3A_48 = arith.constant 1 : i32
    scf.for %scan3A_58 = %scan3A_45 to %scan3A_47 step %scan3A_48  : i32 {
      %mul3A_59 = arith.constant 128 : i32
      %mul3A_60 = arith.muli %scan3A_58, %mul3A_59 : i32
      %add3A_61 = arith.addi %mul3A_41, %mul3A_60 : i32
      %multiple_of3A = tpu.assume_multiple %add3A_61, 128 : i32
      "tpu.region"() ({
        %run_scoped3A = tpu.sem_alloc : memref<!tpu.dma_semaphore, #tpu.memory_space<semaphore_mem>>
        %dma_start3A_204 = tpu.memref_slice %arg4[%multiple_of3A] : memref<331776xi32, #tpu.memory_space<hbm>> -> memref<128xi32, #tpu.memory_space<hbm>>
        %dma_start3A_205 = tpu.memref_slice %arg4[%multiple_of3A] : memref<331776xi32, #tpu.memory_space<hbm>> -> memref<128xi32, #tpu.memory_space<hbm>>
        tpu.enqueue_dma source(%dma_start3A_205 : memref<128xi32, #tpu.memory_space<hbm>>) target(%arg7 : memref<128xi32, #tpu.memory_space<vmem>>) target_semaphore(%run_scoped3A : memref<!tpu.dma_semaphore, #tpu.memory_space<semaphore_mem>>)
        %dma_wait3A_206 = tpu.memref_slice %arg4[%multiple_of3A] : memref<331776xi32, #tpu.memory_space<hbm>> -> memref<128xi32, #tpu.memory_space<hbm>>
        %dma_wait3A_207 = tpu.memref_slice %arg4[%multiple_of3A] : memref<331776xi32, #tpu.memory_space<hbm>> -> memref<128xi32, #tpu.memory_space<hbm>>
        tpu.wait_dma2 semaphore(%run_scoped3A : memref<!tpu.dma_semaphore, #tpu.memory_space<semaphore_mem>>) src(%dma_wait3A_207 : memref<128xi32, #tpu.memory_space<hbm>>) dst(%arg7 : memref<128xi32, #tpu.memory_space<vmem>>)
        tpu.yield
      }) : () -> ()
      "tpu.region"() ({
        %run_scoped3A = tpu.sem_alloc : memref<!tpu.dma_semaphore, #tpu.memory_space<semaphore_mem>>
        %dma_start3A_204 = tpu.memref_slice %arg5[%multiple_of3A] : memref<331776xi32, #tpu.memory_space<hbm>> -> memref<128xi32, #tpu.memory_space<hbm>>
        %dma_start3A_205 = tpu.memref_slice %arg5[%multiple_of3A] : memref<331776xi32, #tpu.memory_space<hbm>> -> memref<128xi32, #tpu.memory_space<hbm>>
        tpu.enqueue_dma source(%dma_start3A_205 : memref<128xi32, #tpu.memory_space<hbm>>) target(%arg8 : memref<128xi32, #tpu.memory_space<vmem>>) target_semaphore(%run_scoped3A : memref<!tpu.dma_semaphore, #tpu.memory_space<semaphore_mem>>)
        %dma_wait3A_206 = tpu.memref_slice %arg5[%multiple_of3A] : memref<331776xi32, #tpu.memory_space<hbm>> -> memref<128xi32, #tpu.memory_space<hbm>>
        %dma_wait3A_207 = tpu.memref_slice %arg5[%multiple_of3A] : memref<331776xi32, #tpu.memory_space<hbm>> -> memref<128xi32, #tpu.memory_space<hbm>>
        tpu.wait_dma2 semaphore(%run_scoped3A : memref<!tpu.dma_semaphore, #tpu.memory_space<semaphore_mem>>) src(%dma_wait3A_207 : memref<128xi32, #tpu.memory_space<hbm>>) dst(%arg8 : memref<128xi32, #tpu.memory_space<vmem>>)
        tpu.yield
      }) : () -> ()
      %dma_start3A = arith.constant 0 : i32
      %dma_start3A_62 = arith.constant 0 : i32
      %dma_start3A_63 = tpu.memref_slice %arg2[%dma_start3A, %dma_start3A_62] : memref<10240x128xf32, #tpu.memory_space<hbm>> -> memref<10240x128xf32, #tpu.memory_space<hbm>>
      tpu.enqueue_indirect_dma source(%dma_start3A_63 : memref<10240x128xf32, #tpu.memory_space<hbm>>) target(%arg10 : memref<128x128xf32, #tpu.memory_space<vmem>>) offsets(%arg7 : memref<128xi32, #tpu.memory_space<vmem>>) semaphore(%arg17 : memref<!tpu.dma_semaphore, #tpu.memory_space<semaphore_mem>>)
      %dma_start3A_64 = arith.constant 0 : i32
      %dma_start3A_65 = arith.constant 0 : i32
      %dma_start3A_66 = tpu.memref_slice %arg2[%dma_start3A_64, %dma_start3A_65] : memref<10240x128xf32, #tpu.memory_space<hbm>> -> memref<10240x128xf32, #tpu.memory_space<hbm>>
      tpu.enqueue_indirect_dma source(%dma_start3A_66 : memref<10240x128xf32, #tpu.memory_space<hbm>>) target(%arg11 : memref<128x128xf32, #tpu.memory_space<vmem>>) offsets(%arg8 : memref<128xi32, #tpu.memory_space<vmem>>) semaphore(%arg18 : memref<!tpu.dma_semaphore, #tpu.memory_space<semaphore_mem>>)
      %get3A = arith.constant 0 : index
      %get3A_67 = tpu.vector_load %arg8[%get3A] {strides = array<i32>} : memref<128xi32, #tpu.memory_space<vmem>>, vector<16xi32>,
      %sub3A = vector.broadcast %mul3A_43 : i32 to vector<16xi32>
      %sub3A_68 = arith.subi %get3A_67, %sub3A : vector<16xi32>
      %ge3A = arith.constant 0 : i32
      %ge3A_69 = vector.broadcast %ge3A : i32 to vector<16xi32>
      %ge3A_70 = arith.cmpi sge, %sub3A_68, %ge3A_69 : vector<16xi32>
      %lt3A = arith.constant 5120 : i32
      %lt3A_71 = vector.broadcast %lt3A : i32 to vector<16xi32>
      %lt3A_72 = arith.cmpi slt, %sub3A_68, %lt3A_71 : vector<16xi32>
      %and3A = arith.andi %ge3A_70, %lt3A_72 : vector<16xi1>
      %jit3A = arith.constant 5120 : i32
      %broadcast_in_dim3A_73 = vector.broadcast %jit3A : i32 to vector<16xi32>
      %select_n3A = arith.select %and3A, %sub3A_68, %broadcast_in_dim3A_73 : vector<16xi1>, vector<16xi32>
      %swap3A = arith.constant 0 : index
      %swap3A_74 = tpu.vector_load %arg9[%swap3A] {strides = array<i32>} : memref<128xi32, #tpu.memory_space<vmem>>, vector<16xi32>,
      tpu.vector_store %arg9[%swap3A], %select_n3A {strides = array<i32>} : memref<128xi32, #tpu.memory_space<vmem>>, vector<16xi32>,
      %get3A_75 = arith.constant 16 : index
      %get3A_76 = tpu.vector_load %arg8[%get3A_75] {strides = array<i32>} : memref<128xi32, #tpu.memory_space<vmem>>, vector<16xi32>,
      %sub3A_77 = vector.broadcast %mul3A_43 : i32 to vector<16xi32>
      %sub3A_78 = arith.subi %get3A_76, %sub3A_77 : vector<16xi32>
      %ge3A_79 = arith.constant 0 : i32
      %ge3A_80 = vector.broadcast %ge3A_79 : i32 to vector<16xi32>
      %ge3A_81 = arith.cmpi sge, %sub3A_78, %ge3A_80 : vector<16xi32>
      %lt3A_82 = arith.constant 5120 : i32
      %lt3A_83 = vector.broadcast %lt3A_82 : i32 to vector<16xi32>
      %lt3A_84 = arith.cmpi slt, %sub3A_78, %lt3A_83 : vector<16xi32>
      %and3A_85 = arith.andi %ge3A_81, %lt3A_84 : vector<16xi1>
      %jit3A_86 = arith.constant 5120 : i32
      %broadcast_in_dim3A_87 = vector.broadcast %jit3A_86 : i32 to vector<16xi32>
      %select_n3A_88 = arith.select %and3A_85, %sub3A_78, %broadcast_in_dim3A_87 : vector<16xi1>, vector<16xi32>
      %swap3A_89 = arith.constant 16 : index
      %swap3A_90 = tpu.vector_load %arg9[%swap3A_89] {strides = array<i32>} : memref<128xi32, #tpu.memory_space<vmem>>, vector<16xi32>,
      tpu.vector_store %arg9[%swap3A_89], %select_n3A_88 {strides = array<i32>} : memref<128xi32, #tpu.memory_space<vmem>>, vector<16xi32>,
      %get3A_91 = arith.constant 32 : index
      %get3A_92 = tpu.vector_load %arg8[%get3A_91] {strides = array<i32>} : memref<128xi32, #tpu.memory_space<vmem>>, vector<16xi32>,
      %sub3A_93 = vector.broadcast %mul3A_43 : i32 to vector<16xi32>
      %sub3A_94 = arith.subi %get3A_92, %sub3A_93 : vector<16xi32>
      %ge3A_95 = arith.constant 0 : i32
      %ge3A_96 = vector.broadcast %ge3A_95 : i32 to vector<16xi32>
      %ge3A_97 = arith.cmpi sge, %sub3A_94, %ge3A_96 : vector<16xi32>
      %lt3A_98 = arith.constant 5120 : i32
      %lt3A_99 = vector.broadcast %lt3A_98 : i32 to vector<16xi32>
      %lt3A_100 = arith.cmpi slt, %sub3A_94, %lt3A_99 : vector<16xi32>
      %and3A_101 = arith.andi %ge3A_97, %lt3A_100 : vector<16xi1>
      %jit3A_102 = arith.constant 5120 : i32
      %broadcast_in_dim3A_103 = vector.broadcast %jit3A_102 : i32 to vector<16xi32>
      %select_n3A_104 = arith.select %and3A_101, %sub3A_94, %broadcast_in_dim3A_103 : vector<16xi1>, vector<16xi32>
      %swap3A_105 = arith.constant 32 : index
      %swap3A_106 = tpu.vector_load %arg9[%swap3A_105] {strides = array<i32>} : memref<128xi32, #tpu.memory_space<vmem>>, vector<16xi32>,
      tpu.vector_store %arg9[%swap3A_105], %select_n3A_104 {strides = array<i32>} : memref<128xi32, #tpu.memory_space<vmem>>, vector<16xi32>,
      %get3A_107 = arith.constant 48 : index
      %get3A_108 = tpu.vector_load %arg8[%get3A_107] {strides = array<i32>} : memref<128xi32, #tpu.memory_space<vmem>>, vector<16xi32>,
      %sub3A_109 = vector.broadcast %mul3A_43 : i32 to vector<16xi32>
      %sub3A_110 = arith.subi %get3A_108, %sub3A_109 : vector<16xi32>
      %ge3A_111 = arith.constant 0 : i32
      %ge3A_112 = vector.broadcast %ge3A_111 : i32 to vector<16xi32>
      %ge3A_113 = arith.cmpi sge, %sub3A_110, %ge3A_112 : vector<16xi32>
      %lt3A_114 = arith.constant 5120 : i32
      %lt3A_115 = vector.broadcast %lt3A_114 : i32 to vector<16xi32>
      %lt3A_116 = arith.cmpi slt, %sub3A_110, %lt3A_115 : vector<16xi32>
      %and3A_117 = arith.andi %ge3A_113, %lt3A_116 : vector<16xi1>
      %jit3A_118 = arith.constant 5120 : i32
      %broadcast_in_dim3A_119 = vector.broadcast %jit3A_118 : i32 to vector<16xi32>
      %select_n3A_120 = arith.select %and3A_117, %sub3A_110, %broadcast_in_dim3A_119 : vector<16xi1>, vector<16xi32>
      %swap3A_121 = arith.constant 48 : index
      %swap3A_122 = tpu.vector_load %arg9[%swap3A_121] {strides = array<i32>} : memref<128xi32, #tpu.memory_space<vmem>>, vector<16xi32>,
      tpu.vector_store %arg9[%swap3A_121], %select_n3A_120 {strides = array<i32>} : memref<128xi32, #tpu.memory_space<vmem>>, vector<16xi32>,
      %get3A_123 = arith.constant 64 : index
      %get3A_124 = tpu.vector_load %arg8[%get3A_123] {strides = array<i32>} : memref<128xi32, #tpu.memory_space<vmem>>, vector<16xi32>,
      %sub3A_125 = vector.broadcast %mul3A_43 : i32 to vector<16xi32>
      %sub3A_126 = arith.subi %get3A_124, %sub3A_125 : vector<16xi32>
      %ge3A_127 = arith.constant 0 : i32
      %ge3A_128 = vector.broadcast %ge3A_127 : i32 to vector<16xi32>
      %ge3A_129 = arith.cmpi sge, %sub3A_126, %ge3A_128 : vector<16xi32>
      %lt3A_130 = arith.constant 5120 : i32
      %lt3A_131 = vector.broadcast %lt3A_130 : i32 to vector<16xi32>
      %lt3A_132 = arith.cmpi slt, %sub3A_126, %lt3A_131 : vector<16xi32>
      %and3A_133 = arith.andi %ge3A_129, %lt3A_132 : vector<16xi1>
      %jit3A_134 = arith.constant 5120 : i32
      %broadcast_in_dim3A_135 = vector.broadcast %jit3A_134 : i32 to vector<16xi32>
      %select_n3A_136 = arith.select %and3A_133, %sub3A_126, %broadcast_in_dim3A_135 : vector<16xi1>, vector<16xi32>
      %swap3A_137 = arith.constant 64 : index
      %swap3A_138 = tpu.vector_load %arg9[%swap3A_137] {strides = array<i32>} : memref<128xi32, #tpu.memory_space<vmem>>, vector<16xi32>,
      tpu.vector_store %arg9[%swap3A_137], %select_n3A_136 {strides = array<i32>} : memref<128xi32, #tpu.memory_space<vmem>>, vector<16xi32>,
      %get3A_139 = arith.constant 80 : index
      %get3A_140 = tpu.vector_load %arg8[%get3A_139] {strides = array<i32>} : memref<128xi32, #tpu.memory_space<vmem>>, vector<16xi32>,
      %sub3A_141 = vector.broadcast %mul3A_43 : i32 to vector<16xi32>
      %sub3A_142 = arith.subi %get3A_140, %sub3A_141 : vector<16xi32>
      %ge3A_143 = arith.constant 0 : i32
      %ge3A_144 = vector.broadcast %ge3A_143 : i32 to vector<16xi32>
      %ge3A_145 = arith.cmpi sge, %sub3A_142, %ge3A_144 : vector<16xi32>
      %lt3A_146 = arith.constant 5120 : i32
      %lt3A_147 = vector.broadcast %lt3A_146 : i32 to vector<16xi32>
      %lt3A_148 = arith.cmpi slt, %sub3A_142, %lt3A_147 : vector<16xi32>
      %and3A_149 = arith.andi %ge3A_145, %lt3A_148 : vector<16xi1>
      %jit3A_150 = arith.constant 5120 : i32
      %broadcast_in_dim3A_151 = vector.broadcast %jit3A_150 : i32 to vector<16xi32>
      %select_n3A_152 = arith.select %and3A_149, %sub3A_142, %broadcast_in_dim3A_151 : vector<16xi1>, vector<16xi32>
      %swap3A_153 = arith.constant 80 : index
      %swap3A_154 = tpu.vector_load %arg9[%swap3A_153] {strides = array<i32>} : memref<128xi32, #tpu.memory_space<vmem>>, vector<16xi32>,
      tpu.vector_store %arg9[%swap3A_153], %select_n3A_152 {strides = array<i32>} : memref<128xi32, #tpu.memory_space<vmem>>, vector<16xi32>,
      %get3A_155 = arith.constant 96 : index
      %get3A_156 = tpu.vector_load %arg8[%get3A_155] {strides = array<i32>} : memref<128xi32, #tpu.memory_space<vmem>>, vector<16xi32>,
      %sub3A_157 = vector.broadcast %mul3A_43 : i32 to vector<16xi32>
      %sub3A_158 = arith.subi %get3A_156, %sub3A_157 : vector<16xi32>
      %ge3A_159 = arith.constant 0 : i32
      %ge3A_160 = vector.broadcast %ge3A_159 : i32 to vector<16xi32>
      %ge3A_161 = arith.cmpi sge, %sub3A_158, %ge3A_160 : vector<16xi32>
      %lt3A_162 = arith.constant 5120 : i32
      %lt3A_163 = vector.broadcast %lt3A_162 : i32 to vector<16xi32>
      %lt3A_164 = arith.cmpi slt, %sub3A_158, %lt3A_163 : vector<16xi32>
      %and3A_165 = arith.andi %ge3A_161, %lt3A_164 : vector<16xi1>
      %jit3A_166 = arith.constant 5120 : i32
      %broadcast_in_dim3A_167 = vector.broadcast %jit3A_166 : i32 to vector<16xi32>
      %select_n3A_168 = arith.select %and3A_165, %sub3A_158, %broadcast_in_dim3A_167 : vector<16xi1>, vector<16xi32>
      %swap3A_169 = arith.constant 96 : index
      %swap3A_170 = tpu.vector_load %arg9[%swap3A_169] {strides = array<i32>} : memref<128xi32, #tpu.memory_space<vmem>>, vector<16xi32>,
      tpu.vector_store %arg9[%swap3A_169], %select_n3A_168 {strides = array<i32>} : memref<128xi32, #tpu.memory_space<vmem>>, vector<16xi32>,
      %get3A_171 = arith.constant 112 : index
      %get3A_172 = tpu.vector_load %arg8[%get3A_171] {strides = array<i32>} : memref<128xi32, #tpu.memory_space<vmem>>, vector<16xi32>,
      %sub3A_173 = vector.broadcast %mul3A_43 : i32 to vector<16xi32>
      %sub3A_174 = arith.subi %get3A_172, %sub3A_173 : vector<16xi32>
      %ge3A_175 = arith.constant 0 : i32
      %ge3A_176 = vector.broadcast %ge3A_175 : i32 to vector<16xi32>
      %ge3A_177 = arith.cmpi sge, %sub3A_174, %ge3A_176 : vector<16xi32>
      %lt3A_178 = arith.constant 5120 : i32
      %lt3A_179 = vector.broadcast %lt3A_178 : i32 to vector<16xi32>
      %lt3A_180 = arith.cmpi slt, %sub3A_174, %lt3A_179 : vector<16xi32>
      %and3A_181 = arith.andi %ge3A_177, %lt3A_180 : vector<16xi1>
      %jit3A_182 = arith.constant 5120 : i32
      %broadcast_in_dim3A_183 = vector.broadcast %jit3A_182 : i32 to vector<16xi32>
      %select_n3A_184 = arith.select %and3A_181, %sub3A_174, %broadcast_in_dim3A_183 : vector<16xi1>, vector<16xi32>
      %swap3A_185 = arith.constant 112 : index
      %swap3A_186 = tpu.vector_load %arg9[%swap3A_185] {strides = array<i32>} : memref<128xi32, #tpu.memory_space<vmem>>, vector<16xi32>,
      tpu.vector_store %arg9[%swap3A_185], %select_n3A_184 {strides = array<i32>} : memref<128xi32, #tpu.memory_space<vmem>>, vector<16xi32>,
      %dma_wait3A = arith.constant 0 : i32
      %dma_wait3A_187 = arith.constant 0 : i32
      %dma_wait3A_188 = tpu.memref_slice %arg2[%dma_wait3A, %dma_wait3A_187] : memref<10240x128xf32, #tpu.memory_space<hbm>> -> memref<10240x128xf32, #tpu.memory_space<hbm>>
      tpu.wait_indirect_dma semaphore(%arg17 : memref<!tpu.dma_semaphore, #tpu.memory_space<semaphore_mem>>) src(%dma_wait3A_188 : memref<10240x128xf32, #tpu.memory_space<hbm>>) dst(%arg10 : memref<128x128xf32, #tpu.memory_space<vmem>>)
      %dma_wait3A_189 = arith.constant 0 : i32
      %dma_wait3A_190 = arith.constant 0 : i32
      %dma_wait3A_191 = tpu.memref_slice %arg2[%dma_wait3A_189, %dma_wait3A_190] : memref<10240x128xf32, #tpu.memory_space<hbm>> -> memref<10240x128xf32, #tpu.memory_space<hbm>>
      tpu.wait_indirect_dma semaphore(%arg18 : memref<!tpu.dma_semaphore, #tpu.memory_space<semaphore_mem>>) src(%dma_wait3A_191 : memref<10240x128xf32, #tpu.memory_space<hbm>>) dst(%arg11 : memref<128x128xf32, #tpu.memory_space<vmem>>)
      %scan3A_192 = arith.constant 0 : i32
      %scan3A_193 = arith.constant 0 : i32
      %scan3A_194 = arith.constant 32 : i32
      %scan3A_195 = arith.addi %scan3A_193, %scan3A_194 : i32
      %scan3A_196 = arith.constant 1 : i32
      scf.for %scan3A_204 = %scan3A_193 to %scan3A_195 step %scan3A_196  : i32 {
        %mul3A_205 = arith.constant 16 : i32
        %mul3A_206 = arith.muli %mul3A_205, %scan3A_204 : i32
        %add3A_207 = vector.broadcast %mul3A_206 : i32 to vector<16xi32>
        %add3A_208 = arith.addi %iota3A, %add3A_207 : vector<16xi32>
        %jit3A_209 = arith.constant 4 : i32
        %div3A = vector.broadcast %jit3A_209 : i32 to vector<16xi32>
        %div3A_210 = arith.divsi %add3A_208, %div3A : vector<16xi32>
        %sign3A = arith.constant 0 : i32
        %sign3A_211 = vector.broadcast %sign3A : i32 to vector<16xi32>
        %sign3A_212 = arith.cmpi sgt, %add3A_208, %sign3A_211 : vector<16xi32>
        %sign3A_213 = arith.extui %sign3A_212 : vector<16xi1> to vector<16xi32>
        %sign3A_214 = arith.constant 0 : i32
        %sign3A_215 = vector.broadcast %sign3A_214 : i32 to vector<16xi32>
        %sign3A_216 = arith.cmpi slt, %add3A_208, %sign3A_215 : vector<16xi32>
        %sign3A_217 = arith.extui %sign3A_216 : vector<16xi1> to vector<16xi32>
        %sign3A_218 = arith.subi %sign3A_213, %sign3A_217 : vector<16xi32>
        %sign3A_219 = arith.constant 0 : i32
        %sign3A_220 = arith.cmpi sgt, %jit3A_209, %sign3A_219 : i32
        %sign3A_221 = arith.extui %sign3A_220 : i1 to i32
        %sign3A_222 = arith.constant 0 : i32
        %sign3A_223 = arith.cmpi slt, %jit3A_209, %sign3A_222 : i32
        %sign3A_224 = arith.extui %sign3A_223 : i1 to i32
        %sign3A_225 = arith.subi %sign3A_221, %sign3A_224 : i32
        %ne3A = vector.broadcast %sign3A_225 : i32 to vector<16xi32>
        %ne3A_226 = arith.cmpi ne, %sign3A_218, %ne3A : vector<16xi32>
        %rem3A = vector.broadcast %jit3A_209 : i32 to vector<16xi32>
        %rem3A_227 = arith.remsi %add3A_208, %rem3A : vector<16xi32>
        %ne3A_228 = arith.constant 0 : i32
        %ne3A_229 = vector.broadcast %ne3A_228 : i32 to vector<16xi32>
        %ne3A_230 = arith.cmpi ne, %rem3A_227, %ne3A_229 : vector<16xi32>
        %and3A_231 = arith.andi %ne3A_226, %ne3A_230 : vector<16xi1>
        %sub3A_232 = arith.constant 1 : i32
        %sub3A_233 = vector.broadcast %sub3A_232 : i32 to vector<16xi32>
        %sub3A_234 = arith.subi %div3A_210, %sub3A_233 : vector<16xi32>
        %select_n3A_235 = arith.select %and3A_231, %sub3A_234, %div3A_210 : vector<16xi1>, vector<16xi32>
        %jit3A_236 = arith.constant 4 : i32
        %eq3A = arith.constant 0 : i32
        %eq3A_237 = arith.cmpi eq, %jit3A_236, %eq3A : i32
        %jit3A_238 = arith.constant 1 : i32
        %select_n3A_239 = arith.select %eq3A_237, %jit3A_238, %jit3A_236 : i32
        %rem3A_240 = vector.broadcast %select_n3A_239 : i32 to vector<16xi32>
        %rem3A_241 = arith.remsi %add3A_208, %rem3A_240 : vector<16xi32>
        %ne3A_242 = arith.constant 0 : i32
        %ne3A_243 = vector.broadcast %ne3A_242 : i32 to vector<16xi32>
        %ne3A_244 = arith.cmpi ne, %rem3A_241, %ne3A_243 : vector<16xi32>
        %lt3A_245 = arith.constant 0 : i32
        %lt3A_246 = vector.broadcast %lt3A_245 : i32 to vector<16xi32>
        %lt3A_247 = arith.cmpi slt, %rem3A_241, %lt3A_246 : vector<16xi32>
        %lt3A_248 = arith.constant 0 : i32
        %lt3A_249 = arith.cmpi slt, %select_n3A_239, %lt3A_248 : i32
        %ne3A_250 = vector.broadcast %lt3A_249 : i1 to vector<16xi1>
        %ne3A_251 = vector.broadcast %ne3A_250 : vector<16xi1> to vector<16xi1>
        %ne3A_252 = arith.xori %lt3A_247, %ne3A_251 : vector<16xi1>
        %and3A_253 = arith.andi %ne3A_252, %ne3A_244 : vector<16xi1>
        %add3A_254 = vector.broadcast %select_n3A_239 : i32 to vector<16xi32>
        %add3A_255 = arith.addi %rem3A_241, %add3A_254 : vector<16xi32>
        %select_n3A_256 = arith.select %and3A_253, %add3A_255, %rem3A_241 : vector<16xi1>, vector<16xi32>
        %add3A_257 = arith.constant 64 : i32
        %add3A_258 = vector.broadcast %add3A_257 : i32 to vector<16xi32>
        %add3A_259 = arith.addi %select_n3A_256, %add3A_258 : vector<16xi32>
        %gather3A = tpu.vector_load_idx %arg10[%select_n3A_235, %add3A_259] : memref<128x128xf32, #tpu.memory_space<vmem>>[vector<16xi32>, vector<16xi32>], vector<16xf32>,
        %add3A_260 = arith.constant 64 : i32
        %add3A_261 = vector.broadcast %add3A_260 : i32 to vector<16xi32>
        %add3A_262 = arith.addi %select_n3A_256, %add3A_261 : vector<16xi32>
        %add3A_263 = arith.constant 4 : i32
        %add3A_264 = vector.broadcast %add3A_263 : i32 to vector<16xi32>
        %add3A_265 = arith.addi %add3A_262, %add3A_264 : vector<16xi32>
        %gather3A_266 = tpu.vector_load_idx %arg11[%select_n3A_235, %add3A_265] : memref<128x128xf32, #tpu.memory_space<vmem>>[vector<16xi32>, vector<16xi32>], vector<16xf32>,
        %jit3A_267 = arith.constant 1 : i32
        %eq3A_268 = arith.constant 0 : i32
        %eq3A_269 = arith.cmpi eq, %jit3A_267, %eq3A_268 : i32
        %jit3A_270 = arith.constant 1 : i32
        %select_n3A_271 = arith.select %eq3A_269, %jit3A_270, %jit3A_267 : i32
        %rem3A_272 = arith.remsi %scan3A_204, %select_n3A_271 : i32
        %ne3A_273 = arith.constant 0 : i32
        %ne3A_274 = arith.cmpi ne, %rem3A_272, %ne3A_273 : i32
        %lt3A_275 = arith.constant 0 : i32
        %lt3A_276 = arith.cmpi slt, %rem3A_272, %lt3A_275 : i32
        %lt3A_277 = arith.constant 0 : i32
        %lt3A_278 = arith.cmpi slt, %select_n3A_271, %lt3A_277 : i32
        %ne3A_279 = arith.xori %lt3A_276, %lt3A_278 : i1
        %and3A_280 = arith.andi %ne3A_279, %ne3A_274 : i1
        %add3A_281 = arith.addi %rem3A_272, %select_n3A_271 : i32
        %select_n3A_282 = arith.select %and3A_280, %add3A_281, %rem3A_272 : i32
        %mul3A_283 = arith.constant 16 : i32
        %mul3A_284 = arith.muli %mul3A_283, %select_n3A_282 : i32
        %get3A_285 = arith.index_cast %mul3A_284 : i32 to index
        %get3A_286 = tpu.vector_load %arg14[%get3A_285] {strides = array<i32>} : memref<16xf32, #tpu.memory_space<vmem>>, vector<16xf32>,
        %add3A_287 = arith.addf %gather3A, %gather3A_266 : vector<16xf32>
        %mul3A_288 = arith.constant 2.000000e-01 : f32
        %mul3A_289 = vector.broadcast %mul3A_288 : f32 to vector<16xf32>
        %mul3A_290 = arith.mulf %mul3A_289, %add3A_287 : vector<16xf32>
        %max3A = arith.maximumf %add3A_287, %mul3A_290 : vector<16xf32>
        %add3A_291 = arith.addf %get3A_286, %gather3A_266 : vector<16xf32>
        %max3A_292 = arith.constant 0.000000e+00 : f32
        %max3A_293 = vector.broadcast %max3A_292 : f32 to vector<16xf32>
        %max3A_294 = arith.maximumf %add3A_291, %max3A_293 : vector<16xf32>
        %sub3A_295 = arith.subf %max3A, %max3A_294 : vector<16xf32>
        %exp3A = math.exp %sub3A_295 : vector<16xf32>
        %mul3A_296 = arith.constant 16 : i32
        %mul3A_297 = arith.muli %mul3A_296, %scan3A_204 : i32
        %swap3A_298 = arith.index_cast %mul3A_297 : i32 to index
        %swap3A_299 = tpu.vector_load %arg13[%swap3A_298] {strides = array<i32>} : memref<512xf32, #tpu.memory_space<vmem>>, vector<16xf32>,
        tpu.vector_store %arg13[%swap3A_298], %exp3A {strides = array<i32>} : memref<512xf32, #tpu.memory_space<vmem>>, vector<16xf32>,
        %add3A_300 = arith.constant 64 : i32
        %add3A_301 = vector.broadcast %add3A_300 : i32 to vector<16xi32>
        %add3A_302 = arith.addi %select_n3A_256, %add3A_301 : vector<16xi32>
        tpu.vector_store_idx %arg12[%select_n3A_235, %add3A_302], %exp3A : memref<128x128xf32, #tpu.memory_space<vmem>>[vector<16xi32>, vector<16xi32>], vector<16xf32>,
      }
      %scan3A_197 = arith.constant 32 : i32
      %scan3A_198 = arith.constant 0 : i32
      %scan3A_199 = arith.constant 0 : i32
      %scan3A_200 = arith.constant 128 : i32
      %scan3A_201 = arith.addi %scan3A_199, %scan3A_200 : i32
      %scan3A_202 = arith.constant 1 : i32
      scf.for %scan3A_204 = %scan3A_199 to %scan3A_201 step %scan3A_202  : i32 {
        %mul3A_205 = arith.constant 4 : i32
        %mul3A_206 = arith.muli %scan3A_204, %mul3A_205 : i32
        %add3A_207 = arith.constant 0 : i32
        %add3A_208 = arith.addi %mul3A_206, %add3A_207 : i32
        %broadcast_in_dim3A_209 = vector.broadcast %add3A_208 : i32 to vector<16xi32>
        %gather3A = tpu.vector_load_idx %arg13[%broadcast_in_dim3A_209] : memref<512xf32, #tpu.memory_space<vmem>>[vector<16xi32>], vector<16xf32>,
        %get3A_210 = arith.index_cast %scan3A_204 : i32 to index
        %get3A_211 = arith.constant 0 : index
        %get3A_212 = tpu.vector_load %arg10[%get3A_210, %get3A_211] {strides = array<i32>} : memref<128x128xf32, #tpu.memory_space<vmem>>, vector<16xf32>,
        %mul3A_213 = arith.mulf %get3A_212, %gather3A : vector<16xf32>
        %swap3A_214 = arith.index_cast %scan3A_204 : i32 to index
        %swap3A_215 = arith.constant 0 : index
        %swap3A_216 = tpu.vector_load %arg12[%swap3A_214, %swap3A_215] {strides = array<i32>} : memref<128x128xf32, #tpu.memory_space<vmem>>, vector<16xf32>,
        tpu.vector_store %arg12[%swap3A_214, %swap3A_215], %mul3A_213 {strides = array<i32>} : memref<128x128xf32, #tpu.memory_space<vmem>>, vector<16xf32>,
        %mul3A_217 = arith.constant 4 : i32
        %mul3A_218 = arith.muli %scan3A_204, %mul3A_217 : i32
        %add3A_219 = arith.constant 1 : i32
        %add3A_220 = arith.addi %mul3A_218, %add3A_219 : i32
        %broadcast_in_dim3A_221 = vector.broadcast %add3A_220 : i32 to vector<16xi32>
        %gather3A_222 = tpu.vector_load_idx %arg13[%broadcast_in_dim3A_221] : memref<512xf32, #tpu.memory_space<vmem>>[vector<16xi32>], vector<16xf32>,
        %get3A_223 = arith.index_cast %scan3A_204 : i32 to index
        %get3A_224 = arith.constant 16 : index
        %get3A_225 = tpu.vector_load %arg10[%get3A_223, %get3A_224] {strides = array<i32>} : memref<128x128xf32, #tpu.memory_space<vmem>>, vector<16xf32>,
        %mul3A_226 = arith.mulf %get3A_225, %gather3A_222 : vector<16xf32>
        %swap3A_227 = arith.index_cast %scan3A_204 : i32 to index
        %swap3A_228 = arith.constant 16 : index
        %swap3A_229 = tpu.vector_load %arg12[%swap3A_227, %swap3A_228] {strides = array<i32>} : memref<128x128xf32, #tpu.memory_space<vmem>>, vector<16xf32>,
        tpu.vector_store %arg12[%swap3A_227, %swap3A_228], %mul3A_226 {strides = array<i32>} : memref<128x128xf32, #tpu.memory_space<vmem>>, vector<16xf32>,
        %mul3A_230 = arith.constant 4 : i32
        %mul3A_231 = arith.muli %scan3A_204, %mul3A_230 : i32
        %add3A_232 = arith.constant 2 : i32
        %add3A_233 = arith.addi %mul3A_231, %add3A_232 : i32
        %broadcast_in_dim3A_234 = vector.broadcast %add3A_233 : i32 to vector<16xi32>
        %gather3A_235 = tpu.vector_load_idx %arg13[%broadcast_in_dim3A_234] : memref<512xf32, #tpu.memory_space<vmem>>[vector<16xi32>], vector<16xf32>,
        %get3A_236 = arith.index_cast %scan3A_204 : i32 to index
        %get3A_237 = arith.constant 32 : index
        %get3A_238 = tpu.vector_load %arg10[%get3A_236, %get3A_237] {strides = array<i32>} : memref<128x128xf32, #tpu.memory_space<vmem>>, vector<16xf32>,
        %mul3A_239 = arith.mulf %get3A_238, %gather3A_235 : vector<16xf32>
        %swap3A_240 = arith.index_cast %scan3A_204 : i32 to index
        %swap3A_241 = arith.constant 32 : index
        %swap3A_242 = tpu.vector_load %arg12[%swap3A_240, %swap3A_241] {strides = array<i32>} : memref<128x128xf32, #tpu.memory_space<vmem>>, vector<16xf32>,
        tpu.vector_store %arg12[%swap3A_240, %swap3A_241], %mul3A_239 {strides = array<i32>} : memref<128x128xf32, #tpu.memory_space<vmem>>, vector<16xf32>,
        %mul3A_243 = arith.constant 4 : i32
        %mul3A_244 = arith.muli %scan3A_204, %mul3A_243 : i32
        %add3A_245 = arith.constant 3 : i32
        %add3A_246 = arith.addi %mul3A_244, %add3A_245 : i32
        %broadcast_in_dim3A_247 = vector.broadcast %add3A_246 : i32 to vector<16xi32>
        %gather3A_248 = tpu.vector_load_idx %arg13[%broadcast_in_dim3A_247] : memref<512xf32, #tpu.memory_space<vmem>>[vector<16xi32>], vector<16xf32>,
        %get3A_249 = arith.index_cast %scan3A_204 : i32 to index
        %get3A_250 = arith.constant 48 : index
        %get3A_251 = tpu.vector_load %arg10[%get3A_249, %get3A_250] {strides = array<i32>} : memref<128x128xf32, #tpu.memory_space<vmem>>, vector<16xf32>,
        %mul3A_252 = arith.mulf %get3A_251, %gather3A_248 : vector<16xf32>
        %swap3A_253 = arith.index_cast %scan3A_204 : i32 to index
        %swap3A_254 = arith.constant 48 : index
        %swap3A_255 = tpu.vector_load %arg12[%swap3A_253, %swap3A_254] {strides = array<i32>} : memref<128x128xf32, #tpu.memory_space<vmem>>, vector<16xf32>,
        tpu.vector_store %arg12[%swap3A_253, %swap3A_254], %mul3A_252 {strides = array<i32>} : memref<128x128xf32, #tpu.memory_space<vmem>>, vector<16xf32>,
      }
      %scan3A_203 = arith.constant 128 : i32
      "tpu.region"() ({
        %run_scoped3A = tpu.sem_alloc : memref<!tpu.dma_semaphore, #tpu.memory_space<semaphore_mem>>
        %dma_start3A_204 = arith.constant 0 : i32
        %dma_start3A_205 = arith.constant 0 : i32
        %dma_start3A_206 = tpu.memref_slice %arg16[%dma_start3A_204, %dma_start3A_205] : memref<5760x128xf32, #tpu.memory_space<vmem_shared>> -> memref<5760x128xf32, #tpu.memory_space<vmem_shared>>
        tpu.enqueue_indirect_dma source(%arg12 : memref<128x128xf32, #tpu.memory_space<vmem>>) target(%dma_start3A_206 : memref<5760x128xf32, #tpu.memory_space<vmem_shared>>) offsets(%arg9 : memref<128xi32, #tpu.memory_space<vmem>>) semaphore(%run_scoped3A : memref<!tpu.dma_semaphore, #tpu.memory_space<semaphore_mem>>) {add = true}
        %dma_wait3A_207 = arith.constant 0 : i32
        %dma_wait3A_208 = arith.constant 0 : i32
        %dma_wait3A_209 = tpu.memref_slice %arg16[%dma_wait3A_207, %dma_wait3A_208] : memref<5760x128xf32, #tpu.memory_space<vmem_shared>> -> memref<5760x128xf32, #tpu.memory_space<vmem_shared>>
        tpu.wait_indirect_dma semaphore(%run_scoped3A : memref<!tpu.dma_semaphore, #tpu.memory_space<semaphore_mem>>) src(%arg12 : memref<128x128xf32, #tpu.memory_space<vmem>>) dst(%dma_wait3A_209 : memref<5760x128xf32, #tpu.memory_space<vmem_shared>>)
        tpu.yield
      }) : () -> ()
    }
    %scan3A_49 = arith.constant 162 : i32
    %barrier3A_50 = arith.constant 0 : index
    tpu.barrier barrier_id(%barrier3A_50)
    %mul3A_51 = arith.constant 320 : i32
    %mul3A_52 = arith.muli %arg1, %mul3A_51 : i32
    %mul3A_53 = arith.constant 5120 : i32
    %mul3A_54 = arith.muli %arg0, %mul3A_53 : i32
    %mul3A_55 = arith.constant 320 : i32
    %mul3A_56 = arith.muli %arg1, %mul3A_55 : i32
    %add3A_57 = arith.addi %mul3A_54, %mul3A_56 : i32
    "tpu.region"() ({
      %run_scoped3A = tpu.sem_alloc : memref<!tpu.dma_semaphore, #tpu.memory_space<semaphore_mem>>
      %dma_start3A = arith.constant 0 : i32
      %dma_start3A_58 = tpu.memref_slice %arg6[%add3A_57, %dma_start3A] : memref<10240x128xf32, #tpu.memory_space<hbm>> -> memref<320x128xf32, #tpu.memory_space<hbm>>
      %dma_start3A_59 = arith.constant 0 : i32
      %dma_start3A_60 = tpu.memref_slice %arg16[%mul3A_52, %dma_start3A_59] : memref<5760x128xf32, #tpu.memory_space<vmem_shared>> -> memref<320x128xf32, #tpu.memory_space<vmem_shared>>
      tpu.enqueue_dma source(%dma_start3A_60 : memref<320x128xf32, #tpu.memory_space<vmem_shared>>) target(%dma_start3A_58 : memref<320x128xf32, #tpu.memory_space<hbm>>) target_semaphore(%run_scoped3A : memref<!tpu.dma_semaphore, #tpu.memory_space<semaphore_mem>>)
      %dma_wait3A = arith.constant 0 : i32
      %dma_wait3A_61 = tpu.memref_slice %arg6[%add3A_57, %dma_wait3A] : memref<10240x128xf32, #tpu.memory_space<hbm>> -> memref<320x128xf32, #tpu.memory_space<hbm>>
      %dma_wait3A_62 = arith.constant 0 : i32
      %dma_wait3A_63 = tpu.memref_slice %arg16[%mul3A_52, %dma_wait3A_62] : memref<5760x128xf32, #tpu.memory_space<vmem_shared>> -> memref<320x128xf32, #tpu.memory_space<vmem_shared>>
      tpu.wait_dma2 semaphore(%run_scoped3A : memref<!tpu.dma_semaphore, #tpu.memory_space<semaphore_mem>>) src(%dma_wait3A_63 : memref<320x128xf32, #tpu.memory_space<vmem_shared>>) dst(%dma_wait3A_61 : memref<320x128xf32, #tpu.memory_space<hbm>>)
      tpu.yield
    }) : () -> ()
    return
  }
}

#map = affine_map<(d0, d1) -> (0, 0)>
#map1 = affine_map<(d0, d1) -> (0)>
module attributes {stable_mosaic.version = 14 : i64} {
  func.func @sc(%arg0: i32, %arg1: i32, %arg2: memref<10240x128xf32, #tpu.memory_space<hbm>>, %arg3: memref<16xf32, #tpu.memory_space<hbm>>, %arg4: memref<331776xi32, #tpu.memory_space<hbm>>, %arg5: memref<331776xi32, #tpu.memory_space<hbm>>, %arg6: memref<10240x128xf32, #tpu.memory_space<hbm>>, %arg7: memref<128xi32, #tpu.memory_space<vmem>>, %arg8: memref<128xi32, #tpu.memory_space<vmem>>, %arg9: memref<128xi32, #tpu.memory_space<vmem>>, %arg10: memref<128x128xf32, #tpu.memory_space<vmem>>, %arg11: memref<128x128xf32, #tpu.memory_space<vmem>>, %arg12: memref<128x128xf32, #tpu.memory_space<vmem>>, %arg13: memref<512xf32, #tpu.memory_space<vmem>>, %arg14: memref<16xf32, #tpu.memory_space<vmem>>, %arg15: memref<40x128xf32, #tpu.memory_space<vmem>>, %arg16: memref<5760x128xf32, #tpu.memory_space<vmem_shared>>, %arg17: memref<!tpu.dma_semaphore, #tpu.memory_space<semaphore_mem>>, %arg18: memref<!tpu.dma_semaphore, #tpu.memory_space<semaphore_mem>>) attributes {dimension_semantics = [#tpu.dimension_semantics<core_parallel>, #tpu.dimension_semantics<subcore_parallel>], iteration_bounds = array<i64: 2, 16>, scalar_prefetch = 0 : i64, scratch_operands = 12 : i64, tpu.core_type = #tpu.core_type<sc_vector_subcore>, window_params = [{transform_indices = #map}, {transform_indices = #map1}, {transform_indices = #map1}, {transform_indices = #map1}, {transform_indices = #map}]} {
    %broadcast_in_dim3A = arith.constant 0.000000e+00 : f32
    %broadcast_in_dim3A_0 = vector.broadcast %broadcast_in_dim3A : f32 to vector<16xf32>
    %scan3A = arith.constant 0 : i32
    %scan3A_1 = arith.constant 0 : i32
    %scan3A_2 = arith.constant 40 : i32
    %scan3A_3 = arith.addi %scan3A_1, %scan3A_2 : i32
    %scan3A_4 = arith.constant 1 : i32
    scf.for %scan3A_58 = %scan3A_1 to %scan3A_3 step %scan3A_4  : i32 {
      %swap3A = arith.index_cast %scan3A_58 : i32 to index
      %swap3A_59 = arith.constant 0 : index
      %swap3A_60 = tpu.vector_load %arg15[%swap3A, %swap3A_59] {strides = array<i32>} : memref<40x128xf32, #tpu.memory_space<vmem>>, vector<16xf32>,
      tpu.vector_store %arg15[%swap3A, %swap3A_59], %broadcast_in_dim3A_0 {strides = array<i32>} : memref<40x128xf32, #tpu.memory_space<vmem>>, vector<16xf32>,
      %swap3A_61 = arith.index_cast %scan3A_58 : i32 to index
      %swap3A_62 = arith.constant 16 : index
      %swap3A_63 = tpu.vector_load %arg15[%swap3A_61, %swap3A_62] {strides = array<i32>} : memref<40x128xf32, #tpu.memory_space<vmem>>, vector<16xf32>,
      tpu.vector_store %arg15[%swap3A_61, %swap3A_62], %broadcast_in_dim3A_0 {strides = array<i32>} : memref<40x128xf32, #tpu.memory_space<vmem>>, vector<16xf32>,
      %swap3A_64 = arith.index_cast %scan3A_58 : i32 to index
      %swap3A_65 = arith.constant 32 : index
      %swap3A_66 = tpu.vector_load %arg15[%swap3A_64, %swap3A_65] {strides = array<i32>} : memref<40x128xf32, #tpu.memory_space<vmem>>, vector<16xf32>,
      tpu.vector_store %arg15[%swap3A_64, %swap3A_65], %broadcast_in_dim3A_0 {strides = array<i32>} : memref<40x128xf32, #tpu.memory_space<vmem>>, vector<16xf32>,
      %swap3A_67 = arith.index_cast %scan3A_58 : i32 to index
      %swap3A_68 = arith.constant 48 : index
      %swap3A_69 = tpu.vector_load %arg15[%swap3A_67, %swap3A_68] {strides = array<i32>} : memref<40x128xf32, #tpu.memory_space<vmem>>, vector<16xf32>,
      tpu.vector_store %arg15[%swap3A_67, %swap3A_68], %broadcast_in_dim3A_0 {strides = array<i32>} : memref<40x128xf32, #tpu.memory_space<vmem>>, vector<16xf32>,
      %swap3A_70 = arith.index_cast %scan3A_58 : i32 to index
      %swap3A_71 = arith.constant 64 : index
      %swap3A_72 = tpu.vector_load %arg15[%swap3A_70, %swap3A_71] {strides = array<i32>} : memref<40x128xf32, #tpu.memory_space<vmem>>, vector<16xf32>,
      tpu.vector_store %arg15[%swap3A_70, %swap3A_71], %broadcast_in_dim3A_0 {strides = array<i32>} : memref<40x128xf32, #tpu.memory_space<vmem>>, vector<16xf32>,
      %swap3A_73 = arith.index_cast %scan3A_58 : i32 to index
      %swap3A_74 = arith.constant 80 : index
      %swap3A_75 = tpu.vector_load %arg15[%swap3A_73, %swap3A_74] {strides = array<i32>} : memref<40x128xf32, #tpu.memory_space<vmem>>, vector<16xf32>,
      tpu.vector_store %arg15[%swap3A_73, %swap3A_74], %broadcast_in_dim3A_0 {strides = array<i32>} : memref<40x128xf32, #tpu.memory_space<vmem>>, vector<16xf32>,
      %swap3A_76 = arith.index_cast %scan3A_58 : i32 to index
      %swap3A_77 = arith.constant 96 : index
      %swap3A_78 = tpu.vector_load %arg15[%swap3A_76, %swap3A_77] {strides = array<i32>} : memref<40x128xf32, #tpu.memory_space<vmem>>, vector<16xf32>,
      tpu.vector_store %arg15[%swap3A_76, %swap3A_77], %broadcast_in_dim3A_0 {strides = array<i32>} : memref<40x128xf32, #tpu.memory_space<vmem>>, vector<16xf32>,
      %swap3A_79 = arith.index_cast %scan3A_58 : i32 to index
      %swap3A_80 = arith.constant 112 : index
      %swap3A_81 = tpu.vector_load %arg15[%swap3A_79, %swap3A_80] {strides = array<i32>} : memref<40x128xf32, #tpu.memory_space<vmem>>, vector<16xf32>,
      tpu.vector_store %arg15[%swap3A_79, %swap3A_80], %broadcast_in_dim3A_0 {strides = array<i32>} : memref<40x128xf32, #tpu.memory_space<vmem>>, vector<16xf32>,
    }
    %scan3A_5 = arith.constant 40 : i32
    %mul3A = arith.constant 360 : i32
    %mul3A_6 = arith.muli %arg1, %mul3A : i32
    %add3A = arith.constant 0 : i32
    %add3A_7 = arith.addi %mul3A_6, %add3A : i32
    "tpu.region"() ({
      %run_scoped3A = tpu.sem_alloc : memref<!tpu.dma_semaphore, #tpu.memory_space<semaphore_mem>>
      %dma_start3A = arith.constant 0 : i32
      %dma_start3A_58 = tpu.memref_slice %arg16[%add3A_7, %dma_start3A] : memref<5760x128xf32, #tpu.memory_space<vmem_shared>> -> memref<40x128xf32, #tpu.memory_space<vmem_shared>>
      %dma_start3A_59 = arith.constant 0 : i32
      %dma_start3A_60 = tpu.memref_slice %arg16[%add3A_7, %dma_start3A_59] : memref<5760x128xf32, #tpu.memory_space<vmem_shared>> -> memref<40x128xf32, #tpu.memory_space<vmem_shared>>
      tpu.enqueue_dma source(%arg15 : memref<40x128xf32, #tpu.memory_space<vmem>>) target(%dma_start3A_60 : memref<40x128xf32, #tpu.memory_space<vmem_shared>>) target_semaphore(%run_scoped3A : memref<!tpu.dma_semaphore, #tpu.memory_space<semaphore_mem>>)
      %dma_wait3A = arith.constant 0 : i32
      %dma_wait3A_61 = tpu.memref_slice %arg16[%add3A_7, %dma_wait3A] : memref<5760x128xf32, #tpu.memory_space<vmem_shared>> -> memref<40x128xf32, #tpu.memory_space<vmem_shared>>
      %dma_wait3A_62 = arith.constant 0 : i32
      %dma_wait3A_63 = tpu.memref_slice %arg16[%add3A_7, %dma_wait3A_62] : memref<5760x128xf32, #tpu.memory_space<vmem_shared>> -> memref<40x128xf32, #tpu.memory_space<vmem_shared>>
      tpu.wait_dma2 semaphore(%run_scoped3A : memref<!tpu.dma_semaphore, #tpu.memory_space<semaphore_mem>>) src(%arg15 : memref<40x128xf32, #tpu.memory_space<vmem>>) dst(%dma_wait3A_63 : memref<40x128xf32, #tpu.memory_space<vmem_shared>>)
      tpu.yield
    }) : () -> ()
    %mul3A_8 = arith.constant 360 : i32
    %mul3A_9 = arith.muli %arg1, %mul3A_8 : i32
    %add3A_10 = arith.constant 40 : i32
    %add3A_11 = arith.addi %mul3A_9, %add3A_10 : i32
    "tpu.region"() ({
      %run_scoped3A = tpu.sem_alloc : memref<!tpu.dma_semaphore, #tpu.memory_space<semaphore_mem>>
      %dma_start3A = arith.constant 0 : i32
      %dma_start3A_58 = tpu.memref_slice %arg16[%add3A_11, %dma_start3A] : memref<5760x128xf32, #tpu.memory_space<vmem_shared>> -> memref<40x128xf32, #tpu.memory_space<vmem_shared>>
      %dma_start3A_59 = arith.constant 0 : i32
      %dma_start3A_60 = tpu.memref_slice %arg16[%add3A_11, %dma_start3A_59] : memref<5760x128xf32, #tpu.memory_space<vmem_shared>> -> memref<40x128xf32, #tpu.memory_space<vmem_shared>>
      tpu.enqueue_dma source(%arg15 : memref<40x128xf32, #tpu.memory_space<vmem>>) target(%dma_start3A_60 : memref<40x128xf32, #tpu.memory_space<vmem_shared>>) target_semaphore(%run_scoped3A : memref<!tpu.dma_semaphore, #tpu.memory_space<semaphore_mem>>)
      %dma_wait3A = arith.constant 0 : i32
      %dma_wait3A_61 = tpu.memref_slice %arg16[%add3A_11, %dma_wait3A] : memref<5760x128xf32, #tpu.memory_space<vmem_shared>> -> memref<40x128xf32, #tpu.memory_space<vmem_shared>>
      %dma_wait3A_62 = arith.constant 0 : i32
      %dma_wait3A_63 = tpu.memref_slice %arg16[%add3A_11, %dma_wait3A_62] : memref<5760x128xf32, #tpu.memory_space<vmem_shared>> -> memref<40x128xf32, #tpu.memory_space<vmem_shared>>
      tpu.wait_dma2 semaphore(%run_scoped3A : memref<!tpu.dma_semaphore, #tpu.memory_space<semaphore_mem>>) src(%arg15 : memref<40x128xf32, #tpu.memory_space<vmem>>) dst(%dma_wait3A_63 : memref<40x128xf32, #tpu.memory_space<vmem_shared>>)
      tpu.yield
    }) : () -> ()
    %mul3A_12 = arith.constant 360 : i32
    %mul3A_13 = arith.muli %arg1, %mul3A_12 : i32
    %add3A_14 = arith.constant 80 : i32
    %add3A_15 = arith.addi %mul3A_13, %add3A_14 : i32
    "tpu.region"() ({
      %run_scoped3A = tpu.sem_alloc : memref<!tpu.dma_semaphore, #tpu.memory_space<semaphore_mem>>
      %dma_start3A = arith.constant 0 : i32
      %dma_start3A_58 = tpu.memref_slice %arg16[%add3A_15, %dma_start3A] : memref<5760x128xf32, #tpu.memory_space<vmem_shared>> -> memref<40x128xf32, #tpu.memory_space<vmem_shared>>
      %dma_start3A_59 = arith.constant 0 : i32
      %dma_start3A_60 = tpu.memref_slice %arg16[%add3A_15, %dma_start3A_59] : memref<5760x128xf32, #tpu.memory_space<vmem_shared>> -> memref<40x128xf32, #tpu.memory_space<vmem_shared>>
      tpu.enqueue_dma source(%arg15 : memref<40x128xf32, #tpu.memory_space<vmem>>) target(%dma_start3A_60 : memref<40x128xf32, #tpu.memory_space<vmem_shared>>) target_semaphore(%run_scoped3A : memref<!tpu.dma_semaphore, #tpu.memory_space<semaphore_mem>>)
      %dma_wait3A = arith.constant 0 : i32
      %dma_wait3A_61 = tpu.memref_slice %arg16[%add3A_15, %dma_wait3A] : memref<5760x128xf32, #tpu.memory_space<vmem_shared>> -> memref<40x128xf32, #tpu.memory_space<vmem_shared>>
      %dma_wait3A_62 = arith.constant 0 : i32
      %dma_wait3A_63 = tpu.memref_slice %arg16[%add3A_15, %dma_wait3A_62] : memref<5760x128xf32, #tpu.memory_space<vmem_shared>> -> memref<40x128xf32, #tpu.memory_space<vmem_shared>>
      tpu.wait_dma2 semaphore(%run_scoped3A : memref<!tpu.dma_semaphore, #tpu.memory_space<semaphore_mem>>) src(%arg15 : memref<40x128xf32, #tpu.memory_space<vmem>>) dst(%dma_wait3A_63 : memref<40x128xf32, #tpu.memory_space<vmem_shared>>)
      tpu.yield
    }) : () -> ()
    %mul3A_16 = arith.constant 360 : i32
    %mul3A_17 = arith.muli %arg1, %mul3A_16 : i32
    %add3A_18 = arith.constant 120 : i32
    %add3A_19 = arith.addi %mul3A_17, %add3A_18 : i32
    "tpu.region"() ({
      %run_scoped3A = tpu.sem_alloc : memref<!tpu.dma_semaphore, #tpu.memory_space<semaphore_mem>>
      %dma_start3A = arith.constant 0 : i32
      %dma_start3A_58 = tpu.memref_slice %arg16[%add3A_19, %dma_start3A] : memref<5760x128xf32, #tpu.memory_space<vmem_shared>> -> memref<40x128xf32, #tpu.memory_space<vmem_shared>>
      %dma_start3A_59 = arith.constant 0 : i32
      %dma_start3A_60 = tpu.memref_slice %arg16[%add3A_19, %dma_start3A_59] : memref<5760x128xf32, #tpu.memory_space<vmem_shared>> -> memref<40x128xf32, #tpu.memory_space<vmem_shared>>
      tpu.enqueue_dma source(%arg15 : memref<40x128xf32, #tpu.memory_space<vmem>>) target(%dma_start3A_60 : memref<40x128xf32, #tpu.memory_space<vmem_shared>>) target_semaphore(%run_scoped3A : memref<!tpu.dma_semaphore, #tpu.memory_space<semaphore_mem>>)
      %dma_wait3A = arith.constant 0 : i32
      %dma_wait3A_61 = tpu.memref_slice %arg16[%add3A_19, %dma_wait3A] : memref<5760x128xf32, #tpu.memory_space<vmem_shared>> -> memref<40x128xf32, #tpu.memory_space<vmem_shared>>
      %dma_wait3A_62 = arith.constant 0 : i32
      %dma_wait3A_63 = tpu.memref_slice %arg16[%add3A_19, %dma_wait3A_62] : memref<5760x128xf32, #tpu.memory_space<vmem_shared>> -> memref<40x128xf32, #tpu.memory_space<vmem_shared>>
      tpu.wait_dma2 semaphore(%run_scoped3A : memref<!tpu.dma_semaphore, #tpu.memory_space<semaphore_mem>>) src(%arg15 : memref<40x128xf32, #tpu.memory_space<vmem>>) dst(%dma_wait3A_63 : memref<40x128xf32, #tpu.memory_space<vmem_shared>>)
      tpu.yield
    }) : () -> ()
    %mul3A_20 = arith.constant 360 : i32
    %mul3A_21 = arith.muli %arg1, %mul3A_20 : i32
    %add3A_22 = arith.constant 160 : i32
    %add3A_23 = arith.addi %mul3A_21, %add3A_22 : i32
    "tpu.region"() ({
      %run_scoped3A = tpu.sem_alloc : memref<!tpu.dma_semaphore, #tpu.memory_space<semaphore_mem>>
      %dma_start3A = arith.constant 0 : i32
      %dma_start3A_58 = tpu.memref_slice %arg16[%add3A_23, %dma_start3A] : memref<5760x128xf32, #tpu.memory_space<vmem_shared>> -> memref<40x128xf32, #tpu.memory_space<vmem_shared>>
      %dma_start3A_59 = arith.constant 0 : i32
      %dma_start3A_60 = tpu.memref_slice %arg16[%add3A_23, %dma_start3A_59] : memref<5760x128xf32, #tpu.memory_space<vmem_shared>> -> memref<40x128xf32, #tpu.memory_space<vmem_shared>>
      tpu.enqueue_dma source(%arg15 : memref<40x128xf32, #tpu.memory_space<vmem>>) target(%dma_start3A_60 : memref<40x128xf32, #tpu.memory_space<vmem_shared>>) target_semaphore(%run_scoped3A : memref<!tpu.dma_semaphore, #tpu.memory_space<semaphore_mem>>)
      %dma_wait3A = arith.constant 0 : i32
      %dma_wait3A_61 = tpu.memref_slice %arg16[%add3A_23, %dma_wait3A] : memref<5760x128xf32, #tpu.memory_space<vmem_shared>> -> memref<40x128xf32, #tpu.memory_space<vmem_shared>>
      %dma_wait3A_62 = arith.constant 0 : i32
      %dma_wait3A_63 = tpu.memref_slice %arg16[%add3A_23, %dma_wait3A_62] : memref<5760x128xf32, #tpu.memory_space<vmem_shared>> -> memref<40x128xf32, #tpu.memory_space<vmem_shared>>
      tpu.wait_dma2 semaphore(%run_scoped3A : memref<!tpu.dma_semaphore, #tpu.memory_space<semaphore_mem>>) src(%arg15 : memref<40x128xf32, #tpu.memory_space<vmem>>) dst(%dma_wait3A_63 : memref<40x128xf32, #tpu.memory_space<vmem_shared>>)
      tpu.yield
    }) : () -> ()
    %mul3A_24 = arith.constant 360 : i32
    %mul3A_25 = arith.muli %arg1, %mul3A_24 : i32
    %add3A_26 = arith.constant 200 : i32
    %add3A_27 = arith.addi %mul3A_25, %add3A_26 : i32
    "tpu.region"() ({
      %run_scoped3A = tpu.sem_alloc : memref<!tpu.dma_semaphore, #tpu.memory_space<semaphore_mem>>
      %dma_start3A = arith.constant 0 : i32
      %dma_start3A_58 = tpu.memref_slice %arg16[%add3A_27, %dma_start3A] : memref<5760x128xf32, #tpu.memory_space<vmem_shared>> -> memref<40x128xf32, #tpu.memory_space<vmem_shared>>
      %dma_start3A_59 = arith.constant 0 : i32
      %dma_start3A_60 = tpu.memref_slice %arg16[%add3A_27, %dma_start3A_59] : memref<5760x128xf32, #tpu.memory_space<vmem_shared>> -> memref<40x128xf32, #tpu.memory_space<vmem_shared>>
      tpu.enqueue_dma source(%arg15 : memref<40x128xf32, #tpu.memory_space<vmem>>) target(%dma_start3A_60 : memref<40x128xf32, #tpu.memory_space<vmem_shared>>) target_semaphore(%run_scoped3A : memref<!tpu.dma_semaphore, #tpu.memory_space<semaphore_mem>>)
      %dma_wait3A = arith.constant 0 : i32
      %dma_wait3A_61 = tpu.memref_slice %arg16[%add3A_27, %dma_wait3A] : memref<5760x128xf32, #tpu.memory_space<vmem_shared>> -> memref<40x128xf32, #tpu.memory_space<vmem_shared>>
      %dma_wait3A_62 = arith.constant 0 : i32
      %dma_wait3A_63 = tpu.memref_slice %arg16[%add3A_27, %dma_wait3A_62] : memref<5760x128xf32, #tpu.memory_space<vmem_shared>> -> memref<40x128xf32, #tpu.memory_space<vmem_shared>>
      tpu.wait_dma2 semaphore(%run_scoped3A : memref<!tpu.dma_semaphore, #tpu.memory_space<semaphore_mem>>) src(%arg15 : memref<40x128xf32, #tpu.memory_space<vmem>>) dst(%dma_wait3A_63 : memref<40x128xf32, #tpu.memory_space<vmem_shared>>)
      tpu.yield
    }) : () -> ()
    %mul3A_28 = arith.constant 360 : i32
    %mul3A_29 = arith.muli %arg1, %mul3A_28 : i32
    %add3A_30 = arith.constant 240 : i32
    %add3A_31 = arith.addi %mul3A_29, %add3A_30 : i32
    "tpu.region"() ({
      %run_scoped3A = tpu.sem_alloc : memref<!tpu.dma_semaphore, #tpu.memory_space<semaphore_mem>>
      %dma_start3A = arith.constant 0 : i32
      %dma_start3A_58 = tpu.memref_slice %arg16[%add3A_31, %dma_start3A] : memref<5760x128xf32, #tpu.memory_space<vmem_shared>> -> memref<40x128xf32, #tpu.memory_space<vmem_shared>>
      %dma_start3A_59 = arith.constant 0 : i32
      %dma_start3A_60 = tpu.memref_slice %arg16[%add3A_31, %dma_start3A_59] : memref<5760x128xf32, #tpu.memory_space<vmem_shared>> -> memref<40x128xf32, #tpu.memory_space<vmem_shared>>
      tpu.enqueue_dma source(%arg15 : memref<40x128xf32, #tpu.memory_space<vmem>>) target(%dma_start3A_60 : memref<40x128xf32, #tpu.memory_space<vmem_shared>>) target_semaphore(%run_scoped3A : memref<!tpu.dma_semaphore, #tpu.memory_space<semaphore_mem>>)
      %dma_wait3A = arith.constant 0 : i32
      %dma_wait3A_61 = tpu.memref_slice %arg16[%add3A_31, %dma_wait3A] : memref<5760x128xf32, #tpu.memory_space<vmem_shared>> -> memref<40x128xf32, #tpu.memory_space<vmem_shared>>
      %dma_wait3A_62 = arith.constant 0 : i32
      %dma_wait3A_63 = tpu.memref_slice %arg16[%add3A_31, %dma_wait3A_62] : memref<5760x128xf32, #tpu.memory_space<vmem_shared>> -> memref<40x128xf32, #tpu.memory_space<vmem_shared>>
      tpu.wait_dma2 semaphore(%run_scoped3A : memref<!tpu.dma_semaphore, #tpu.memory_space<semaphore_mem>>) src(%arg15 : memref<40x128xf32, #tpu.memory_space<vmem>>) dst(%dma_wait3A_63 : memref<40x128xf32, #tpu.memory_space<vmem_shared>>)
      tpu.yield
    }) : () -> ()
    %mul3A_32 = arith.constant 360 : i32
    %mul3A_33 = arith.muli %arg1, %mul3A_32 : i32
    %add3A_34 = arith.constant 280 : i32
    %add3A_35 = arith.addi %mul3A_33, %add3A_34 : i32
    "tpu.region"() ({
      %run_scoped3A = tpu.sem_alloc : memref<!tpu.dma_semaphore, #tpu.memory_space<semaphore_mem>>
      %dma_start3A = arith.constant 0 : i32
      %dma_start3A_58 = tpu.memref_slice %arg16[%add3A_35, %dma_start3A] : memref<5760x128xf32, #tpu.memory_space<vmem_shared>> -> memref<40x128xf32, #tpu.memory_space<vmem_shared>>
      %dma_start3A_59 = arith.constant 0 : i32
      %dma_start3A_60 = tpu.memref_slice %arg16[%add3A_35, %dma_start3A_59] : memref<5760x128xf32, #tpu.memory_space<vmem_shared>> -> memref<40x128xf32, #tpu.memory_space<vmem_shared>>
      tpu.enqueue_dma source(%arg15 : memref<40x128xf32, #tpu.memory_space<vmem>>) target(%dma_start3A_60 : memref<40x128xf32, #tpu.memory_space<vmem_shared>>) target_semaphore(%run_scoped3A : memref<!tpu.dma_semaphore, #tpu.memory_space<semaphore_mem>>)
      %dma_wait3A = arith.constant 0 : i32
      %dma_wait3A_61 = tpu.memref_slice %arg16[%add3A_35, %dma_wait3A] : memref<5760x128xf32, #tpu.memory_space<vmem_shared>> -> memref<40x128xf32, #tpu.memory_space<vmem_shared>>
      %dma_wait3A_62 = arith.constant 0 : i32
      %dma_wait3A_63 = tpu.memref_slice %arg16[%add3A_35, %dma_wait3A_62] : memref<5760x128xf32, #tpu.memory_space<vmem_shared>> -> memref<40x128xf32, #tpu.memory_space<vmem_shared>>
      tpu.wait_dma2 semaphore(%run_scoped3A : memref<!tpu.dma_semaphore, #tpu.memory_space<semaphore_mem>>) src(%arg15 : memref<40x128xf32, #tpu.memory_space<vmem>>) dst(%dma_wait3A_63 : memref<40x128xf32, #tpu.memory_space<vmem_shared>>)
      tpu.yield
    }) : () -> ()
    %mul3A_36 = arith.constant 360 : i32
    %mul3A_37 = arith.muli %arg1, %mul3A_36 : i32
    %add3A_38 = arith.constant 320 : i32
    %add3A_39 = arith.addi %mul3A_37, %add3A_38 : i32
    "tpu.region"() ({
      %run_scoped3A = tpu.sem_alloc : memref<!tpu.dma_semaphore, #tpu.memory_space<semaphore_mem>>
      %dma_start3A = arith.constant 0 : i32
      %dma_start3A_58 = tpu.memref_slice %arg16[%add3A_39, %dma_start3A] : memref<5760x128xf32, #tpu.memory_space<vmem_shared>> -> memref<40x128xf32, #tpu.memory_space<vmem_shared>>
      %dma_start3A_59 = arith.constant 0 : i32
      %dma_start3A_60 = tpu.memref_slice %arg16[%add3A_39, %dma_start3A_59] : memref<5760x128xf32, #tpu.memory_space<vmem_shared>> -> memref<40x128xf32, #tpu.memory_space<vmem_shared>>
      tpu.enqueue_dma source(%arg15 : memref<40x128xf32, #tpu.memory_space<vmem>>) target(%dma_start3A_60 : memref<40x128xf32, #tpu.memory_space<vmem_shared>>) target_semaphore(%run_scoped3A : memref<!tpu.dma_semaphore, #tpu.memory_space<semaphore_mem>>)
      %dma_wait3A = arith.constant 0 : i32
      %dma_wait3A_61 = tpu.memref_slice %arg16[%add3A_39, %dma_wait3A] : memref<5760x128xf32, #tpu.memory_space<vmem_shared>> -> memref<40x128xf32, #tpu.memory_space<vmem_shared>>
      %dma_wait3A_62 = arith.constant 0 : i32
      %dma_wait3A_63 = tpu.memref_slice %arg16[%add3A_39, %dma_wait3A_62] : memref<5760x128xf32, #tpu.memory_space<vmem_shared>> -> memref<40x128xf32, #tpu.memory_space<vmem_shared>>
      tpu.wait_dma2 semaphore(%run_scoped3A : memref<!tpu.dma_semaphore, #tpu.memory_space<semaphore_mem>>) src(%arg15 : memref<40x128xf32, #tpu.memory_space<vmem>>) dst(%dma_wait3A_63 : memref<40x128xf32, #tpu.memory_space<vmem_shared>>)
      tpu.yield
    }) : () -> ()
    "tpu.region"() ({
      %run_scoped3A = tpu.sem_alloc : memref<!tpu.dma_semaphore, #tpu.memory_space<semaphore_mem>>
      tpu.enqueue_dma source(%arg3 : memref<16xf32, #tpu.memory_space<hbm>>) target(%arg14 : memref<16xf32, #tpu.memory_space<vmem>>) target_semaphore(%run_scoped3A : memref<!tpu.dma_semaphore, #tpu.memory_space<semaphore_mem>>)
      tpu.wait_dma2 semaphore(%run_scoped3A : memref<!tpu.dma_semaphore, #tpu.memory_space<semaphore_mem>>) src(%arg3 : memref<16xf32, #tpu.memory_space<hbm>>) dst(%arg14 : memref<16xf32, #tpu.memory_space<vmem>>)
      tpu.yield
    }) : () -> ()
    %barrier3A = arith.constant 0 : index
    tpu.barrier barrier_id(%barrier3A)
    %iota3A = tpu.iota {dimensions = array<i32: 0>} : vector<16xi32>
    %mul3A_40 = arith.constant 20736 : i32
    %mul3A_41 = arith.muli %arg1, %mul3A_40 : i32
    %mul3A_42 = arith.constant 5120 : i32
    %mul3A_43 = arith.muli %arg0, %mul3A_42 : i32
    %scan3A_44 = arith.constant 0 : i32
    %scan3A_45 = arith.constant 0 : i32
    %scan3A_46 = arith.constant 162 : i32
    %scan3A_47 = arith.addi %scan3A_45, %scan3A_46 : i32
    %scan3A_48 = arith.constant 1 : i32
    scf.for %scan3A_58 = %scan3A_45 to %scan3A_47 step %scan3A_48  : i32 {
      %mul3A_59 = arith.constant 128 : i32
      %mul3A_60 = arith.muli %scan3A_58, %mul3A_59 : i32
      %add3A_61 = arith.addi %mul3A_41, %mul3A_60 : i32
      %multiple_of3A = tpu.assume_multiple %add3A_61, 128 : i32
      "tpu.region"() ({
        %run_scoped3A = tpu.sem_alloc : memref<!tpu.dma_semaphore, #tpu.memory_space<semaphore_mem>>
        %dma_start3A_204 = tpu.memref_slice %arg4[%multiple_of3A] : memref<331776xi32, #tpu.memory_space<hbm>> -> memref<128xi32, #tpu.memory_space<hbm>>
        %dma_start3A_205 = tpu.memref_slice %arg4[%multiple_of3A] : memref<331776xi32, #tpu.memory_space<hbm>> -> memref<128xi32, #tpu.memory_space<hbm>>
        tpu.enqueue_dma source(%dma_start3A_205 : memref<128xi32, #tpu.memory_space<hbm>>) target(%arg7 : memref<128xi32, #tpu.memory_space<vmem>>) target_semaphore(%run_scoped3A : memref<!tpu.dma_semaphore, #tpu.memory_space<semaphore_mem>>)
        %dma_wait3A_206 = tpu.memref_slice %arg4[%multiple_of3A] : memref<331776xi32, #tpu.memory_space<hbm>> -> memref<128xi32, #tpu.memory_space<hbm>>
        %dma_wait3A_207 = tpu.memref_slice %arg4[%multiple_of3A] : memref<331776xi32, #tpu.memory_space<hbm>> -> memref<128xi32, #tpu.memory_space<hbm>>
        tpu.wait_dma2 semaphore(%run_scoped3A : memref<!tpu.dma_semaphore, #tpu.memory_space<semaphore_mem>>) src(%dma_wait3A_207 : memref<128xi32, #tpu.memory_space<hbm>>) dst(%arg7 : memref<128xi32, #tpu.memory_space<vmem>>)
        tpu.yield
      }) : () -> ()
      "tpu.region"() ({
        %run_scoped3A = tpu.sem_alloc : memref<!tpu.dma_semaphore, #tpu.memory_space<semaphore_mem>>
        %dma_start3A_204 = tpu.memref_slice %arg5[%multiple_of3A] : memref<331776xi32, #tpu.memory_space<hbm>> -> memref<128xi32, #tpu.memory_space<hbm>>
        %dma_start3A_205 = tpu.memref_slice %arg5[%multiple_of3A] : memref<331776xi32, #tpu.memory_space<hbm>> -> memref<128xi32, #tpu.memory_space<hbm>>
        tpu.enqueue_dma source(%dma_start3A_205 : memref<128xi32, #tpu.memory_space<hbm>>) target(%arg8 : memref<128xi32, #tpu.memory_space<vmem>>) target_semaphore(%run_scoped3A : memref<!tpu.dma_semaphore, #tpu.memory_space<semaphore_mem>>)
        %dma_wait3A_206 = tpu.memref_slice %arg5[%multiple_of3A] : memref<331776xi32, #tpu.memory_space<hbm>> -> memref<128xi32, #tpu.memory_space<hbm>>
        %dma_wait3A_207 = tpu.memref_slice %arg5[%multiple_of3A] : memref<331776xi32, #tpu.memory_space<hbm>> -> memref<128xi32, #tpu.memory_space<hbm>>
        tpu.wait_dma2 semaphore(%run_scoped3A : memref<!tpu.dma_semaphore, #tpu.memory_space<semaphore_mem>>) src(%dma_wait3A_207 : memref<128xi32, #tpu.memory_space<hbm>>) dst(%arg8 : memref<128xi32, #tpu.memory_space<vmem>>)
        tpu.yield
      }) : () -> ()
      %dma_start3A = arith.constant 0 : i32
      %dma_start3A_62 = arith.constant 0 : i32
      %dma_start3A_63 = tpu.memref_slice %arg2[%dma_start3A, %dma_start3A_62] : memref<10240x128xf32, #tpu.memory_space<hbm>> -> memref<10240x128xf32, #tpu.memory_space<hbm>>
      tpu.enqueue_indirect_dma source(%dma_start3A_63 : memref<10240x128xf32, #tpu.memory_space<hbm>>) target(%arg10 : memref<128x128xf32, #tpu.memory_space<vmem>>) offsets(%arg7 : memref<128xi32, #tpu.memory_space<vmem>>) semaphore(%arg17 : memref<!tpu.dma_semaphore, #tpu.memory_space<semaphore_mem>>)
      %dma_start3A_64 = arith.constant 0 : i32
      %dma_start3A_65 = arith.constant 0 : i32
      %dma_start3A_66 = tpu.memref_slice %arg2[%dma_start3A_64, %dma_start3A_65] : memref<10240x128xf32, #tpu.memory_space<hbm>> -> memref<10240x128xf32, #tpu.memory_space<hbm>>
      tpu.enqueue_indirect_dma source(%dma_start3A_66 : memref<10240x128xf32, #tpu.memory_space<hbm>>) target(%arg11 : memref<128x128xf32, #tpu.memory_space<vmem>>) offsets(%arg8 : memref<128xi32, #tpu.memory_space<vmem>>) semaphore(%arg18 : memref<!tpu.dma_semaphore, #tpu.memory_space<semaphore_mem>>)
      %get3A = arith.constant 0 : index
      %get3A_67 = tpu.vector_load %arg8[%get3A] {strides = array<i32>} : memref<128xi32, #tpu.memory_space<vmem>>, vector<16xi32>,
      %sub3A = vector.broadcast %mul3A_43 : i32 to vector<16xi32>
      %sub3A_68 = arith.subi %get3A_67, %sub3A : vector<16xi32>
      %ge3A = arith.constant 0 : i32
      %ge3A_69 = vector.broadcast %ge3A : i32 to vector<16xi32>
      %ge3A_70 = arith.cmpi sge, %sub3A_68, %ge3A_69 : vector<16xi32>
      %lt3A = arith.constant 5120 : i32
      %lt3A_71 = vector.broadcast %lt3A : i32 to vector<16xi32>
      %lt3A_72 = arith.cmpi slt, %sub3A_68, %lt3A_71 : vector<16xi32>
      %and3A = arith.andi %ge3A_70, %lt3A_72 : vector<16xi1>
      %jit3A = arith.constant 5120 : i32
      %broadcast_in_dim3A_73 = vector.broadcast %jit3A : i32 to vector<16xi32>
      %select_n3A = arith.select %and3A, %sub3A_68, %broadcast_in_dim3A_73 : vector<16xi1>, vector<16xi32>
      %swap3A = arith.constant 0 : index
      %swap3A_74 = tpu.vector_load %arg9[%swap3A] {strides = array<i32>} : memref<128xi32, #tpu.memory_space<vmem>>, vector<16xi32>,
      tpu.vector_store %arg9[%swap3A], %select_n3A {strides = array<i32>} : memref<128xi32, #tpu.memory_space<vmem>>, vector<16xi32>,
      %get3A_75 = arith.constant 16 : index
      %get3A_76 = tpu.vector_load %arg8[%get3A_75] {strides = array<i32>} : memref<128xi32, #tpu.memory_space<vmem>>, vector<16xi32>,
      %sub3A_77 = vector.broadcast %mul3A_43 : i32 to vector<16xi32>
      %sub3A_78 = arith.subi %get3A_76, %sub3A_77 : vector<16xi32>
      %ge3A_79 = arith.constant 0 : i32
      %ge3A_80 = vector.broadcast %ge3A_79 : i32 to vector<16xi32>
      %ge3A_81 = arith.cmpi sge, %sub3A_78, %ge3A_80 : vector<16xi32>
      %lt3A_82 = arith.constant 5120 : i32
      %lt3A_83 = vector.broadcast %lt3A_82 : i32 to vector<16xi32>
      %lt3A_84 = arith.cmpi slt, %sub3A_78, %lt3A_83 : vector<16xi32>
      %and3A_85 = arith.andi %ge3A_81, %lt3A_84 : vector<16xi1>
      %jit3A_86 = arith.constant 5120 : i32
      %broadcast_in_dim3A_87 = vector.broadcast %jit3A_86 : i32 to vector<16xi32>
      %select_n3A_88 = arith.select %and3A_85, %sub3A_78, %broadcast_in_dim3A_87 : vector<16xi1>, vector<16xi32>
      %swap3A_89 = arith.constant 16 : index
      %swap3A_90 = tpu.vector_load %arg9[%swap3A_89] {strides = array<i32>} : memref<128xi32, #tpu.memory_space<vmem>>, vector<16xi32>,
      tpu.vector_store %arg9[%swap3A_89], %select_n3A_88 {strides = array<i32>} : memref<128xi32, #tpu.memory_space<vmem>>, vector<16xi32>,
      %get3A_91 = arith.constant 32 : index
      %get3A_92 = tpu.vector_load %arg8[%get3A_91] {strides = array<i32>} : memref<128xi32, #tpu.memory_space<vmem>>, vector<16xi32>,
      %sub3A_93 = vector.broadcast %mul3A_43 : i32 to vector<16xi32>
      %sub3A_94 = arith.subi %get3A_92, %sub3A_93 : vector<16xi32>
      %ge3A_95 = arith.constant 0 : i32
      %ge3A_96 = vector.broadcast %ge3A_95 : i32 to vector<16xi32>
      %ge3A_97 = arith.cmpi sge, %sub3A_94, %ge3A_96 : vector<16xi32>
      %lt3A_98 = arith.constant 5120 : i32
      %lt3A_99 = vector.broadcast %lt3A_98 : i32 to vector<16xi32>
      %lt3A_100 = arith.cmpi slt, %sub3A_94, %lt3A_99 : vector<16xi32>
      %and3A_101 = arith.andi %ge3A_97, %lt3A_100 : vector<16xi1>
      %jit3A_102 = arith.constant 5120 : i32
      %broadcast_in_dim3A_103 = vector.broadcast %jit3A_102 : i32 to vector<16xi32>
      %select_n3A_104 = arith.select %and3A_101, %sub3A_94, %broadcast_in_dim3A_103 : vector<16xi1>, vector<16xi32>
      %swap3A_105 = arith.constant 32 : index
      %swap3A_106 = tpu.vector_load %arg9[%swap3A_105] {strides = array<i32>} : memref<128xi32, #tpu.memory_space<vmem>>, vector<16xi32>,
      tpu.vector_store %arg9[%swap3A_105], %select_n3A_104 {strides = array<i32>} : memref<128xi32, #tpu.memory_space<vmem>>, vector<16xi32>,
      %get3A_107 = arith.constant 48 : index
      %get3A_108 = tpu.vector_load %arg8[%get3A_107] {strides = array<i32>} : memref<128xi32, #tpu.memory_space<vmem>>, vector<16xi32>,
      %sub3A_109 = vector.broadcast %mul3A_43 : i32 to vector<16xi32>
      %sub3A_110 = arith.subi %get3A_108, %sub3A_109 : vector<16xi32>
      %ge3A_111 = arith.constant 0 : i32
      %ge3A_112 = vector.broadcast %ge3A_111 : i32 to vector<16xi32>
      %ge3A_113 = arith.cmpi sge, %sub3A_110, %ge3A_112 : vector<16xi32>
      %lt3A_114 = arith.constant 5120 : i32
      %lt3A_115 = vector.broadcast %lt3A_114 : i32 to vector<16xi32>
      %lt3A_116 = arith.cmpi slt, %sub3A_110, %lt3A_115 : vector<16xi32>
      %and3A_117 = arith.andi %ge3A_113, %lt3A_116 : vector<16xi1>
      %jit3A_118 = arith.constant 5120 : i32
      %broadcast_in_dim3A_119 = vector.broadcast %jit3A_118 : i32 to vector<16xi32>
      %select_n3A_120 = arith.select %and3A_117, %sub3A_110, %broadcast_in_dim3A_119 : vector<16xi1>, vector<16xi32>
      %swap3A_121 = arith.constant 48 : index
      %swap3A_122 = tpu.vector_load %arg9[%swap3A_121] {strides = array<i32>} : memref<128xi32, #tpu.memory_space<vmem>>, vector<16xi32>,
      tpu.vector_store %arg9[%swap3A_121], %select_n3A_120 {strides = array<i32>} : memref<128xi32, #tpu.memory_space<vmem>>, vector<16xi32>,
      %get3A_123 = arith.constant 64 : index
      %get3A_124 = tpu.vector_load %arg8[%get3A_123] {strides = array<i32>} : memref<128xi32, #tpu.memory_space<vmem>>, vector<16xi32>,
      %sub3A_125 = vector.broadcast %mul3A_43 : i32 to vector<16xi32>
      %sub3A_126 = arith.subi %get3A_124, %sub3A_125 : vector<16xi32>
      %ge3A_127 = arith.constant 0 : i32
      %ge3A_128 = vector.broadcast %ge3A_127 : i32 to vector<16xi32>
      %ge3A_129 = arith.cmpi sge, %sub3A_126, %ge3A_128 : vector<16xi32>
      %lt3A_130 = arith.constant 5120 : i32
      %lt3A_131 = vector.broadcast %lt3A_130 : i32 to vector<16xi32>
      %lt3A_132 = arith.cmpi slt, %sub3A_126, %lt3A_131 : vector<16xi32>
      %and3A_133 = arith.andi %ge3A_129, %lt3A_132 : vector<16xi1>
      %jit3A_134 = arith.constant 5120 : i32
      %broadcast_in_dim3A_135 = vector.broadcast %jit3A_134 : i32 to vector<16xi32>
      %select_n3A_136 = arith.select %and3A_133, %sub3A_126, %broadcast_in_dim3A_135 : vector<16xi1>, vector<16xi32>
      %swap3A_137 = arith.constant 64 : index
      %swap3A_138 = tpu.vector_load %arg9[%swap3A_137] {strides = array<i32>} : memref<128xi32, #tpu.memory_space<vmem>>, vector<16xi32>,
      tpu.vector_store %arg9[%swap3A_137], %select_n3A_136 {strides = array<i32>} : memref<128xi32, #tpu.memory_space<vmem>>, vector<16xi32>,
      %get3A_139 = arith.constant 80 : index
      %get3A_140 = tpu.vector_load %arg8[%get3A_139] {strides = array<i32>} : memref<128xi32, #tpu.memory_space<vmem>>, vector<16xi32>,
      %sub3A_141 = vector.broadcast %mul3A_43 : i32 to vector<16xi32>
      %sub3A_142 = arith.subi %get3A_140, %sub3A_141 : vector<16xi32>
      %ge3A_143 = arith.constant 0 : i32
      %ge3A_144 = vector.broadcast %ge3A_143 : i32 to vector<16xi32>
      %ge3A_145 = arith.cmpi sge, %sub3A_142, %ge3A_144 : vector<16xi32>
      %lt3A_146 = arith.constant 5120 : i32
      %lt3A_147 = vector.broadcast %lt3A_146 : i32 to vector<16xi32>
      %lt3A_148 = arith.cmpi slt, %sub3A_142, %lt3A_147 : vector<16xi32>
      %and3A_149 = arith.andi %ge3A_145, %lt3A_148 : vector<16xi1>
      %jit3A_150 = arith.constant 5120 : i32
      %broadcast_in_dim3A_151 = vector.broadcast %jit3A_150 : i32 to vector<16xi32>
      %select_n3A_152 = arith.select %and3A_149, %sub3A_142, %broadcast_in_dim3A_151 : vector<16xi1>, vector<16xi32>
      %swap3A_153 = arith.constant 80 : index
      %swap3A_154 = tpu.vector_load %arg9[%swap3A_153] {strides = array<i32>} : memref<128xi32, #tpu.memory_space<vmem>>, vector<16xi32>,
      tpu.vector_store %arg9[%swap3A_153], %select_n3A_152 {strides = array<i32>} : memref<128xi32, #tpu.memory_space<vmem>>, vector<16xi32>,
      %get3A_155 = arith.constant 96 : index
      %get3A_156 = tpu.vector_load %arg8[%get3A_155] {strides = array<i32>} : memref<128xi32, #tpu.memory_space<vmem>>, vector<16xi32>,
      %sub3A_157 = vector.broadcast %mul3A_43 : i32 to vector<16xi32>
      %sub3A_158 = arith.subi %get3A_156, %sub3A_157 : vector<16xi32>
      %ge3A_159 = arith.constant 0 : i32
      %ge3A_160 = vector.broadcast %ge3A_159 : i32 to vector<16xi32>
      %ge3A_161 = arith.cmpi sge, %sub3A_158, %ge3A_160 : vector<16xi32>
      %lt3A_162 = arith.constant 5120 : i32
      %lt3A_163 = vector.broadcast %lt3A_162 : i32 to vector<16xi32>
      %lt3A_164 = arith.cmpi slt, %sub3A_158, %lt3A_163 : vector<16xi32>
      %and3A_165 = arith.andi %ge3A_161, %lt3A_164 : vector<16xi1>
      %jit3A_166 = arith.constant 5120 : i32
      %broadcast_in_dim3A_167 = vector.broadcast %jit3A_166 : i32 to vector<16xi32>
      %select_n3A_168 = arith.select %and3A_165, %sub3A_158, %broadcast_in_dim3A_167 : vector<16xi1>, vector<16xi32>
      %swap3A_169 = arith.constant 96 : index
      %swap3A_170 = tpu.vector_load %arg9[%swap3A_169] {strides = array<i32>} : memref<128xi32, #tpu.memory_space<vmem>>, vector<16xi32>,
      tpu.vector_store %arg9[%swap3A_169], %select_n3A_168 {strides = array<i32>} : memref<128xi32, #tpu.memory_space<vmem>>, vector<16xi32>,
      %get3A_171 = arith.constant 112 : index
      %get3A_172 = tpu.vector_load %arg8[%get3A_171] {strides = array<i32>} : memref<128xi32, #tpu.memory_space<vmem>>, vector<16xi32>,
      %sub3A_173 = vector.broadcast %mul3A_43 : i32 to vector<16xi32>
      %sub3A_174 = arith.subi %get3A_172, %sub3A_173 : vector<16xi32>
      %ge3A_175 = arith.constant 0 : i32
      %ge3A_176 = vector.broadcast %ge3A_175 : i32 to vector<16xi32>
      %ge3A_177 = arith.cmpi sge, %sub3A_174, %ge3A_176 : vector<16xi32>
      %lt3A_178 = arith.constant 5120 : i32
      %lt3A_179 = vector.broadcast %lt3A_178 : i32 to vector<16xi32>
      %lt3A_180 = arith.cmpi slt, %sub3A_174, %lt3A_179 : vector<16xi32>
      %and3A_181 = arith.andi %ge3A_177, %lt3A_180 : vector<16xi1>
      %jit3A_182 = arith.constant 5120 : i32
      %broadcast_in_dim3A_183 = vector.broadcast %jit3A_182 : i32 to vector<16xi32>
      %select_n3A_184 = arith.select %and3A_181, %sub3A_174, %broadcast_in_dim3A_183 : vector<16xi1>, vector<16xi32>
      %swap3A_185 = arith.constant 112 : index
      %swap3A_186 = tpu.vector_load %arg9[%swap3A_185] {strides = array<i32>} : memref<128xi32, #tpu.memory_space<vmem>>, vector<16xi32>,
      tpu.vector_store %arg9[%swap3A_185], %select_n3A_184 {strides = array<i32>} : memref<128xi32, #tpu.memory_space<vmem>>, vector<16xi32>,
      %dma_wait3A = arith.constant 0 : i32
      %dma_wait3A_187 = arith.constant 0 : i32
      %dma_wait3A_188 = tpu.memref_slice %arg2[%dma_wait3A, %dma_wait3A_187] : memref<10240x128xf32, #tpu.memory_space<hbm>> -> memref<10240x128xf32, #tpu.memory_space<hbm>>
      tpu.wait_indirect_dma semaphore(%arg17 : memref<!tpu.dma_semaphore, #tpu.memory_space<semaphore_mem>>) src(%dma_wait3A_188 : memref<10240x128xf32, #tpu.memory_space<hbm>>) dst(%arg10 : memref<128x128xf32, #tpu.memory_space<vmem>>)
      %dma_wait3A_189 = arith.constant 0 : i32
      %dma_wait3A_190 = arith.constant 0 : i32
      %dma_wait3A_191 = tpu.memref_slice %arg2[%dma_wait3A_189, %dma_wait3A_190] : memref<10240x128xf32, #tpu.memory_space<hbm>> -> memref<10240x128xf32, #tpu.memory_space<hbm>>
      tpu.wait_indirect_dma semaphore(%arg18 : memref<!tpu.dma_semaphore, #tpu.memory_space<semaphore_mem>>) src(%dma_wait3A_191 : memref<10240x128xf32, #tpu.memory_space<hbm>>) dst(%arg11 : memref<128x128xf32, #tpu.memory_space<vmem>>)
      %scan3A_192 = arith.constant 0 : i32
      %scan3A_193 = arith.constant 0 : i32
      %scan3A_194 = arith.constant 32 : i32
      %scan3A_195 = arith.addi %scan3A_193, %scan3A_194 : i32
      %scan3A_196 = arith.constant 1 : i32
      scf.for %scan3A_204 = %scan3A_193 to %scan3A_195 step %scan3A_196  : i32 {
        %mul3A_205 = arith.constant 16 : i32
        %mul3A_206 = arith.muli %mul3A_205, %scan3A_204 : i32
        %add3A_207 = vector.broadcast %mul3A_206 : i32 to vector<16xi32>
        %add3A_208 = arith.addi %iota3A, %add3A_207 : vector<16xi32>
        %jit3A_209 = arith.constant 4 : i32
        %div3A = vector.broadcast %jit3A_209 : i32 to vector<16xi32>
        %div3A_210 = arith.divsi %add3A_208, %div3A : vector<16xi32>
        %sign3A = arith.constant 0 : i32
        %sign3A_211 = vector.broadcast %sign3A : i32 to vector<16xi32>
        %sign3A_212 = arith.cmpi sgt, %add3A_208, %sign3A_211 : vector<16xi32>
        %sign3A_213 = arith.extui %sign3A_212 : vector<16xi1> to vector<16xi32>
        %sign3A_214 = arith.constant 0 : i32
        %sign3A_215 = vector.broadcast %sign3A_214 : i32 to vector<16xi32>
        %sign3A_216 = arith.cmpi slt, %add3A_208, %sign3A_215 : vector<16xi32>
        %sign3A_217 = arith.extui %sign3A_216 : vector<16xi1> to vector<16xi32>
        %sign3A_218 = arith.subi %sign3A_213, %sign3A_217 : vector<16xi32>
        %sign3A_219 = arith.constant 0 : i32
        %sign3A_220 = arith.cmpi sgt, %jit3A_209, %sign3A_219 : i32
        %sign3A_221 = arith.extui %sign3A_220 : i1 to i32
        %sign3A_222 = arith.constant 0 : i32
        %sign3A_223 = arith.cmpi slt, %jit3A_209, %sign3A_222 : i32
        %sign3A_224 = arith.extui %sign3A_223 : i1 to i32
        %sign3A_225 = arith.subi %sign3A_221, %sign3A_224 : i32
        %ne3A = vector.broadcast %sign3A_225 : i32 to vector<16xi32>
        %ne3A_226 = arith.cmpi ne, %sign3A_218, %ne3A : vector<16xi32>
        %rem3A = vector.broadcast %jit3A_209 : i32 to vector<16xi32>
        %rem3A_227 = arith.remsi %add3A_208, %rem3A : vector<16xi32>
        %ne3A_228 = arith.constant 0 : i32
        %ne3A_229 = vector.broadcast %ne3A_228 : i32 to vector<16xi32>
        %ne3A_230 = arith.cmpi ne, %rem3A_227, %ne3A_229 : vector<16xi32>
        %and3A_231 = arith.andi %ne3A_226, %ne3A_230 : vector<16xi1>
        %sub3A_232 = arith.constant 1 : i32
        %sub3A_233 = vector.broadcast %sub3A_232 : i32 to vector<16xi32>
        %sub3A_234 = arith.subi %div3A_210, %sub3A_233 : vector<16xi32>
        %select_n3A_235 = arith.select %and3A_231, %sub3A_234, %div3A_210 : vector<16xi1>, vector<16xi32>
        %jit3A_236 = arith.constant 4 : i32
        %eq3A = arith.constant 0 : i32
        %eq3A_237 = arith.cmpi eq, %jit3A_236, %eq3A : i32
        %jit3A_238 = arith.constant 1 : i32
        %select_n3A_239 = arith.select %eq3A_237, %jit3A_238, %jit3A_236 : i32
        %rem3A_240 = vector.broadcast %select_n3A_239 : i32 to vector<16xi32>
        %rem3A_241 = arith.remsi %add3A_208, %rem3A_240 : vector<16xi32>
        %ne3A_242 = arith.constant 0 : i32
        %ne3A_243 = vector.broadcast %ne3A_242 : i32 to vector<16xi32>
        %ne3A_244 = arith.cmpi ne, %rem3A_241, %ne3A_243 : vector<16xi32>
        %lt3A_245 = arith.constant 0 : i32
        %lt3A_246 = vector.broadcast %lt3A_245 : i32 to vector<16xi32>
        %lt3A_247 = arith.cmpi slt, %rem3A_241, %lt3A_246 : vector<16xi32>
        %lt3A_248 = arith.constant 0 : i32
        %lt3A_249 = arith.cmpi slt, %select_n3A_239, %lt3A_248 : i32
        %ne3A_250 = vector.broadcast %lt3A_249 : i1 to vector<16xi1>
        %ne3A_251 = vector.broadcast %ne3A_250 : vector<16xi1> to vector<16xi1>
        %ne3A_252 = arith.xori %lt3A_247, %ne3A_251 : vector<16xi1>
        %and3A_253 = arith.andi %ne3A_252, %ne3A_244 : vector<16xi1>
        %add3A_254 = vector.broadcast %select_n3A_239 : i32 to vector<16xi32>
        %add3A_255 = arith.addi %rem3A_241, %add3A_254 : vector<16xi32>
        %select_n3A_256 = arith.select %and3A_253, %add3A_255, %rem3A_241 : vector<16xi1>, vector<16xi32>
        %add3A_257 = arith.constant 64 : i32
        %add3A_258 = vector.broadcast %add3A_257 : i32 to vector<16xi32>
        %add3A_259 = arith.addi %select_n3A_256, %add3A_258 : vector<16xi32>
        %gather3A = tpu.vector_load_idx %arg10[%select_n3A_235, %add3A_259] : memref<128x128xf32, #tpu.memory_space<vmem>>[vector<16xi32>, vector<16xi32>], vector<16xf32>,
        %add3A_260 = arith.constant 64 : i32
        %add3A_261 = vector.broadcast %add3A_260 : i32 to vector<16xi32>
        %add3A_262 = arith.addi %select_n3A_256, %add3A_261 : vector<16xi32>
        %add3A_263 = arith.constant 4 : i32
        %add3A_264 = vector.broadcast %add3A_263 : i32 to vector<16xi32>
        %add3A_265 = arith.addi %add3A_262, %add3A_264 : vector<16xi32>
        %gather3A_266 = tpu.vector_load_idx %arg11[%select_n3A_235, %add3A_265] : memref<128x128xf32, #tpu.memory_space<vmem>>[vector<16xi32>, vector<16xi32>], vector<16xf32>,
        %jit3A_267 = arith.constant 1 : i32
        %eq3A_268 = arith.constant 0 : i32
        %eq3A_269 = arith.cmpi eq, %jit3A_267, %eq3A_268 : i32
        %jit3A_270 = arith.constant 1 : i32
        %select_n3A_271 = arith.select %eq3A_269, %jit3A_270, %jit3A_267 : i32
        %rem3A_272 = arith.remsi %scan3A_204, %select_n3A_271 : i32
        %ne3A_273 = arith.constant 0 : i32
        %ne3A_274 = arith.cmpi ne, %rem3A_272, %ne3A_273 : i32
        %lt3A_275 = arith.constant 0 : i32
        %lt3A_276 = arith.cmpi slt, %rem3A_272, %lt3A_275 : i32
        %lt3A_277 = arith.constant 0 : i32
        %lt3A_278 = arith.cmpi slt, %select_n3A_271, %lt3A_277 : i32
        %ne3A_279 = arith.xori %lt3A_276, %lt3A_278 : i1
        %and3A_280 = arith.andi %ne3A_279, %ne3A_274 : i1
        %add3A_281 = arith.addi %rem3A_272, %select_n3A_271 : i32
        %select_n3A_282 = arith.select %and3A_280, %add3A_281, %rem3A_272 : i32
        %mul3A_283 = arith.constant 16 : i32
        %mul3A_284 = arith.muli %mul3A_283, %select_n3A_282 : i32
        %get3A_285 = arith.index_cast %mul3A_284 : i32 to index
        %get3A_286 = tpu.vector_load %arg14[%get3A_285] {strides = array<i32>} : memref<16xf32, #tpu.memory_space<vmem>>, vector<16xf32>,
        %add3A_287 = arith.addf %gather3A, %gather3A_266 : vector<16xf32>
        %mul3A_288 = arith.constant 2.000000e-01 : f32
        %mul3A_289 = vector.broadcast %mul3A_288 : f32 to vector<16xf32>
        %mul3A_290 = arith.mulf %mul3A_289, %add3A_287 : vector<16xf32>
        %max3A = arith.maximumf %add3A_287, %mul3A_290 : vector<16xf32>
        %add3A_291 = arith.addf %get3A_286, %gather3A_266 : vector<16xf32>
        %max3A_292 = arith.constant 0.000000e+00 : f32
        %max3A_293 = vector.broadcast %max3A_292 : f32 to vector<16xf32>
        %max3A_294 = arith.maximumf %add3A_291, %max3A_293 : vector<16xf32>
        %sub3A_295 = arith.subf %max3A, %max3A_294 : vector<16xf32>
        %exp3A = math.exp %sub3A_295 : vector<16xf32>
        %mul3A_296 = arith.constant 16 : i32
        %mul3A_297 = arith.muli %mul3A_296, %scan3A_204 : i32
        %swap3A_298 = arith.index_cast %mul3A_297 : i32 to index
        %swap3A_299 = tpu.vector_load %arg13[%swap3A_298] {strides = array<i32>} : memref<512xf32, #tpu.memory_space<vmem>>, vector<16xf32>,
        tpu.vector_store %arg13[%swap3A_298], %exp3A {strides = array<i32>} : memref<512xf32, #tpu.memory_space<vmem>>, vector<16xf32>,
        %add3A_300 = arith.constant 64 : i32
        %add3A_301 = vector.broadcast %add3A_300 : i32 to vector<16xi32>
        %add3A_302 = arith.addi %select_n3A_256, %add3A_301 : vector<16xi32>
        tpu.vector_store_idx %arg12[%select_n3A_235, %add3A_302], %exp3A : memref<128x128xf32, #tpu.memory_space<vmem>>[vector<16xi32>, vector<16xi32>], vector<16xf32>,
      }
      %scan3A_197 = arith.constant 32 : i32
      %scan3A_198 = arith.constant 0 : i32
      %scan3A_199 = arith.constant 0 : i32
      %scan3A_200 = arith.constant 128 : i32
      %scan3A_201 = arith.addi %scan3A_199, %scan3A_200 : i32
      %scan3A_202 = arith.constant 1 : i32
      scf.for %scan3A_204 = %scan3A_199 to %scan3A_201 step %scan3A_202  : i32 {
        %mul3A_205 = arith.constant 4 : i32
        %mul3A_206 = arith.muli %scan3A_204, %mul3A_205 : i32
        %add3A_207 = arith.constant 0 : i32
        %add3A_208 = arith.addi %mul3A_206, %add3A_207 : i32
        %broadcast_in_dim3A_209 = vector.broadcast %add3A_208 : i32 to vector<16xi32>
        %gather3A = tpu.vector_load_idx %arg13[%broadcast_in_dim3A_209] : memref<512xf32, #tpu.memory_space<vmem>>[vector<16xi32>], vector<16xf32>,
        %get3A_210 = arith.index_cast %scan3A_204 : i32 to index
        %get3A_211 = arith.constant 0 : index
        %get3A_212 = tpu.vector_load %arg10[%get3A_210, %get3A_211] {strides = array<i32>} : memref<128x128xf32, #tpu.memory_space<vmem>>, vector<16xf32>,
        %mul3A_213 = arith.mulf %get3A_212, %gather3A : vector<16xf32>
        %swap3A_214 = arith.index_cast %scan3A_204 : i32 to index
        %swap3A_215 = arith.constant 0 : index
        %swap3A_216 = tpu.vector_load %arg12[%swap3A_214, %swap3A_215] {strides = array<i32>} : memref<128x128xf32, #tpu.memory_space<vmem>>, vector<16xf32>,
        tpu.vector_store %arg12[%swap3A_214, %swap3A_215], %mul3A_213 {strides = array<i32>} : memref<128x128xf32, #tpu.memory_space<vmem>>, vector<16xf32>,
        %mul3A_217 = arith.constant 4 : i32
        %mul3A_218 = arith.muli %scan3A_204, %mul3A_217 : i32
        %add3A_219 = arith.constant 1 : i32
        %add3A_220 = arith.addi %mul3A_218, %add3A_219 : i32
        %broadcast_in_dim3A_221 = vector.broadcast %add3A_220 : i32 to vector<16xi32>
        %gather3A_222 = tpu.vector_load_idx %arg13[%broadcast_in_dim3A_221] : memref<512xf32, #tpu.memory_space<vmem>>[vector<16xi32>], vector<16xf32>,
        %get3A_223 = arith.index_cast %scan3A_204 : i32 to index
        %get3A_224 = arith.constant 16 : index
        %get3A_225 = tpu.vector_load %arg10[%get3A_223, %get3A_224] {strides = array<i32>} : memref<128x128xf32, #tpu.memory_space<vmem>>, vector<16xf32>,
        %mul3A_226 = arith.mulf %get3A_225, %gather3A_222 : vector<16xf32>
        %swap3A_227 = arith.index_cast %scan3A_204 : i32 to index
        %swap3A_228 = arith.constant 16 : index
        %swap3A_229 = tpu.vector_load %arg12[%swap3A_227, %swap3A_228] {strides = array<i32>} : memref<128x128xf32, #tpu.memory_space<vmem>>, vector<16xf32>,
        tpu.vector_store %arg12[%swap3A_227, %swap3A_228], %mul3A_226 {strides = array<i32>} : memref<128x128xf32, #tpu.memory_space<vmem>>, vector<16xf32>,
        %mul3A_230 = arith.constant 4 : i32
        %mul3A_231 = arith.muli %scan3A_204, %mul3A_230 : i32
        %add3A_232 = arith.constant 2 : i32
        %add3A_233 = arith.addi %mul3A_231, %add3A_232 : i32
        %broadcast_in_dim3A_234 = vector.broadcast %add3A_233 : i32 to vector<16xi32>
        %gather3A_235 = tpu.vector_load_idx %arg13[%broadcast_in_dim3A_234] : memref<512xf32, #tpu.memory_space<vmem>>[vector<16xi32>], vector<16xf32>,
        %get3A_236 = arith.index_cast %scan3A_204 : i32 to index
        %get3A_237 = arith.constant 32 : index
        %get3A_238 = tpu.vector_load %arg10[%get3A_236, %get3A_237] {strides = array<i32>} : memref<128x128xf32, #tpu.memory_space<vmem>>, vector<16xf32>,
        %mul3A_239 = arith.mulf %get3A_238, %gather3A_235 : vector<16xf32>
        %swap3A_240 = arith.index_cast %scan3A_204 : i32 to index
        %swap3A_241 = arith.constant 32 : index
        %swap3A_242 = tpu.vector_load %arg12[%swap3A_240, %swap3A_241] {strides = array<i32>} : memref<128x128xf32, #tpu.memory_space<vmem>>, vector<16xf32>,
        tpu.vector_store %arg12[%swap3A_240, %swap3A_241], %mul3A_239 {strides = array<i32>} : memref<128x128xf32, #tpu.memory_space<vmem>>, vector<16xf32>,
        %mul3A_243 = arith.constant 4 : i32
        %mul3A_244 = arith.muli %scan3A_204, %mul3A_243 : i32
        %add3A_245 = arith.constant 3 : i32
        %add3A_246 = arith.addi %mul3A_244, %add3A_245 : i32
        %broadcast_in_dim3A_247 = vector.broadcast %add3A_246 : i32 to vector<16xi32>
        %gather3A_248 = tpu.vector_load_idx %arg13[%broadcast_in_dim3A_247] : memref<512xf32, #tpu.memory_space<vmem>>[vector<16xi32>], vector<16xf32>,
        %get3A_249 = arith.index_cast %scan3A_204 : i32 to index
        %get3A_250 = arith.constant 48 : index
        %get3A_251 = tpu.vector_load %arg10[%get3A_249, %get3A_250] {strides = array<i32>} : memref<128x128xf32, #tpu.memory_space<vmem>>, vector<16xf32>,
        %mul3A_252 = arith.mulf %get3A_251, %gather3A_248 : vector<16xf32>
        %swap3A_253 = arith.index_cast %scan3A_204 : i32 to index
        %swap3A_254 = arith.constant 48 : index
        %swap3A_255 = tpu.vector_load %arg12[%swap3A_253, %swap3A_254] {strides = array<i32>} : memref<128x128xf32, #tpu.memory_space<vmem>>, vector<16xf32>,
        tpu.vector_store %arg12[%swap3A_253, %swap3A_254], %mul3A_252 {strides = array<i32>} : memref<128x128xf32, #tpu.memory_space<vmem>>, vector<16xf32>,
      }
      %scan3A_203 = arith.constant 128 : i32
      "tpu.region"() ({
        %run_scoped3A = tpu.sem_alloc : memref<!tpu.dma_semaphore, #tpu.memory_space<semaphore_mem>>
        %dma_start3A_204 = arith.constant 0 : i32
        %dma_start3A_205 = arith.constant 0 : i32
        %dma_start3A_206 = tpu.memref_slice %arg16[%dma_start3A_204, %dma_start3A_205] : memref<5760x128xf32, #tpu.memory_space<vmem_shared>> -> memref<5760x128xf32, #tpu.memory_space<vmem_shared>>
        tpu.enqueue_indirect_dma source(%arg12 : memref<128x128xf32, #tpu.memory_space<vmem>>) target(%dma_start3A_206 : memref<5760x128xf32, #tpu.memory_space<vmem_shared>>) offsets(%arg9 : memref<128xi32, #tpu.memory_space<vmem>>) semaphore(%run_scoped3A : memref<!tpu.dma_semaphore, #tpu.memory_space<semaphore_mem>>) {add = true}
        %dma_wait3A_207 = arith.constant 0 : i32
        %dma_wait3A_208 = arith.constant 0 : i32
        %dma_wait3A_209 = tpu.memref_slice %arg16[%dma_wait3A_207, %dma_wait3A_208] : memref<5760x128xf32, #tpu.memory_space<vmem_shared>> -> memref<5760x128xf32, #tpu.memory_space<vmem_shared>>
        tpu.wait_indirect_dma semaphore(%run_scoped3A : memref<!tpu.dma_semaphore, #tpu.memory_space<semaphore_mem>>) src(%arg12 : memref<128x128xf32, #tpu.memory_space<vmem>>) dst(%dma_wait3A_209 : memref<5760x128xf32, #tpu.memory_space<vmem_shared>>)
        tpu.yield
      }) : () -> ()
    }
    %scan3A_49 = arith.constant 162 : i32
    %barrier3A_50 = arith.constant 0 : index
    tpu.barrier barrier_id(%barrier3A_50)
    %mul3A_51 = arith.constant 320 : i32
    %mul3A_52 = arith.muli %arg1, %mul3A_51 : i32
    %mul3A_53 = arith.constant 5120 : i32
    %mul3A_54 = arith.muli %arg0, %mul3A_53 : i32
    %mul3A_55 = arith.constant 320 : i32
    %mul3A_56 = arith.muli %arg1, %mul3A_55 : i32
    %add3A_57 = arith.addi %mul3A_54, %mul3A_56 : i32
    "tpu.region"() ({
      %run_scoped3A = tpu.sem_alloc : memref<!tpu.dma_semaphore, #tpu.memory_space<semaphore_mem>>
      %dma_start3A = arith.constant 0 : i32
      %dma_start3A_58 = tpu.memref_slice %arg6[%add3A_57, %dma_start3A] : memref<10240x128xf32, #tpu.memory_space<hbm>> -> memref<320x128xf32, #tpu.memory_space<hbm>>
      %dma_start3A_59 = arith.constant 0 : i32
      %dma_start3A_60 = tpu.memref_slice %arg16[%mul3A_52, %dma_start3A_59] : memref<5760x128xf32, #tpu.memory_space<vmem_shared>> -> memref<320x128xf32, #tpu.memory_space<vmem_shared>>
      tpu.enqueue_dma source(%dma_start3A_60 : memref<320x128xf32, #tpu.memory_space<vmem_shared>>) target(%dma_start3A_58 : memref<320x128xf32, #tpu.memory_space<hbm>>) target_semaphore(%run_scoped3A : memref<!tpu.dma_semaphore, #tpu.memory_space<semaphore_mem>>)
      %dma_wait3A = arith.constant 0 : i32
      %dma_wait3A_61 = tpu.memref_slice %arg6[%add3A_57, %dma_wait3A] : memref<10240x128xf32, #tpu.memory_space<hbm>> -> memref<320x128xf32, #tpu.memory_space<hbm>>
      %dma_wait3A_62 = arith.constant 0 : i32
      %dma_wait3A_63 = tpu.memref_slice %arg16[%mul3A_52, %dma_wait3A_62] : memref<5760x128xf32, #tpu.memory_space<vmem_shared>> -> memref<320x128xf32, #tpu.memory_space<vmem_shared>>
      tpu.wait_dma2 semaphore(%run_scoped3A : memref<!tpu.dma_semaphore, #tpu.memory_space<semaphore_mem>>) src(%dma_wait3A_63 : memref<320x128xf32, #tpu.memory_space<vmem_shared>>) dst(%dma_wait3A_61 : memref<320x128xf32, #tpu.memory_space<hbm>>)
      tpu.yield
    }) : () -> ()
    return
  }
}

module attributes {stable_mosaic.version = 14 : i64} {
  func.func @body(%arg0: i32, %arg1: memref<2048x128xf32, #tpu.memory_space<vmem>>, %arg2: memref<128x64xf32, #tpu.memory_space<vmem>>, %arg3: memref<64x4xf32, #tpu.memory_space<vmem>>, %arg4: memref<64x4xf32, #tpu.memory_space<vmem>>, %arg5: memref<2048x128xf32, #tpu.memory_space<vmem>>, %arg6: memref<8x128xf32, #tpu.memory_space<vmem>>) attributes {dimension_semantics = [#tpu.dimension_semantics<arbitrary>], iteration_bounds = array<i64: 5>, scalar_prefetch = 0 : i64, scratch_operands = 0 : i64, tpu.core_type = #tpu.core_type<tc>, window_params = [{transform_indices = @transform_0, window_bounds = array<i64: 2048, 128>}, {pipeline_mode = #tpu.pipeline_mode<synchronous>, transform_indices = @transform_1, window_bounds = array<i64: 128, 64>}, {pipeline_mode = #tpu.pipeline_mode<synchronous>, transform_indices = @transform_2, window_bounds = array<i64: 64, 4>}, {pipeline_mode = #tpu.pipeline_mode<synchronous>, transform_indices = @transform_3, window_bounds = array<i64: 64, 4>}, {transform_indices = @transform_4, window_bounds = array<i64: 2048, 128>}, {pipeline_mode = #tpu.pipeline_mode<synchronous>, transform_indices = @transform_5, window_bounds = array<i64: 8, 128>}]} {
    %get3A = arith.constant 0 : index
    %get3A_0 = arith.constant 0 : index
    %get3A_1 = vector.load %arg1[%get3A, %get3A_0] : memref<2048x128xf32, #tpu.memory_space<vmem>>, vector<2048x128xf32>
    %get3A_2 = arith.constant 0 : index
    %get3A_3 = arith.constant 0 : index
    %get3A_4 = vector.load %arg2[%get3A_2, %get3A_3] : memref<128x64xf32, #tpu.memory_space<vmem>>, vector<128x64xf32>
    %dot_general3A = arith.constant dense<0.000000e+00> : vector<2048x64xf32>
    %dot_general3A_5 = tpu.matmul %get3A_1, %get3A_4, %dot_general3A {dimension_numbers = #tpu.dot_dimension_numbers<[1], [0], [0], [1], [0, 0, 1, 1], [], []>, precision = #tpu.contract_precision<fp32>, transpose_lhs_hint = false} : vector<2048x128xf32>, vector<128x64xf32>, vector<2048x64xf32> -> vector<2048x64xf32>
    %get3A_6 = arith.constant 0 : index
    %get3A_7 = arith.constant 0 : index
    %get3A_8 = vector.load %arg3[%get3A_6, %get3A_7] : memref<64x4xf32, #tpu.memory_space<vmem>>, vector<64x4xf32>
    %dot_general3A_9 = arith.constant dense<0.000000e+00> : vector<2048x4xf32>
    %dot_general3A_10 = tpu.matmul %dot_general3A_5, %get3A_8, %dot_general3A_9 {dimension_numbers = #tpu.dot_dimension_numbers<[1], [0], [0], [1], [0, 0, 1, 1], [], []>, precision = #tpu.contract_precision<fp32>, transpose_lhs_hint = false} : vector<2048x64xf32>, vector<64x4xf32>, vector<2048x4xf32> -> vector<2048x4xf32>
    %get3A_11 = arith.constant 0 : index
    %get3A_12 = arith.constant 0 : index
    %get3A_13 = vector.load %arg4[%get3A_11, %get3A_12] : memref<64x4xf32, #tpu.memory_space<vmem>>, vector<64x4xf32>
    %dot_general3A_14 = arith.constant dense<0.000000e+00> : vector<2048x4xf32>
    %dot_general3A_15 = tpu.matmul %dot_general3A_5, %get3A_13, %dot_general3A_14 {dimension_numbers = #tpu.dot_dimension_numbers<[1], [0], [0], [1], [0, 0, 1, 1], [], []>, precision = #tpu.contract_precision<fp32>, transpose_lhs_hint = false} : vector<2048x64xf32>, vector<64x4xf32>, vector<2048x4xf32> -> vector<2048x4xf32>
    %broadcast_in_dim3A = arith.constant 0.000000e+00 : f32
    %broadcast_in_dim3A_16 = vector.broadcast %broadcast_in_dim3A : f32 to vector<2048x56xf32>
    %concatenate3A = tpu.concatenate %dot_general3A_5, %dot_general3A_10, %dot_general3A_15, %broadcast_in_dim3A_16 in 1 : vector<2048x64xf32>, vector<2048x4xf32>, vector<2048x4xf32>, vector<2048x56xf32> -> vector<2048x128xf32>
    %swap3A = arith.constant 0 : index
    %swap3A_17 = arith.constant 0 : index
    %swap3A_18 = vector.load %arg5[%swap3A, %swap3A_17] : memref<2048x128xf32, #tpu.memory_space<vmem>>, vector<2048x128xf32>
    tpu.vector_store %arg5[%swap3A, %swap3A_17], %concatenate3A {strides = array<i32>} : memref<2048x128xf32, #tpu.memory_space<vmem>>, vector<2048x128xf32>,
    %broadcast_in_dim3A_19 = arith.constant -3.000000e+38 : f32
    %broadcast_in_dim3A_20 = vector.broadcast %broadcast_in_dim3A_19 : f32 to vector<2048x124xf32>
    %concatenate3A_21 = tpu.concatenate %dot_general3A_10, %broadcast_in_dim3A_20 in 1 : vector<2048x4xf32>, vector<2048x124xf32> -> vector<2048x128xf32>
    %reduce_max3A = arith.constant dense<0xFF800000> : vector<128xf32>
    %reduce_max3A_22 = vector.multi_reduction <maximumf>, %concatenate3A_21, %reduce_max3A [0] : vector<2048x128xf32> to vector<128xf32>
    %broadcast_in_dim3A_23 = vector.shape_cast %reduce_max3A_22 : vector<128xf32> to vector<1x128xf32>
    %broadcast_in_dim3A_24 = vector.shape_cast %broadcast_in_dim3A_23 : vector<1x128xf32> to vector<1x128xf32>
    %broadcast_in_dim3A_25 = vector.broadcast %broadcast_in_dim3A_24 : vector<1x128xf32> to vector<8x128xf32>
    %eq3A = arith.constant 0 : i32
    %eq3A_26 = arith.cmpi eq, %arg0, %eq3A : i32
    %convert_element_type3A = arith.extui %eq3A_26 : i1 to i32
    %cond3A = arith.constant 0 : i32
    %cond3A_27 = arith.cmpi ne, %convert_element_type3A, %cond3A : i32
    scf.if %cond3A_27 {
      %swap3A_32 = arith.constant 0 : index
      %swap3A_33 = arith.constant 0 : index
      %swap3A_34 = vector.load %arg6[%swap3A_32, %swap3A_33] : memref<8x128xf32, #tpu.memory_space<vmem>>, vector<8x128xf32>
      tpu.vector_store %arg6[%swap3A_32, %swap3A_33], %broadcast_in_dim3A_25 {strides = array<i32>} : memref<8x128xf32, #tpu.memory_space<vmem>>, vector<8x128xf32>,
    } else {
    }
    %gt3A = arith.constant 0 : i32
    %gt3A_28 = arith.cmpi sgt, %arg0, %gt3A : i32
    %convert_element_type3A_29 = arith.extui %gt3A_28 : i1 to i32
    %cond3A_30 = arith.constant 0 : i32
    %cond3A_31 = arith.cmpi ne, %convert_element_type3A_29, %cond3A_30 : i32
    scf.if %cond3A_31 {
      %get3A_32 = arith.constant 0 : index
      %get3A_33 = arith.constant 0 : index
      %get3A_34 = vector.load %arg6[%get3A_32, %get3A_33] : memref<8x128xf32, #tpu.memory_space<vmem>>, vector<8x128xf32>
      %max3A = arith.maximumf %get3A_34, %broadcast_in_dim3A_25 : vector<8x128xf32>
      %swap3A_35 = arith.constant 0 : index
      %swap3A_36 = arith.constant 0 : index
      %swap3A_37 = vector.load %arg6[%swap3A_35, %swap3A_36] : memref<8x128xf32, #tpu.memory_space<vmem>>, vector<8x128xf32>
      tpu.vector_store %arg6[%swap3A_35, %swap3A_36], %max3A {strides = array<i32>} : memref<8x128xf32, #tpu.memory_space<vmem>>, vector<8x128xf32>,
    } else {
    }
    return
  }
  func.func @transform_0(%arg0: i32) -> (i32, i32) {
    %c0_i32 = arith.constant 0 : i32
    %c0_i32_0 = arith.constant 0 : i32
    return %arg0, %c0_i32 : i32, i32
  }
  func.func @transform_1(%arg0: i32) -> (i32, i32) {
    %c0_i32 = arith.constant 0 : i32
    %c0_i32_0 = arith.constant 0 : i32
    %c0_i32_1 = arith.constant 0 : i32
    return %c0_i32, %c0_i32_0 : i32, i32
  }
  func.func @transform_2(%arg0: i32) -> (i32, i32) {
    %c0_i32 = arith.constant 0 : i32
    %c0_i32_0 = arith.constant 0 : i32
    %c0_i32_1 = arith.constant 0 : i32
    return %c0_i32, %c0_i32_0 : i32, i32
  }
  func.func @transform_3(%arg0: i32) -> (i32, i32) {
    %c0_i32 = arith.constant 0 : i32
    %c0_i32_0 = arith.constant 0 : i32
    %c0_i32_1 = arith.constant 0 : i32
    return %c0_i32, %c0_i32_0 : i32, i32
  }
  func.func @transform_4(%arg0: i32) -> (i32, i32) {
    %c0_i32 = arith.constant 0 : i32
    %c0_i32_0 = arith.constant 0 : i32
    return %arg0, %c0_i32 : i32, i32
  }
  func.func @transform_5(%arg0: i32) -> (i32, i32) {
    %c0_i32 = arith.constant 0 : i32
    %c0_i32_0 = arith.constant 0 : i32
    %c0_i32_1 = arith.constant 0 : i32
    return %c0_i32, %c0_i32_0 : i32, i32
  }
}

module attributes {stable_mosaic.version = 14 : i64} {
  func.func @body(%arg0: i32, %arg1: memref<2048x128xf32, #tpu.memory_space<vmem>>, %arg2: memref<4x64xf32, #tpu.memory_space<vmem>>, %arg3: memref<1x64xf32, #tpu.memory_space<vmem>>, %arg4: memref<64x64xf32, #tpu.memory_space<vmem>>, %arg5: memref<64x4xf32, #tpu.memory_space<vmem>>, %arg6: memref<64x4xf32, #tpu.memory_space<vmem>>, %arg7: memref<2048x128xf32, #tpu.memory_space<vmem>>, %arg8: memref<8x128xf32, #tpu.memory_space<vmem>>) attributes {dimension_semantics = [#tpu.dimension_semantics<arbitrary>], iteration_bounds = array<i64: 5>, scalar_prefetch = 0 : i64, scratch_operands = 0 : i64, tpu.core_type = #tpu.core_type<tc>, window_params = [{transform_indices = @transform_0, window_bounds = array<i64: 2048, 128>}, {pipeline_mode = #tpu.pipeline_mode<synchronous>, transform_indices = @transform_1, window_bounds = array<i64: 4, 64>}, {pipeline_mode = #tpu.pipeline_mode<synchronous>, transform_indices = @transform_2, window_bounds = array<i64: 1, 64>}, {pipeline_mode = #tpu.pipeline_mode<synchronous>, transform_indices = @transform_3, window_bounds = array<i64: 64, 64>}, {pipeline_mode = #tpu.pipeline_mode<synchronous>, transform_indices = @transform_4, window_bounds = array<i64: 64, 4>}, {pipeline_mode = #tpu.pipeline_mode<synchronous>, transform_indices = @transform_5, window_bounds = array<i64: 64, 4>}, {transform_indices = @transform_6, window_bounds = array<i64: 2048, 128>}, {pipeline_mode = #tpu.pipeline_mode<synchronous>, transform_indices = @transform_7, window_bounds = array<i64: 8, 128>}]} {
    %get3A = arith.constant 0 : index
    %get3A_0 = arith.constant 0 : index
    %get3A_1 = vector.load %arg1[%get3A, %get3A_0] : memref<2048x128xf32, #tpu.memory_space<vmem>>, vector<2048x128xf32>
    %slice3A = vector.extract_strided_slice %get3A_1 {offsets = [0, 0], sizes = [2048, 64], strides = [1, 1]} : vector<2048x128xf32> to vector<2048x64xf32>
    %slice3A_2 = vector.extract_strided_slice %get3A_1 {offsets = [0, 64], sizes = [2048, 4], strides = [1, 1]} : vector<2048x128xf32> to vector<2048x4xf32>
    %get3A_3 = arith.constant 0 : index
    %get3A_4 = arith.constant 0 : index
    %get3A_5 = vector.load %arg2[%get3A_3, %get3A_4] : memref<4x64xf32, #tpu.memory_space<vmem>>, vector<4x64xf32>
    %dot_general3A = arith.constant dense<0.000000e+00> : vector<2048x64xf32>
    %dot_general3A_6 = tpu.matmul %slice3A_2, %get3A_5, %dot_general3A {dimension_numbers = #tpu.dot_dimension_numbers<[1], [0], [0], [1], [0, 0, 1, 1], [], []>, precision = #tpu.contract_precision<fp32>, transpose_lhs_hint = false} : vector<2048x4xf32>, vector<4x64xf32>, vector<2048x64xf32> -> vector<2048x64xf32>
    %add3A = arith.constant 1.000000e-16 : f32
    %add3A_7 = vector.broadcast %add3A : f32 to vector<2048x64xf32>
    %add3A_8 = arith.addf %dot_general3A_6, %add3A_7 : vector<2048x64xf32>
    %div3A = arith.divf %slice3A, %add3A_8 : vector<2048x64xf32>
    %get3A_9 = arith.constant 0 : index
    %get3A_10 = arith.constant 0 : index
    %get3A_11 = vector.load %arg3[%get3A_9, %get3A_10] : memref<1x64xf32, #tpu.memory_space<vmem>>, vector<1x64xf32>
    %add3A_12 = vector.broadcast %get3A_11 : vector<1x64xf32> to vector<2048x64xf32>
    %add3A_13 = arith.addf %div3A, %add3A_12 : vector<2048x64xf32>
    %max3A = arith.constant 0.000000e+00 : f32
    %max3A_14 = vector.broadcast %max3A : f32 to vector<2048x64xf32>
    %max3A_15 = arith.maximumf %add3A_13, %max3A_14 : vector<2048x64xf32>
    %get3A_16 = arith.constant 0 : index
    %get3A_17 = arith.constant 0 : index
    %get3A_18 = vector.load %arg4[%get3A_16, %get3A_17] : memref<64x64xf32, #tpu.memory_space<vmem>>, vector<64x64xf32>
    %dot_general3A_19 = arith.constant dense<0.000000e+00> : vector<2048x64xf32>
    %dot_general3A_20 = tpu.matmul %max3A_15, %get3A_18, %dot_general3A_19 {dimension_numbers = #tpu.dot_dimension_numbers<[1], [0], [0], [1], [0, 0, 1, 1], [], []>, precision = #tpu.contract_precision<fp32>, transpose_lhs_hint = false} : vector<2048x64xf32>, vector<64x64xf32>, vector<2048x64xf32> -> vector<2048x64xf32>
    %get3A_21 = arith.constant 0 : index
    %get3A_22 = arith.constant 0 : index
    %get3A_23 = vector.load %arg5[%get3A_21, %get3A_22] : memref<64x4xf32, #tpu.memory_space<vmem>>, vector<64x4xf32>
    %dot_general3A_24 = arith.constant dense<0.000000e+00> : vector<2048x4xf32>
    %dot_general3A_25 = tpu.matmul %dot_general3A_20, %get3A_23, %dot_general3A_24 {dimension_numbers = #tpu.dot_dimension_numbers<[1], [0], [0], [1], [0, 0, 1, 1], [], []>, precision = #tpu.contract_precision<fp32>, transpose_lhs_hint = false} : vector<2048x64xf32>, vector<64x4xf32>, vector<2048x4xf32> -> vector<2048x4xf32>
    %get3A_26 = arith.constant 0 : index
    %get3A_27 = arith.constant 0 : index
    %get3A_28 = vector.load %arg6[%get3A_26, %get3A_27] : memref<64x4xf32, #tpu.memory_space<vmem>>, vector<64x4xf32>
    %dot_general3A_29 = arith.constant dense<0.000000e+00> : vector<2048x4xf32>
    %dot_general3A_30 = tpu.matmul %dot_general3A_20, %get3A_28, %dot_general3A_29 {dimension_numbers = #tpu.dot_dimension_numbers<[1], [0], [0], [1], [0, 0, 1, 1], [], []>, precision = #tpu.contract_precision<fp32>, transpose_lhs_hint = false} : vector<2048x64xf32>, vector<64x4xf32>, vector<2048x4xf32> -> vector<2048x4xf32>
    %broadcast_in_dim3A = arith.constant 0.000000e+00 : f32
    %broadcast_in_dim3A_31 = vector.broadcast %broadcast_in_dim3A : f32 to vector<2048x56xf32>
    %concatenate3A = tpu.concatenate %dot_general3A_20, %dot_general3A_25, %dot_general3A_30, %broadcast_in_dim3A_31 in 1 : vector<2048x64xf32>, vector<2048x4xf32>, vector<2048x4xf32>, vector<2048x56xf32> -> vector<2048x128xf32>
    %swap3A = arith.constant 0 : index
    %swap3A_32 = arith.constant 0 : index
    %swap3A_33 = vector.load %arg7[%swap3A, %swap3A_32] : memref<2048x128xf32, #tpu.memory_space<vmem>>, vector<2048x128xf32>
    tpu.vector_store %arg7[%swap3A, %swap3A_32], %concatenate3A {strides = array<i32>} : memref<2048x128xf32, #tpu.memory_space<vmem>>, vector<2048x128xf32>,
    %broadcast_in_dim3A_34 = arith.constant -3.000000e+38 : f32
    %broadcast_in_dim3A_35 = vector.broadcast %broadcast_in_dim3A_34 : f32 to vector<2048x124xf32>
    %concatenate3A_36 = tpu.concatenate %dot_general3A_25, %broadcast_in_dim3A_35 in 1 : vector<2048x4xf32>, vector<2048x124xf32> -> vector<2048x128xf32>
    %reduce_max3A = arith.constant dense<0xFF800000> : vector<128xf32>
    %reduce_max3A_37 = vector.multi_reduction <maximumf>, %concatenate3A_36, %reduce_max3A [0] : vector<2048x128xf32> to vector<128xf32>
    %broadcast_in_dim3A_38 = vector.shape_cast %reduce_max3A_37 : vector<128xf32> to vector<1x128xf32>
    %broadcast_in_dim3A_39 = vector.shape_cast %broadcast_in_dim3A_38 : vector<1x128xf32> to vector<1x128xf32>
    %broadcast_in_dim3A_40 = vector.broadcast %broadcast_in_dim3A_39 : vector<1x128xf32> to vector<8x128xf32>
    %eq3A = arith.constant 0 : i32
    %eq3A_41 = arith.cmpi eq, %arg0, %eq3A : i32
    %convert_element_type3A = arith.extui %eq3A_41 : i1 to i32
    %cond3A = arith.constant 0 : i32
    %cond3A_42 = arith.cmpi ne, %convert_element_type3A, %cond3A : i32
    scf.if %cond3A_42 {
      %swap3A_47 = arith.constant 0 : index
      %swap3A_48 = arith.constant 0 : index
      %swap3A_49 = vector.load %arg8[%swap3A_47, %swap3A_48] : memref<8x128xf32, #tpu.memory_space<vmem>>, vector<8x128xf32>
      tpu.vector_store %arg8[%swap3A_47, %swap3A_48], %broadcast_in_dim3A_40 {strides = array<i32>} : memref<8x128xf32, #tpu.memory_space<vmem>>, vector<8x128xf32>,
    } else {
    }
    %gt3A = arith.constant 0 : i32
    %gt3A_43 = arith.cmpi sgt, %arg0, %gt3A : i32
    %convert_element_type3A_44 = arith.extui %gt3A_43 : i1 to i32
    %cond3A_45 = arith.constant 0 : i32
    %cond3A_46 = arith.cmpi ne, %convert_element_type3A_44, %cond3A_45 : i32
    scf.if %cond3A_46 {
      %get3A_47 = arith.constant 0 : index
      %get3A_48 = arith.constant 0 : index
      %get3A_49 = vector.load %arg8[%get3A_47, %get3A_48] : memref<8x128xf32, #tpu.memory_space<vmem>>, vector<8x128xf32>
      %max3A_50 = arith.maximumf %get3A_49, %broadcast_in_dim3A_40 : vector<8x128xf32>
      %swap3A_51 = arith.constant 0 : index
      %swap3A_52 = arith.constant 0 : index
      %swap3A_53 = vector.load %arg8[%swap3A_51, %swap3A_52] : memref<8x128xf32, #tpu.memory_space<vmem>>, vector<8x128xf32>
      tpu.vector_store %arg8[%swap3A_51, %swap3A_52], %max3A_50 {strides = array<i32>} : memref<8x128xf32, #tpu.memory_space<vmem>>, vector<8x128xf32>,
    } else {
    }
    return
  }
  func.func @transform_0(%arg0: i32) -> (i32, i32) {
    %c0_i32 = arith.constant 0 : i32
    %c0_i32_0 = arith.constant 0 : i32
    return %arg0, %c0_i32 : i32, i32
  }
  func.func @transform_1(%arg0: i32) -> (i32, i32) {
    %c0_i32 = arith.constant 0 : i32
    %c0_i32_0 = arith.constant 0 : i32
    %c0_i32_1 = arith.constant 0 : i32
    return %c0_i32, %c0_i32_0 : i32, i32
  }
  func.func @transform_2(%arg0: i32) -> (i32, i32) {
    %c0_i32 = arith.constant 0 : i32
    %c0_i32_0 = arith.constant 0 : i32
    %c0_i32_1 = arith.constant 0 : i32
    return %c0_i32, %c0_i32_0 : i32, i32
  }
  func.func @transform_3(%arg0: i32) -> (i32, i32) {
    %c0_i32 = arith.constant 0 : i32
    %c0_i32_0 = arith.constant 0 : i32
    %c0_i32_1 = arith.constant 0 : i32
    return %c0_i32, %c0_i32_0 : i32, i32
  }
  func.func @transform_4(%arg0: i32) -> (i32, i32) {
    %c0_i32 = arith.constant 0 : i32
    %c0_i32_0 = arith.constant 0 : i32
    %c0_i32_1 = arith.constant 0 : i32
    return %c0_i32, %c0_i32_0 : i32, i32
  }
  func.func @transform_5(%arg0: i32) -> (i32, i32) {
    %c0_i32 = arith.constant 0 : i32
    %c0_i32_0 = arith.constant 0 : i32
    %c0_i32_1 = arith.constant 0 : i32
    return %c0_i32, %c0_i32_0 : i32, i32
  }
  func.func @transform_6(%arg0: i32) -> (i32, i32) {
    %c0_i32 = arith.constant 0 : i32
    %c0_i32_0 = arith.constant 0 : i32
    return %arg0, %c0_i32 : i32, i32
  }
  func.func @transform_7(%arg0: i32) -> (i32, i32) {
    %c0_i32 = arith.constant 0 : i32
    %c0_i32_0 = arith.constant 0 : i32
    %c0_i32_1 = arith.constant 0 : i32
    return %c0_i32, %c0_i32_0 : i32, i32
  }
}

module attributes {stable_mosaic.version = 14 : i64} {
  func.func @body(%arg0: i32, %arg1: memref<2048x128xf32, #tpu.memory_space<vmem>>, %arg2: memref<4x64xf32, #tpu.memory_space<vmem>>, %arg3: memref<1x64xf32, #tpu.memory_space<vmem>>, %arg4: memref<64x96xf32, #tpu.memory_space<vmem>>, %arg5: memref<96x6xf32, #tpu.memory_space<vmem>>, %arg6: memref<96x6xf32, #tpu.memory_space<vmem>>, %arg7: memref<2048x128xf32, #tpu.memory_space<vmem>>, %arg8: memref<8x128xf32, #tpu.memory_space<vmem>>) attributes {dimension_semantics = [#tpu.dimension_semantics<arbitrary>], iteration_bounds = array<i64: 5>, scalar_prefetch = 0 : i64, scratch_operands = 0 : i64, tpu.core_type = #tpu.core_type<tc>, window_params = [{transform_indices = @transform_0, window_bounds = array<i64: 2048, 128>}, {pipeline_mode = #tpu.pipeline_mode<synchronous>, transform_indices = @transform_1, window_bounds = array<i64: 4, 64>}, {pipeline_mode = #tpu.pipeline_mode<synchronous>, transform_indices = @transform_2, window_bounds = array<i64: 1, 64>}, {pipeline_mode = #tpu.pipeline_mode<synchronous>, transform_indices = @transform_3, window_bounds = array<i64: 64, 96>}, {pipeline_mode = #tpu.pipeline_mode<synchronous>, transform_indices = @transform_4, window_bounds = array<i64: 96, 6>}, {pipeline_mode = #tpu.pipeline_mode<synchronous>, transform_indices = @transform_5, window_bounds = array<i64: 96, 6>}, {transform_indices = @transform_6, window_bounds = array<i64: 2048, 128>}, {pipeline_mode = #tpu.pipeline_mode<synchronous>, transform_indices = @transform_7, window_bounds = array<i64: 8, 128>}]} {
    %get3A = arith.constant 0 : index
    %get3A_0 = arith.constant 0 : index
    %get3A_1 = vector.load %arg1[%get3A, %get3A_0] : memref<2048x128xf32, #tpu.memory_space<vmem>>, vector<2048x128xf32>
    %slice3A = vector.extract_strided_slice %get3A_1 {offsets = [0, 0], sizes = [2048, 64], strides = [1, 1]} : vector<2048x128xf32> to vector<2048x64xf32>
    %slice3A_2 = vector.extract_strided_slice %get3A_1 {offsets = [0, 64], sizes = [2048, 4], strides = [1, 1]} : vector<2048x128xf32> to vector<2048x4xf32>
    %get3A_3 = arith.constant 0 : index
    %get3A_4 = arith.constant 0 : index
    %get3A_5 = vector.load %arg2[%get3A_3, %get3A_4] : memref<4x64xf32, #tpu.memory_space<vmem>>, vector<4x64xf32>
    %dot_general3A = arith.constant dense<0.000000e+00> : vector<2048x64xf32>
    %dot_general3A_6 = tpu.matmul %slice3A_2, %get3A_5, %dot_general3A {dimension_numbers = #tpu.dot_dimension_numbers<[1], [0], [0], [1], [0, 0, 1, 1], [], []>, precision = #tpu.contract_precision<fp32>, transpose_lhs_hint = false} : vector<2048x4xf32>, vector<4x64xf32>, vector<2048x64xf32> -> vector<2048x64xf32>
    %add3A = arith.constant 1.000000e-16 : f32
    %add3A_7 = vector.broadcast %add3A : f32 to vector<2048x64xf32>
    %add3A_8 = arith.addf %dot_general3A_6, %add3A_7 : vector<2048x64xf32>
    %div3A = arith.divf %slice3A, %add3A_8 : vector<2048x64xf32>
    %get3A_9 = arith.constant 0 : index
    %get3A_10 = arith.constant 0 : index
    %get3A_11 = vector.load %arg3[%get3A_9, %get3A_10] : memref<1x64xf32, #tpu.memory_space<vmem>>, vector<1x64xf32>
    %add3A_12 = vector.broadcast %get3A_11 : vector<1x64xf32> to vector<2048x64xf32>
    %add3A_13 = arith.addf %div3A, %add3A_12 : vector<2048x64xf32>
    %get3A_14 = arith.constant 0 : index
    %get3A_15 = arith.constant 0 : index
    %get3A_16 = vector.load %arg4[%get3A_14, %get3A_15] : memref<64x96xf32, #tpu.memory_space<vmem>>, vector<64x96xf32>
    %dot_general3A_17 = arith.constant dense<0.000000e+00> : vector<2048x96xf32>
    %dot_general3A_18 = tpu.matmul %add3A_13, %get3A_16, %dot_general3A_17 {dimension_numbers = #tpu.dot_dimension_numbers<[1], [0], [0], [1], [0, 0, 1, 1], [], []>, precision = #tpu.contract_precision<fp32>, transpose_lhs_hint = false} : vector<2048x64xf32>, vector<64x96xf32>, vector<2048x96xf32> -> vector<2048x96xf32>
    %get3A_19 = arith.constant 0 : index
    %get3A_20 = arith.constant 0 : index
    %get3A_21 = vector.load %arg5[%get3A_19, %get3A_20] : memref<96x6xf32, #tpu.memory_space<vmem>>, vector<96x6xf32>
    %dot_general3A_22 = arith.constant dense<0.000000e+00> : vector<2048x6xf32>
    %dot_general3A_23 = tpu.matmul %dot_general3A_18, %get3A_21, %dot_general3A_22 {dimension_numbers = #tpu.dot_dimension_numbers<[1], [0], [0], [1], [0, 0, 1, 1], [], []>, precision = #tpu.contract_precision<fp32>, transpose_lhs_hint = false} : vector<2048x96xf32>, vector<96x6xf32>, vector<2048x6xf32> -> vector<2048x6xf32>
    %get3A_24 = arith.constant 0 : index
    %get3A_25 = arith.constant 0 : index
    %get3A_26 = vector.load %arg6[%get3A_24, %get3A_25] : memref<96x6xf32, #tpu.memory_space<vmem>>, vector<96x6xf32>
    %dot_general3A_27 = arith.constant dense<0.000000e+00> : vector<2048x6xf32>
    %dot_general3A_28 = tpu.matmul %dot_general3A_18, %get3A_26, %dot_general3A_27 {dimension_numbers = #tpu.dot_dimension_numbers<[1], [0], [0], [1], [0, 0, 1, 1], [], []>, precision = #tpu.contract_precision<fp32>, transpose_lhs_hint = false} : vector<2048x96xf32>, vector<96x6xf32>, vector<2048x6xf32> -> vector<2048x6xf32>
    %broadcast_in_dim3A = arith.constant 0.000000e+00 : f32
    %broadcast_in_dim3A_29 = vector.broadcast %broadcast_in_dim3A : f32 to vector<2048x20xf32>
    %concatenate3A = tpu.concatenate %dot_general3A_18, %dot_general3A_23, %dot_general3A_28, %broadcast_in_dim3A_29 in 1 : vector<2048x96xf32>, vector<2048x6xf32>, vector<2048x6xf32>, vector<2048x20xf32> -> vector<2048x128xf32>
    %swap3A = arith.constant 0 : index
    %swap3A_30 = arith.constant 0 : index
    %swap3A_31 = vector.load %arg7[%swap3A, %swap3A_30] : memref<2048x128xf32, #tpu.memory_space<vmem>>, vector<2048x128xf32>
    tpu.vector_store %arg7[%swap3A, %swap3A_30], %concatenate3A {strides = array<i32>} : memref<2048x128xf32, #tpu.memory_space<vmem>>, vector<2048x128xf32>,
    %broadcast_in_dim3A_32 = arith.constant -3.000000e+38 : f32
    %broadcast_in_dim3A_33 = vector.broadcast %broadcast_in_dim3A_32 : f32 to vector<2048x122xf32>
    %concatenate3A_34 = tpu.concatenate %dot_general3A_23, %broadcast_in_dim3A_33 in 1 : vector<2048x6xf32>, vector<2048x122xf32> -> vector<2048x128xf32>
    %reduce_max3A = arith.constant dense<0xFF800000> : vector<128xf32>
    %reduce_max3A_35 = vector.multi_reduction <maximumf>, %concatenate3A_34, %reduce_max3A [0] : vector<2048x128xf32> to vector<128xf32>
    %broadcast_in_dim3A_36 = vector.shape_cast %reduce_max3A_35 : vector<128xf32> to vector<1x128xf32>
    %broadcast_in_dim3A_37 = vector.shape_cast %broadcast_in_dim3A_36 : vector<1x128xf32> to vector<1x128xf32>
    %broadcast_in_dim3A_38 = vector.broadcast %broadcast_in_dim3A_37 : vector<1x128xf32> to vector<8x128xf32>
    %eq3A = arith.constant 0 : i32
    %eq3A_39 = arith.cmpi eq, %arg0, %eq3A : i32
    %convert_element_type3A = arith.extui %eq3A_39 : i1 to i32
    %cond3A = arith.constant 0 : i32
    %cond3A_40 = arith.cmpi ne, %convert_element_type3A, %cond3A : i32
    scf.if %cond3A_40 {
      %swap3A_45 = arith.constant 0 : index
      %swap3A_46 = arith.constant 0 : index
      %swap3A_47 = vector.load %arg8[%swap3A_45, %swap3A_46] : memref<8x128xf32, #tpu.memory_space<vmem>>, vector<8x128xf32>
      tpu.vector_store %arg8[%swap3A_45, %swap3A_46], %broadcast_in_dim3A_38 {strides = array<i32>} : memref<8x128xf32, #tpu.memory_space<vmem>>, vector<8x128xf32>,
    } else {
    }
    %gt3A = arith.constant 0 : i32
    %gt3A_41 = arith.cmpi sgt, %arg0, %gt3A : i32
    %convert_element_type3A_42 = arith.extui %gt3A_41 : i1 to i32
    %cond3A_43 = arith.constant 0 : i32
    %cond3A_44 = arith.cmpi ne, %convert_element_type3A_42, %cond3A_43 : i32
    scf.if %cond3A_44 {
      %get3A_45 = arith.constant 0 : index
      %get3A_46 = arith.constant 0 : index
      %get3A_47 = vector.load %arg8[%get3A_45, %get3A_46] : memref<8x128xf32, #tpu.memory_space<vmem>>, vector<8x128xf32>
      %max3A = arith.maximumf %get3A_47, %broadcast_in_dim3A_38 : vector<8x128xf32>
      %swap3A_48 = arith.constant 0 : index
      %swap3A_49 = arith.constant 0 : index
      %swap3A_50 = vector.load %arg8[%swap3A_48, %swap3A_49] : memref<8x128xf32, #tpu.memory_space<vmem>>, vector<8x128xf32>
      tpu.vector_store %arg8[%swap3A_48, %swap3A_49], %max3A {strides = array<i32>} : memref<8x128xf32, #tpu.memory_space<vmem>>, vector<8x128xf32>,
    } else {
    }
    return
  }
  func.func @transform_0(%arg0: i32) -> (i32, i32) {
    %c0_i32 = arith.constant 0 : i32
    %c0_i32_0 = arith.constant 0 : i32
    return %arg0, %c0_i32 : i32, i32
  }
  func.func @transform_1(%arg0: i32) -> (i32, i32) {
    %c0_i32 = arith.constant 0 : i32
    %c0_i32_0 = arith.constant 0 : i32
    %c0_i32_1 = arith.constant 0 : i32
    return %c0_i32, %c0_i32_0 : i32, i32
  }
  func.func @transform_2(%arg0: i32) -> (i32, i32) {
    %c0_i32 = arith.constant 0 : i32
    %c0_i32_0 = arith.constant 0 : i32
    %c0_i32_1 = arith.constant 0 : i32
    return %c0_i32, %c0_i32_0 : i32, i32
  }
  func.func @transform_3(%arg0: i32) -> (i32, i32) {
    %c0_i32 = arith.constant 0 : i32
    %c0_i32_0 = arith.constant 0 : i32
    %c0_i32_1 = arith.constant 0 : i32
    return %c0_i32, %c0_i32_0 : i32, i32
  }
  func.func @transform_4(%arg0: i32) -> (i32, i32) {
    %c0_i32 = arith.constant 0 : i32
    %c0_i32_0 = arith.constant 0 : i32
    %c0_i32_1 = arith.constant 0 : i32
    return %c0_i32, %c0_i32_0 : i32, i32
  }
  func.func @transform_5(%arg0: i32) -> (i32, i32) {
    %c0_i32 = arith.constant 0 : i32
    %c0_i32_0 = arith.constant 0 : i32
    %c0_i32_1 = arith.constant 0 : i32
    return %c0_i32, %c0_i32_0 : i32, i32
  }
  func.func @transform_6(%arg0: i32) -> (i32, i32) {
    %c0_i32 = arith.constant 0 : i32
    %c0_i32_0 = arith.constant 0 : i32
    return %arg0, %c0_i32 : i32, i32
  }
  func.func @transform_7(%arg0: i32) -> (i32, i32) {
    %c0_i32 = arith.constant 0 : i32
    %c0_i32_0 = arith.constant 0 : i32
    %c0_i32_1 = arith.constant 0 : i32
    return %c0_i32, %c0_i32_0 : i32, i32
  }
}

module attributes {stable_mosaic.version = 14 : i64} {
  func.func @body(%arg0: i32, %arg1: memref<2048x128xf32, #tpu.memory_space<vmem>>, %arg2: memref<6x96xf32, #tpu.memory_space<vmem>>, %arg3: memref<96x16xf32, #tpu.memory_space<vmem>>, %arg4: memref<1x16xf32, #tpu.memory_space<vmem>>, %arg5: memref<2048x16xf32, #tpu.memory_space<vmem>>) attributes {dimension_semantics = [#tpu.dimension_semantics<arbitrary>], iteration_bounds = array<i64: 5>, scalar_prefetch = 0 : i64, scratch_operands = 0 : i64, tpu.core_type = #tpu.core_type<tc>, window_params = [{transform_indices = @transform_0, window_bounds = array<i64: 2048, 128>}, {pipeline_mode = #tpu.pipeline_mode<synchronous>, transform_indices = @transform_1, window_bounds = array<i64: 6, 96>}, {pipeline_mode = #tpu.pipeline_mode<synchronous>, transform_indices = @transform_2, window_bounds = array<i64: 96, 16>}, {pipeline_mode = #tpu.pipeline_mode<synchronous>, transform_indices = @transform_3, window_bounds = array<i64: 1, 16>}, {transform_indices = @transform_4, window_bounds = array<i64: 2048, 16>}]} {
    %get3A = arith.constant 0 : index
    %get3A_0 = arith.constant 0 : index
    %get3A_1 = vector.load %arg1[%get3A, %get3A_0] : memref<2048x128xf32, #tpu.memory_space<vmem>>, vector<2048x128xf32>
    %slice3A = vector.extract_strided_slice %get3A_1 {offsets = [0, 0], sizes = [2048, 96], strides = [1, 1]} : vector<2048x128xf32> to vector<2048x96xf32>
    %slice3A_2 = vector.extract_strided_slice %get3A_1 {offsets = [0, 96], sizes = [2048, 6], strides = [1, 1]} : vector<2048x128xf32> to vector<2048x6xf32>
    %get3A_3 = arith.constant 0 : index
    %get3A_4 = arith.constant 0 : index
    %get3A_5 = vector.load %arg2[%get3A_3, %get3A_4] : memref<6x96xf32, #tpu.memory_space<vmem>>, vector<6x96xf32>
    %dot_general3A = arith.constant dense<0.000000e+00> : vector<2048x96xf32>
    %dot_general3A_6 = tpu.matmul %slice3A_2, %get3A_5, %dot_general3A {dimension_numbers = #tpu.dot_dimension_numbers<[1], [0], [0], [1], [0, 0, 1, 1], [], []>, precision = #tpu.contract_precision<fp32>, transpose_lhs_hint = false} : vector<2048x6xf32>, vector<6x96xf32>, vector<2048x96xf32> -> vector<2048x96xf32>
    %add3A = arith.constant 1.000000e-16 : f32
    %add3A_7 = vector.broadcast %add3A : f32 to vector<2048x96xf32>
    %add3A_8 = arith.addf %dot_general3A_6, %add3A_7 : vector<2048x96xf32>
    %div3A = arith.divf %slice3A, %add3A_8 : vector<2048x96xf32>
    %get3A_9 = arith.constant 0 : index
    %get3A_10 = arith.constant 0 : index
    %get3A_11 = vector.load %arg3[%get3A_9, %get3A_10] : memref<96x16xf32, #tpu.memory_space<vmem>>, vector<96x16xf32>
    %dot_general3A_12 = arith.constant dense<0.000000e+00> : vector<2048x16xf32>
    %dot_general3A_13 = tpu.matmul %div3A, %get3A_11, %dot_general3A_12 {dimension_numbers = #tpu.dot_dimension_numbers<[1], [0], [0], [1], [0, 0, 1, 1], [], []>, precision = #tpu.contract_precision<fp32>, transpose_lhs_hint = false} : vector<2048x96xf32>, vector<96x16xf32>, vector<2048x16xf32> -> vector<2048x16xf32>
    %get3A_14 = arith.constant 0 : index
    %get3A_15 = arith.constant 0 : index
    %get3A_16 = vector.load %arg4[%get3A_14, %get3A_15] : memref<1x16xf32, #tpu.memory_space<vmem>>, vector<1x16xf32>
    %add3A_17 = vector.broadcast %get3A_16 : vector<1x16xf32> to vector<2048x16xf32>
    %add3A_18 = arith.addf %dot_general3A_13, %add3A_17 : vector<2048x16xf32>
    %swap3A = arith.constant 0 : index
    %swap3A_19 = arith.constant 0 : index
    %swap3A_20 = vector.load %arg5[%swap3A, %swap3A_19] : memref<2048x16xf32, #tpu.memory_space<vmem>>, vector<2048x16xf32>
    tpu.vector_store %arg5[%swap3A, %swap3A_19], %add3A_18 {strides = array<i32>} : memref<2048x16xf32, #tpu.memory_space<vmem>>, vector<2048x16xf32>,
    return
  }
  func.func @transform_0(%arg0: i32) -> (i32, i32) {
    %c0_i32 = arith.constant 0 : i32
    %c0_i32_0 = arith.constant 0 : i32
    return %arg0, %c0_i32 : i32, i32
  }
  func.func @transform_1(%arg0: i32) -> (i32, i32) {
    %c0_i32 = arith.constant 0 : i32
    %c0_i32_0 = arith.constant 0 : i32
    %c0_i32_1 = arith.constant 0 : i32
    return %c0_i32, %c0_i32_0 : i32, i32
  }
  func.func @transform_2(%arg0: i32) -> (i32, i32) {
    %c0_i32 = arith.constant 0 : i32
    %c0_i32_0 = arith.constant 0 : i32
    %c0_i32_1 = arith.constant 0 : i32
    return %c0_i32, %c0_i32_0 : i32, i32
  }
  func.func @transform_3(%arg0: i32) -> (i32, i32) {
    %c0_i32 = arith.constant 0 : i32
    %c0_i32_0 = arith.constant 0 : i32
    %c0_i32_1 = arith.constant 0 : i32
    return %c0_i32, %c0_i32_0 : i32, i32
  }
  func.func @transform_4(%arg0: i32) -> (i32, i32) {
    %c0_i32 = arith.constant 0 : i32
    %c0_i32_0 = arith.constant 0 : i32
    return %arg0, %c0_i32 : i32, i32
  }
}

</mosaic_0001>

<sc_bundles>
// kernel: kernel.12.cloned.1.call-start
scs
__scs_entry_jumppad:
0x0: {  	(pc) =	sbr.rel $0x88, $3  }
0x1: {  	(tag) =	ssettag $0x0;
	lr =	simm.s32 $0x1  }
0x2: {  	[smem:$0x3F93] =	sst lr;
	_ =	strace $0xD0000000  }
0x3: {  	_ = 	snop  }
0x4: {  	_ = 	snop  }
0x5: {  	_ = 	snop  }
0x6: {  	_ = 	snop  }
0x7: {  	_ = 	snop  }
__scs_overlays_trampoline_lowered:
0x8: {  	[smem:$0x3FA2] =	sst s0  }
0x9: {  	[smem:$0x3FA3] =	sst s1  }
0xa: {  	[smem:$0x3FA4] =	sst s2  }
0xb: {  	[smem:$0x3FA5] =	sst s3  }
0xc: {  	[smem:$0x3FA6] =	sst s4  }
0xd: {  	[smem:$0x3FA7] =	sst s5  }
0xe: {  	[smem:$0x3FA8] =	sst s6  }
0xf: {  	[smem:$0x3FA9] =	sst s7  }
0x10: {  	[smem:$0x3FAA] =	sst s8  }
0x11: {  	[smem:$0x3FAB] =	sst s9;
	s0 =	simm.s32 @!p0 $0x0  }
0x12: {  	s1 =	sld [smem:$0x3F91];
	s0 =	simm.s32 @p0 $0x1  }
0x13: {  	[smem:$0x3FAC] =	sst s0;
	s0 =	simm.s32 @!p1 $0x0  }
0x14: {  	s2 =	sld [smem:$0x3F90];
	s0 =	simm.s32 @p1 $0x1  }
0x15: {  	[smem:$0x3FAD] =	sst s0;
	s0 =	simm.s32 @!p2 $0x0  }
0x16: {  	s3 =	sld [smem:$0x3FDB];
	s0 =	simm.s32 @p2 $0x1  }
0x17: {  	s4 =	simm.s32 $0x1BF5;
	[smem:$0x3FAF] =	sst s0  }
0x18: {  	s0 =	sld [smem:$0x3F92];
	_ =	swait.ge [sflag:s4], $0x0  }
0x19: {  	s7 =	sld [smem:$0x3F93]  }
0x1a: {  	s8 =	sadd.s32 $0xFFFFE003, lr  }
0x1b: {  	s9 =	sadd.s32 $0xFFFFFEF7, lr;
	s5 =	simm.s32 $0xFFFFFFFF;
	p2 =	slt.u32 s8, $0xFFFFF086  }
0x1c: {  	p1 =	slt.u32 s9, $0xF7A;
	s5 =	simm.s32 @!p2 $0x0  }
0x1d: {  	s5 =	simm.s32 @p1 $0x1;
	p0 =	seq.s32 s7, s2  }
0x1e: {  	s7 =	smul.u32 @!p0 $0xF7A, s2;
	p2 =	seq.s32 @!p0 s5, $0x0  }
0x1f: {  	s9 =	smul.u32 $0xF7A, s1;
	s8 =	simm.s32 @!p0 $0x1BF5;
	p2 =	por !p2, p0  }
0x20: {  	[sflag:s8] =	ssyncset.s32 @!p0 $0xFFFFF086;
	s6 =	sadd.s32 @!p0 s3, s7;
	s7 =	simm.s32 @!p0 $0x108  }
0x21: {  	s3 =	sadd.s32 s3, s9;
	s6 =	sadd.s32 @!p0 $0x88, s6;
	s7 =	simm.s32 @p2 $0x1082  }
0x22: {  	[simem:s7], [sflag:s8] =	dma.local @!p0 [hbm:s6], $0xF7A  }
0x23: {  	s9 =	sor.u32 $0xD0000000, s2;
	s6 =	simm.s32 $0x108;
	_ =	swait.ge @!p0 [sflag:s8], $0x0  }
0x24: {  	s3 =	sadd.s32 $0x88, s3;
	s6 =	simm.s32 @!p1 $0x1082;
	[sflag:s4] =	ssyncset.s32 $0xFFFFF086  }
0x25: {  	[simem:s6], [sflag:s4] =	dma.local [hbm:s3], $0xF7A  }
0x26: {  	[smem:$0x3F93] =	sst s1;
	(tag) =	ssettag s2;
	_ =	strace s9  }
0x27: {  	s1 =	sld [smem:$0x3FA3]  }
0x28: {  	s2 =	sld [smem:$0x3FA4]  }
0x29: {  	s4 =	sld [smem:$0x3FA6]  }
0x2a: {  	p0 =	seq.s32 s5, $0x0;
	s5 =	sld [smem:$0x3FA7]  }
0x2b: {  	s6 =	sld [smem:$0x3FA8]  }
0x2c: {  	s7 =	sld [smem:$0x3FA9]  }
0x2d: {  	s3 =	simm.s32 $0x108;
	s8 =	sld [smem:$0x3FAA]  }
0x2e: {  	s3 =	simm.s32 @!p0 $0x1082;
	s9 =	sld [smem:$0x3FAB]  }
0x2f: {  	lr =	sadd.s32 s0, s3;
	s0 =	sld [smem:$0x3FA2]  }
0x30: {  	s3 =	sld [smem:$0x3FA5]  }
0x31: {  	[smem:$0x3FAE] =	sst s10  }
0x32: {  	s10 =	sld [smem:$0x3FAC];
	_ =	sdelay $0x3  }
0x33: {  	p0 =	seq.s32 s10, $0x1;
	s10 =	sld [smem:$0x3FAE];
	_ =	sdelay $0x3  }
0x34: {  	[smem:$0x3FAE] =	sst s10  }
0x35: {  	s10 =	sld [smem:$0x3FAD];
	_ =	sdelay $0x3  }
0x36: {  	p1 =	seq.s32 s10, $0x1;
	s10 =	sld [smem:$0x3FAE];
	_ =	sdelay $0x3  }
0x37: {  	[smem:$0x3FAE] =	sst s10  }
0x38: {  	s10 =	sld [smem:$0x3FAF]  }
0x39: {  	_ = 	snop;
	(pc) =	sbr.ind lr, $3  }
0x3a: {  	_ = 	snop  }
0x3b: {  	_ = 	snop  }
0x3c: {  	p2 =	seq.s32 s10, $0x1;
	s10 =	sld [smem:$0x3FAE]  }
0x3d: {  	_ =	shalt  }
0x3e: {  	_ =	shalt  }
0x3f: {  	_ =	shalt  }
0x40: {  	_ =	shalt  }
0x41: {  	_ =	shalt  }
0x42: {  	_ =	shalt  }
0x43: {  	_ =	shalt  }
0x44: {  	_ =	shalt  }
0x45: {  	_ =	shalt  }
0x46: {  	_ =	shalt  }
0x47: {  	_ =	shalt  }
0x48: {  	_ =	shalt  }
0x49: {  	_ =	shalt  }
0x4a: {  	_ =	shalt  }
0x4b: {  	_ =	shalt  }
0x4c: {  	_ =	shalt  }
0x4d: {  	_ =	shalt  }
0x4e: {  	_ =	shalt  }
0x4f: {  	_ =	shalt  }
0x50: {  	_ =	shalt  }
0x51: {  	_ =	shalt  }
0x52: {  	_ =	shalt  }
0x53: {  	_ =	shalt  }
0x54: {  	_ =	shalt  }
0x55: {  	_ =	shalt  }
0x56: {  	_ =	shalt  }
0x57: {  	_ =	shalt  }
0x58: {  	_ =	shalt  }
0x59: {  	_ =	shalt  }
0x5a: {  	_ =	shalt  }
0x5b: {  	_ =	shalt  }
0x5c: {  	_ =	shalt  }
0x5d: {  	_ =	shalt  }
0x5e: {  	_ =	shalt  }
0x5f: {  	_ =	shalt  }
0x60: {  	_ =	shalt  }
0x61: {  	_ =	shalt  }
0x62: {  	_ =	shalt  }
0x63: {  	_ =	shalt  }
0x64: {  	_ =	shalt  }
0x65: {  	_ =	shalt  }
0x66: {  	_ =	shalt  }
0x67: {  	_ =	shalt  }
0x68: {  	_ =	shalt  }
0x69: {  	_ =	shalt  }
0x6a: {  	_ =	shalt  }
0x6b: {  	_ =	shalt  }
0x6c: {  	_ =	shalt  }
0x6d: {  	_ =	shalt  }
0x6e: {  	_ =	shalt  }
0x6f: {  	_ =	shalt  }
0x70: {  	_ =	shalt  }
0x71: {  	_ =	shalt  }
0x72: {  	_ =	shalt  }
0x73: {  	_ =	shalt  }
0x74: {  	_ =	shalt  }
0x75: {  	_ =	shalt  }
0x76: {  	_ =	shalt  }
0x77: {  	_ =	shalt  }
0x78: {  	_ =	shalt  }
0x79: {  	_ =	shalt  }
0x7a: {  	_ =	shalt  }
0x7b: {  	_ =	shalt  }
0x7c: {  	_ =	shalt  }
0x7d: {  	_ =	shalt  }
0x7e: {  	_ =	shalt  }
0x7f: {  	_ =	shalt  }
0x80: {  	_ =	shalt  }
0x81: {  	_ =	shalt  }
0x82: {  	_ =	shalt  }
0x83: {  	_ =	shalt  }
0x84: {  	_ =	shalt  }
0x85: {  	_ =	shalt  }
0x86: {  	_ =	shalt  }
0x87: {  	_ =	shalt  }
.Lfunc_end0:
.L_simem_size_0:
called_computation.1_lowered:
.L_overlay_start_0:
0x88: {  	s2 =	sld [smem:$0x3FD9]  }
0x89: {  	s3 =	sld [smem:$0x3FFE];
	_ =	sdelay $0x1  }
0x8a: {  	s1 =	srdreg.scid  }
0x8b: {  	s0 =	sand.u32 $0x1, s1  }
0x8c: {  	s17 =	sshll.u32 s0, $0xA;
	s2 =	sadd.s32 s3, s2  }
0x8d: {  	s2 =	sadd.s32 s2, s17  }
0x8e: {  	[smem:$0x3FBA] =	sst s2  }
0x8f: {  	_ = 	snop  }
0x90: {  	s2 =	sld [smem:$0x3FD0];
	(tm) =	ssettm $0x1  }
0x91: {  	s18 =	sld [smem:$0x3FFB];
	_ =	sdelay $0x3  }
0x92: {  	_ =	strace s18  }
0x93: {  	s3 =	sld [smem:$0x3FFC];
	_ =	sdelay $0x3  }
0x94: {  	_ =	strace s3  }
0x95: {  	s3 =	sld [smem:$0x3FFD];
	_ =	sdelay $0x3  }
0x96: {  	_ =	strace s3  }
0x97: {  	_ =	strace $0x8FFFFFFF  }
0x98: {  	s19 =	sld [smem:$0x3FDB];
	_ =	sdelay $0x1  }
0x99: {  	s4 =	simm.s32 $_scs_section_size  }
0x9a: {  	s5 =	simm.s32 $_size__tile_overlayer_lowered;
	s6 =	simm.s32 $_tile_overlayer_lowered  }
0x9b: {  	s22 =	simm.s32 $0x1BFF;
	s21 =	sshll.u32 s6, $0x1;
	s3 =	sadd.s32 s4, s19  }
0x9c: {  	s7 =	simm.s32 $0x0;
	s20 =	sshll.u32 s5, $0x1;
	s5 =	sadd.s32 s21, s3  }
0x9d: {  	[timem:s7], [sflag:s22] =	dma.local [hbm:s5], s20  }
0x9e: {  	_ =	swait.ge [sflag:s22], s20  }
0x9f: {  	s4 =	ssub.s32 $0x0, s20;
	[sflag:s22] =	ssyncset.done $0x0  }
0xa0: {  	[sflag:s22] =	ssyncadd.s32 s4;
	_ =	sdelay $0x1  }
0xa1: {  	s23 =	simm.s32 $0x1B8B  }
0xa2: {  	_ =	swait.ge [sflag:s23], $0x1  }
0xa3: {  	[sflag:s23] =	ssyncset.done $0x0  }
0xa4: {  	s25 =	simm.s32 $0x1B8E;
	s24 =	sld [smem:$0x3FFE];
	[sflag:s23] =	ssyncadd.s32 $0xFFFFFFFF  }
0xa5: {  	s26 =	simm.s32 $execute0_lowered;
	[smem:$0x3FD2] =	sst s25  }
0xa6: {  	s5 =	sshll.u32 s26, $0x1;
	_ =	strace $0x80000049;
	[dreg:$0x1] =	wrdreg $0xFFFFFFFF  }
0xa7: {  	s28 =	simm.s32 $_size_execute0_lowered;
	s3 =	sadd.s32 s3, s5;
	[dreg:$0x0] =	wrdreg $0x0  }
0xa8: {  	s5 =	sshll.u32 s28, $0x1;
	[dreg:$0x2] =	wrdreg s3  }
0xa9: {  	[dreg:$0x3] =	wrdreg s5  }
0xaa: {  	[dreg:$0x4] =	wrdreg $0xC0  }
0xab: {  	_ =	task [dreg:s7], $0x5FFFF  }
0xac: {  	[dreg:$0x1] =	wrdreg $0xFFFFFFFF  }
0xad: {  	[dreg:$0x0] =	wrdreg $0x60  }
0xae: {  	[dreg:$0x2] =	wrdreg s24  }
0xaf: {  	[dreg:$0x3] =	wrdreg s2  }
0xb0: {  	[dreg:$0x4] =	wrdreg $0xD8000  }
0xb1: {  	[dreg:$0x5] =	wrdreg $0x9  }
0xb2: {  	_ =	task.clear_ibuf [dreg:s7], $0x6FFFF;
	_ =	strace $0x90000049  }
0xb3: {  	s29 =	simm.s32 $0x9;
	_ =	strace $0x8000004B  }
0xb4: {  	_ =	swait.ge [sflag:s29], $0x1  }
0xb5: {  	[sflag:s29] =	ssyncadd.s32 $0xFFFFFFFF  }
0xb6: {  	_ =	strace $0x9000004B  }
0xb7: {  	_ =	sfence  }
0xb8: {  	s30 =	sld [smem:$0x0];
	_ =	sdelay $0x2  }
0xb9: {  	s31 =	sshll.u32 s1, $0xD;
	s1 =	sshrl.u32 s1, $0x2  }
0xba: {  	s3 =	sand.u32 $0x4000, s31;
	s1 =	sadd.s32 s1, s30  }
0xbb: {  	s0 =	sor.u32 s3, s0;
	s1 =	sshll.u32 s1, $0x11  }
0xbc: {  	s0 =	sor.u32 s1, s0  }
0xbd: {  	s0 =	sadd.s32 $0x8F2B, s0  }
0xbe: {  	[sflag:s0] =	ssyncadd.remote.s32 $0x1  }
0xbf: {  	_ =	sfence.sel $0xFFFF  }
0xc0: {  	[dreg:$0x0] =	wrdreg $0xFFFFFFFF;
	(pc) =	sbr.abs _section_cstart, $3  }
0xc1: {  	[dreg:$0x1] =	wrdreg $0xFFFFFFFF  }
0xc2: {  	_ =	task.clear_ibuf [dreg:s7], $0x2FFFF;
	_ =	strace $0x9FFFFFFF  }
0xc3: {  	(tm) =	ssettm $0x7FFFFFFF  }
tec
execute0_lowered:
.L_overlay_start_1:
0x0: {  	(tag) =	ssettag $0x1  }
0x1: {  	s0 =	rddreg [dreg:$0x0]  }
0x2: {  	s2 =	rddreg [dreg:$0x2];
	s1 =	srdreg.scid  }
0x3: {  	s4 =	simm.s32 $0x0;
	s11 =	stileid.u32;
	s20 =	simm.s32 $0xC400  }
0x4: {  	s21 =	simm.s32 $0x3;
	s28 =	simm.s32 $0x1;
	s8 =	smul.u32 $0x140, s11  }
0x5: {  	s29 =	simm.s32 $0x2;
	s30 =	simm.s32 $0x8180;
	s9 =	smul.u32 $0x2D000, s11  }
0x6: {  	s31 =	simm.s32 $0xC180;
	s1 =	sand.u32 $0x1, s1;
	s26 =	smul.u32 $0x28000, s11  }
0x7: {  	[smem:$0x7FF] =	sst s4;
	s5 =	sadd.s32 $0x1E00, s0;
	s3 =	smul.u32 $0x1400, s1  }
0x8: {  	s6 =	sadd.s32 $0x29E00, s0;
	s7 =	sadd.s32 $0x34000, s0;
	s17 =	smul.u32 $0xA2, s11  }
0x9: {  	_ =	strace $0x8000004A;
	s1 =	ssub.s32 $0x2, s1;
	s8 =	sadd.s32 s8, s3  }
0xa: {  	s9 =	sshrl.u32 s9, $0x2;
	s10 =	sshrl.u32 s1, $0x1;
	s8 =	sshll.u32 s8, $0x4  }
0xb: {  	s1 =	ssub.s32 s1, s10;
	s0 =	sadd.s32 s8, s0;
	s8 =	sadd.s32 s9, s2  }
0xc: {  	s19 =	smax.u32 s1, $0x1;
	s9 =	sadd.s32 $0x1400, s8;
	s23 =	sadd.s32 $0x2800, s8  }
0xd: {  	s24 =	sadd.s32 $0x3C00, s8;
	s25 =	sadd.s32 $0x5000, s8;
	s13 =	sadd.s32 $0x6400, s8  }
0xe: {  	vm0 =	vcmask $0x1F14;
	vm1 =	vcmask $0xF04;
	s14 =	sadd.s32 $0x7800, s8;
	s15 =	sadd.s32 $0x8C00, s8;
	[dreg:$0x4] =	wrdreg s9  }
0xf: {  	v1 =	vlaneseq.u32;
	v2 =	vimm.f32 $0.0e+00;
	v3 =	vimm.s32 $0x0;
	s16 =	sadd.s32 $0xA000, s8;
	s18 =	sadd.s32 $0x3E200, s0;
	[dreg:$0x5] =	wrdreg s23  }
0x10: {  	vm0 =	vmor vm1, vm0;
	vm1 =	vcmask $0x2F24;
	v5 =	vand.u32 $0x3, v1;
	s0 =	simm.s32 $0x100;
	[dreg:$0x6] =	wrdreg s24;
	s9 =	sshrl.u32 s26, $0x2  }
0x11: {  	vm0 =	vmor vm0, vm1;
	vm1 =	vcmask $0x3F34;
	v4 =	vor.u32 $0x40, v5;
	[dreg:$0x7] =	wrdreg s25;
	s23 =	simm.s32 $0x80;
	s9 =	sadd.s32 s9, s2  }
0x12: {  	v5 =	vor.u32 $0x44, v5;
	vm0 =	vmor vm0, vm1;
	v0 =	vmov s3;
	s24 =	simm.s32 $0x180;
	s26 =	simm.s32 $0x4180;
	s25 =	sshrl.u32 s9, $0x3  }
.LBB2_1:
0x13: {  	s1 =	simm.s32 $0x0;
	s3 =	simm.s32 $0x200  }
.LBB2_2:
0x14: {  	p0 =	sne.s32 s3, $0x4E00;
	[tilespmem:s1+$0xC470] =	vst v2  }
0x15: {  	[tilespmem:s1+$0xC400] =	vst v2  }
0x16: {  	[tilespmem:s1+$0xC410] =	vst v2  }
.Ltmp0:
0x17: {  	[tilespmem:s1+$0xC420] =	vst v2;
	(pc) =	sbr.rel @p0 .LBB2_2-.Ltmp0, $4  }
0x18: {  	[tilespmem:s1+$0xC430] =	vst v2  }
0x19: {  	[tilespmem:s1+$0xC440] =	vst v2  }
0x1a: {  	[tilespmem:s1+$0xC450] =	vst v2  }
0x1b: {  	[tilespmem:s1+$0xC460] =	vst v2;
	s1 =	sshra.s32 s3, $0x2;
	s3 =	sadd.s32 $0x200, s3  }
0x1c: {  	[tilespmem:s1+$0xC470] =	vst v2  }
0x1d: {  	[tilespmem:s1+$0xC400] =	vst v2  }
0x1e: {  	[tilespmem:s1+$0xC410] =	vst v2  }
0x1f: {  	[tilespmem:s1+$0xC420] =	vst v2  }
0x20: {  	[tilespmem:s1+$0xC430] =	vst v2  }
0x21: {  	[tilespmem:s1+$0xC440] =	vst v2  }
0x22: {  	[tilespmem:s1+$0xC450] =	vst v2  }
0x23: {  	[tilespmem:s1+$0xC460] =	vst v2  }
0x24: {  	[spmem:s8] =	stream.linear.scatter [tilespmem:s20], [sflag:$0x3], $0x1400, $0x38;
	[tilespmem:$0x18C00] =	vst v63  }
0x25: {  	_ =	swait.ge [sflag:s21], $0x1400  }
0x26: {  	[sflag:s21] =	ssyncset.done $0x0  }
0x27: {  	s10 =	rddreg [dreg:$0x4];
	[sflag:s21] =	ssyncadd.s32 $0xFFFFEC00  }
0x28: {  	[spmem:s10] =	stream.linear.scatter [tilespmem:s20], [sflag:$0x3], $0x1400, $0x38;
	[tilespmem:$0x18C00] =	vst v63  }
0x29: {  	_ =	swait.ge [sflag:s21], $0x1400  }
0x2a: {  	[sflag:s21] =	ssyncset.done $0x0  }
0x2b: {  	s11 =	rddreg [dreg:$0x5];
	[sflag:s21] =	ssyncadd.s32 $0xFFFFEC00  }
0x2c: {  	[spmem:s11] =	stream.linear.scatter [tilespmem:s20], [sflag:$0x3], $0x1400, $0x38;
	[tilespmem:$0x18C00] =	vst v63  }
0x2d: {  	_ =	swait.ge [sflag:s21], $0x1400  }
0x2e: {  	[sflag:s21] =	ssyncset.done $0x0  }
0x2f: {  	s12 =	rddreg [dreg:$0x6];
	[sflag:s21] =	ssyncadd.s32 $0xFFFFEC00  }
0x30: {  	[spmem:s12] =	stream.linear.scatter [tilespmem:s20], [sflag:$0x3], $0x1400, $0x38;
	[tilespmem:$0x18C00] =	vst v63  }
0x31: {  	_ =	swait.ge [sflag:s21], $0x1400  }
0x32: {  	[sflag:s21] =	ssyncset.done $0x0  }
0x33: {  	s22 =	rddreg [dreg:$0x7];
	[sflag:s21] =	ssyncadd.s32 $0xFFFFEC00  }
0x34: {  	[spmem:s22] =	stream.linear.scatter [tilespmem:s20], [sflag:$0x3], $0x1400, $0x38;
	[tilespmem:$0x18C00] =	vst v63  }
0x35: {  	_ =	swait.ge [sflag:s21], $0x1400  }
0x36: {  	[sflag:s21] =	ssyncset.done $0x0  }
0x37: {  	[sflag:s21] =	ssyncadd.s32 $0xFFFFEC00  }
0x38: {  	[spmem:s13] =	stream.linear.scatter [tilespmem:s20], [sflag:$0x3], $0x1400, $0x38;
	[tilespmem:$0x18C00] =	vst v63  }
0x39: {  	_ =	swait.ge [sflag:s21], $0x1400  }
0x3a: {  	[sflag:s21] =	ssyncset.done $0x0  }
0x3b: {  	[sflag:s21] =	ssyncadd.s32 $0xFFFFEC00  }
0x3c: {  	[spmem:s14] =	stream.linear.scatter [tilespmem:s20], [sflag:$0x3], $0x1400, $0x38;
	[tilespmem:$0x18C00] =	vst v63  }
0x3d: {  	_ =	swait.ge [sflag:s21], $0x1400  }
0x3e: {  	[sflag:s21] =	ssyncset.done $0x0  }
0x3f: {  	[sflag:s21] =	ssyncadd.s32 $0xFFFFEC00  }
0x40: {  	[spmem:s15] =	stream.linear.scatter [tilespmem:s20], [sflag:$0x3], $0x1400, $0x38;
	[tilespmem:$0x18C00] =	vst v63  }
0x41: {  	_ =	swait.ge [sflag:s21], $0x1400  }
0x42: {  	[sflag:s21] =	ssyncset.done $0x0  }
0x43: {  	[sflag:s21] =	ssyncadd.s32 $0xFFFFEC00  }
0x44: {  	[spmem:s16] =	stream.linear.scatter [tilespmem:s20], [sflag:$0x3], $0x1400, $0x38;
	[tilespmem:$0x18C00] =	vst v63  }
0x45: {  	_ =	swait.ge [sflag:s21], $0x1400  }
0x46: {  	[sflag:s21] =	ssyncset.done $0x0  }
0x47: {  	[sflag:s21] =	ssyncadd.s32 $0xFFFFEC00  }
0x48: {  	s1 =	simm.s32 $0x0;
	s9 =	simm.s32 $0xC380;
	s3 =	rddreg [dreg:$0x1]  }
0x49: {  	[tilespmem:s9], [sflag:$0x3] =	stream.linear.gather [hbm4b:s3+s1], $0x80, $0x38;
	[tilespmem:$0x18C00] =	vst v63  }
0x4a: {  	_ =	swait.ge [sflag:s21], $0x80  }
0x4b: {  	[sflag:s21] =	ssyncset.done $0x0  }
0x4c: {  	[sflag:s21] =	ssyncadd.s32 $0xFFFFFF80  }
0x4d: {  	s22 =	simm.s32 $0x0;
	[bflag:$0x0] =	sbarrier.arrive $0xFFFF  }
.LBB2_4:
0x4e: {  	s3 =	sadd.s32 s17, s22  }
0x4f: {  	s3 =	sshll.u32 s3, $0x4  }
0x50: {  	s9 =	sadd.s32 s6, s3  }
0x51: {  	[tilespmem:s1], [sflag:$0x3] =	stream.linear.gather [hbm4b:s9+s1], $0x80, $0x38;
	[tilespmem:$0x18C00] =	vst v63  }
0x52: {  	_ =	swait.ge [sflag:s21], $0x80  }
0x53: {  	[sflag:s21] =	ssyncset.done $0x0  }
0x54: {  	s3 =	sadd.s32 s7, s3;
	[sflag:s21] =	ssyncadd.s32 $0xFFFFFF80  }
0x55: {  	[tilespmem:s23], [sflag:$0x3] =	stream.linear.gather [hbm4b:s3+s1], $0x80, $0x38;
	[tilespmem:$0x18C00] =	vst v63  }
0x56: {  	_ =	swait.ge [sflag:s21], $0x80  }
0x57: {  	[sflag:s21] =	ssyncset.done $0x0  }
0x58: {  	[sflag:s21] =	ssyncadd.s32 $0xFFFFFF80  }
0x59: {  	[tilespmem:s24], [sflag:$0x1] =	stream.indirect.gather [hbm4b:s5+s23], $0x80, s1, s23, $0xb8;
	[tilespmem:$0x18C00] =	vst v63  }
0x5a: {  	_ = 	snop  }
0x5b: {  	[tilespmem:s26], [sflag:$0x2] =	stream.indirect.gather [hbm4b:s5+s23], $0x80, s23, s23, $0xb8;
	[tilespmem:$0x18C00] =	vst v63  }
0x5c: {  	v6 =	vld [tilespmem:$0x80]  }
0x5d: {  	v7 =	vld [tilespmem:$0x90]  }
0x5e: {  	v8 =	vld [tilespmem:$0xA0]  }
0x5f: {  	v9 =	vld [tilespmem:$0xB0]  }
0x60: {  	v10 =	vld [tilespmem:$0xC0]  }
0x61: {  	v11 =	vld [tilespmem:$0xD0];
	v6 =	vsub.s32 v6, v0  }
0x62: {  	v12 =	vld [tilespmem:$0xE0];
	v7 =	vsub.s32 v7, v0;
	v6 =	vmin.u32 v6, $0x1400  }
0x63: {  	[tilespmem:$0x100] =	vst v6;
	v6 =	vmin.u32 v7, $0x1400;
	v7 =	vsub.s32 v8, v0;
	v8 =	vld [tilespmem:$0xF0]  }
0x64: {  	[tilespmem:$0x110] =	vst v6;
	v6 =	vmin.u32 v7, $0x1400;
	v7 =	vsub.s32 v9, v0  }
0x65: {  	v59 =	vmov s1;
	v57 =	vsub.s32 v10, v0;
	[tilespmem:$0x120] =	vst v6;
	v6 =	vmin.u32 v7, $0x1400  }
0x66: {  	vm1 =	veq.s32 v59, v1;
	v7 =	vmin.u32 v57, $0x1400;
	[tilespmem:$0x130] =	vst v6;
	v6 =	vsub.s32 v11, v0  }
0x67: {  	vm1 =	vmand vm1, vm0;
	v58 =	vsub.s32 v12, v0;
	[tilespmem:$0x140] =	vst v7;
	v6 =	vmin.u32 v6, $0x1400  }
0x68: {  	v7 =	vmin.u32 v58, $0x1400;
	[tilespmem:$0x150] =	vst v6;
	v6 =	vsub.s32 v8, v0;
	v8 =	vor.u32 s1, v1  }
0x69: {  	[tilespmem:$0x160] =	vst v7;
	v6 =	vmin.u32 v6, $0x1400;
	v7 =	vshrl.u32 v8, $0x2;
	v8 =	vsel vm1, $0xFFFFFFFF, v3  }
0x6a: {  	[tilespmem:$0x170] =	vst v6;
	v6 =	vadd.s32 v8, v7  }
0x6b: {  	_ =	swait.ge [sflag:s28], $0x4000;
	v6 =	vshll.u32 v6, $0x7  }
0x6c: {  	[sflag:s28] =	ssyncset.done $0x0;
	v7 =	vor.u32 v4, v6  }
0x6d: {  	v6 =	vor.u32 v5, v6;
	[sflag:s28] =	ssyncadd.s32 $0xFFFFC000  }
0x6e: {  	_ =	swait.ge [sflag:s29], $0x4000  }
0x6f: {  	[sflag:s29] =	ssyncset.done $0x0  }
0x70: {  	[sflag:s29] =	ssyncadd.s32 $0xFFFFC000  }
0x71: {  	v8 =	vld.idx.msk [tilespmem:v7+s24+$0x0], $0xffff  }
0x72: {  	v6 =	vld.idx.msk [tilespmem:v6+s26+$0x0], $0xffff;
	_ =	sdelay $0x1  }
0x73: {  	v60 =	vld [tilespmem:$0xC380];
	_ =	sdelay $0x2  }
0x74: {  	v8 =	vadd.f32 v6, v8;
	_ =	sdelay $0x1  }
0x75: {  	v6 =	vadd.f32 v60, v6;
	v61 =	vmul.f32 $2.000000030e-01, v8;
	_ =	sdelay $0x1  }
0x76: {  	v6 =	vmax.f32 v6, $0.0e+00;
	v8 =	vmax.f32 v8, v61  }
0x77: {  	v6 =	vsub.f32 v8, v6;
	_ =	sdelay $0x1  }
0x78: {  	v6 =	vmul.f32 $1.442695020e+00, v6;
	_ =	sdelay $0x1  }
0x79: {  	s11 =	simm.s32 $0x10;
	(erf) = vpow2.f32 v6  }
0x7a: {  	v6 =	vmov s11  }
0x7b: {  	vm1 =	veq.s32 v6, v1  }
0x7c: {  	v6 =	vor.u32 s11, v1;
	vm1 =	vmand vm1, vm0  }
0x7d: {  	v6 =	vshrl.u32 v6, $0x2;
	v8 =	vsel vm1, $0xFFFFFFFF, v3  }
0x7e: {  	v6 =	vadd.s32 v8, v6  }
0x7f: {  	v8 =	vshll.u32 v6, $0x7  }
0x80: {  	v6 =	vor.u32 v4, v8  }
0x81: {  	v8 =	vor.u32 v5, v8  }
0x82: {  	s3 =	simm.s32 $0xC180;
	v62 =	vpop (erf)  }
0x83: {  	[tilespmem:s3+$0x0] =	vst v62  }
0x84: {  	[tilespmem:v7+s30+$0x0] =	vst.idx.msk $0xffff, v62  }
0x85: {  	v7 =	vld.idx.msk [tilespmem:v6+s24+$0x0], $0xffff  }
0x86: {  	v8 =	vld.idx.msk [tilespmem:v8+s26+$0x0], $0xffff;
	_ =	sdelay $0x1  }
0x87: {  	v9 =	vld [tilespmem:$0xC380];
	_ =	sdelay $0x2  }
0x88: {  	v7 =	vadd.f32 v8, v7;
	_ =	sdelay $0x1  }
0x89: {  	v8 =	vadd.f32 v9, v8;
	v63 =	vmul.f32 $2.000000030e-01, v7;
	_ =	sdelay $0x1  }
0x8a: {  	v8 =	vmax.f32 v8, $0.0e+00;
	v7 =	vmax.f32 v7, v63  }
0x8b: {  	v7 =	vsub.f32 v7, v8;
	_ =	sdelay $0x1  }
0x8c: {  	v7 =	vmul.f32 $1.442695020e+00, v7;
	_ =	sdelay $0x1  }
0x8d: {  	s12 =	simm.s32 $0x20;
	(erf) = vpow2.f32 v7  }
0x8e: {  	v8 =	vmov s12  }
0x8f: {  	vm1 =	veq.s32 v8, v1  }
0x90: {  	s9 =	simm.s32 $0x30;
	vm1 =	vmand vm1, vm0;
	v7 =	vor.u32 s12, v1  }
.LBB2_5:
0x91: {  	p0 =	sne.s32 s9, $0x1F0;
	v7 =	vshrl.u32 v7, $0x2;
	v8 =	vsel vm1, $0xFFFFFFFF, v3  }
0x92: {  	v7 =	vadd.s32 v8, v7  }
0x93: {  	v7 =	vshll.u32 v7, $0x7  }
0x94: {  	v8 =	vor.u32 v4, v7  }
0x95: {  	v7 =	vor.u32 v5, v7  }
0x96: {  	s3 =	sadd.s32 $0x10, s3;
	v9 =	vpop (erf)  }
0x97: {  	[tilespmem:s3+$0x0] =	vst v9  }
0x98: {  	[tilespmem:v6+s30+$0x0] =	vst.idx.msk $0xffff, v9;
	v6 =	vmov v8  }
0x99: {  	v8 =	vld.idx.msk [tilespmem:v8+s24+$0x0], $0xffff  }
0x9a: {  	v7 =	vld.idx.msk [tilespmem:v7+s26+$0x0], $0xffff;
	_ =	sdelay $0x2  }
0x9b: {  	v9 =	vld [tilespmem:$0xC380];
	_ =	sdelay $0x2  }
0x9c: {  	v8 =	vadd.f32 v7, v8;
	_ =	sdelay $0x1  }
0x9d: {  	v10 =	vmul.f32 $2.000000030e-01, v8;
	v7 =	vadd.f32 v9, v7;
	_ =	sdelay $0x1  }
0x9e: {  	v8 =	vmax.f32 v8, v10;
	v7 =	vmax.f32 v7, $0.0e+00  }
0x9f: {  	v7 =	vsub.f32 v8, v7;
	_ =	sdelay $0x1  }
0xa0: {  	v7 =	vmul.f32 $1.442695020e+00, v7  }
.Ltmp1:
0xa1: {  	(pc) =	sbr.rel @p0 .LBB2_5-.Ltmp1, $4  }
0xa2: {  	(erf) = vpow2.f32 v7  }
0xa3: {  	v7 =	vmov s9  }
0xa4: {  	vm1 =	veq.s32 v7, v1  }
0xa5: {  	v7 =	vor.u32 s9, v1;
	s9 =	sadd.s32 $0x10, s9;
	vm1 =	vmand vm1, vm0  }
0xa6: {  	v7 =	vshrl.u32 v7, $0x2;
	v8 =	vsel vm1, $0xFFFFFFFF, v3  }
0xa7: {  	v7 =	vadd.s32 v8, v7  }
0xa8: {  	v7 =	vshll.u32 v7, $0x7  }
0xa9: {  	v8 =	vor.u32 v4, v7  }
0xaa: {  	v7 =	vor.u32 v5, v7  }
0xab: {  	s3 =	sadd.s32 $0x10, s3;
	v9 =	vpop (erf)  }
0xac: {  	[tilespmem:s3+$0x0] =	vst v9  }
0xad: {  	[tilespmem:v6+s30+$0x0] =	vst.idx.msk $0xffff, v9  }
0xae: {  	v6 =	vld.idx.msk [tilespmem:v8+s24+$0x0], $0xffff  }
0xaf: {  	v7 =	vld.idx.msk [tilespmem:v7+s26+$0x0], $0xffff;
	_ =	sdelay $0x1  }
0xb0: {  	v9 =	vld [tilespmem:$0xC380];
	_ =	sdelay $0x2  }
0xb1: {  	v6 =	vadd.f32 v7, v6;
	_ =	sdelay $0x1  }
0xb2: {  	v7 =	vadd.f32 v9, v7;
	v10 =	vmul.f32 $2.000000030e-01, v6;
	_ =	sdelay $0x1  }
0xb3: {  	v7 =	vmax.f32 v7, $0.0e+00;
	v6 =	vmax.f32 v6, v10  }
0xb4: {  	v6 =	vsub.f32 v6, v7;
	_ =	sdelay $0x1  }
0xb5: {  	v6 =	vmul.f32 $1.442695020e+00, v6;
	_ =	sdelay $0x1  }
0xb6: {  	(erf) = vpow2.f32 v6;
	_ =	sdelay $0x2  }
0xb7: {  	s9 =	simm.s32 $0x0  }
0xb8: {  	v6 =	vmov s9  }
0xb9: {  	v6 =	vand.u32 $0xFFFFFFFC, v6  }
0xba: {  	v6 =	vbroadcast v6, $0x0;
	_ =	sdelay $0x2  }
0xbb: {  	s3 =	sadd.s32 $0x10, s3;
	v7 =	vpop (erf)  }
0xbc: {  	[tilespmem:s3+$0x0] =	vst v7  }
0xbd: {  	[tilespmem:v8+s30+$0x0] =	vst.idx.msk $0xffff, v7  }
0xbe: {  	s11 =	simm.s32 $0x1;
	s3 =	simm.s32 $0x1A0;
	v6 =	vld.idx.msk [tilespmem:v6+s31+$0x0], $0xffff  }
0xbf: {  	v8 =	vmov s11;
	v7 =	vld [tilespmem:s3+$0xFFFFFFE0]  }
0xc0: {  	v8 =	vand.u32 $0xFFFFFFFD, v8  }
0xc1: {  	v8 =	vbroadcast v8, $0x0;
	_ =	sdelay $0x2  }
0xc2: {  	v6 =	vmul.f32 v7, v6  }
0xc3: {  	s9 =	simm.s32 $0x81A0  }
0xc4: {  	[tilespmem:s9+$0xFFFFFFE0] =	vst v6  }
0xc5: {  	s10 =	simm.s32 $0x2;
	v6 =	vld.idx.msk [tilespmem:v8+s31+$0x0], $0xffff  }
0xc6: {  	v7 =	vld [tilespmem:s3+$0xFFFFFFF0];
	v8 =	vmov s10  }
0xc7: {  	v8 =	vand.u32 $0xFFFFFFFE, v8  }
0xc8: {  	v8 =	vbroadcast v8, $0x0;
	_ =	sdelay $0x2  }
0xc9: {  	v6 =	vmul.f32 v7, v6;
	_ =	sdelay $0x1  }
0xca: {  	[tilespmem:s9+$0xFFFFFFF0] =	vst v6  }
0xcb: {  	v6 =	vld.idx.msk [tilespmem:v8+s31+$0x0], $0xffff  }
0xcc: {  	v7 =	vld [tilespmem:s3+$0x0];
	_ =	sdelay $0x1  }
0xcd: {  	s12 =	simm.s32 $0x3  }
0xce: {  	v8 =	vmov s12;
	_ =	sdelay $0x1  }
0xcf: {  	v6 =	vmul.f32 v7, v6;
	_ =	sdelay $0x1  }
0xd0: {  	[tilespmem:s9+$0x0] =	vst v6  }
0xd1: {  	s10 =	simm.s32 $0x4;
	v6 =	vld.idx.msk [tilespmem:v8+s31+$0x0], $0xffff  }
0xd2: {  	s11 =	simm.s32 $0x8;
	v8 =	vmov s10;
	v7 =	vld [tilespmem:s3+$0x10]  }
.LBB2_7:
0xd3: {  	p0 =	sne.s32 s11, $0x1FC;
	v8 =	vand.u32 $0xFFFFFFFC, v8  }
0xd4: {  	v8 =	vbroadcast v8, $0x0;
	_ =	sdelay $0x2  }
0xd5: {  	v6 =	vmul.f32 v7, v6;
	_ =	sdelay $0x1  }
0xd6: {  	[tilespmem:s9+$0x10] =	vst v6  }
0xd7: {  	s12 =	sadd.s32 $0x1, s10;
	s3 =	sadd.s32 $0x80, s3;
	v6 =	vld.idx.msk [tilespmem:v8+s31+$0x0], $0xffff  }
0xd8: {  	v8 =	vmov s12;
	v7 =	vld [tilespmem:s3+$0xFFFFFFE0]  }
0xd9: {  	v8 =	vand.u32 $0xFFFFFFFD, v8  }
0xda: {  	v8 =	vbroadcast v8, $0x0;
	_ =	sdelay $0x2  }
0xdb: {  	v6 =	vmul.f32 v7, v6  }
0xdc: {  	s9 =	sadd.s32 $0x80, s9  }
0xdd: {  	[tilespmem:s9+$0xFFFFFFE0] =	vst v6  }
0xde: {  	s12 =	sadd.s32 $0x2, s10;
	v6 =	vld.idx.msk [tilespmem:v8+s31+$0x0], $0xffff  }
0xdf: {  	v8 =	vmov s12;
	v7 =	vld [tilespmem:s3+$0xFFFFFFF0]  }
0xe0: {  	v8 =	vand.u32 $0xFFFFFFFE, v8  }
0xe1: {  	v8 =	vbroadcast v8, $0x0;
	_ =	sdelay $0x2  }
0xe2: {  	v6 =	vmul.f32 v7, v6;
	_ =	sdelay $0x1  }
0xe3: {  	[tilespmem:s9+$0xFFFFFFF0] =	vst v6  }
0xe4: {  	v6 =	vld.idx.msk [tilespmem:v8+s31+$0x0], $0xffff  }
0xe5: {  	v7 =	vld [tilespmem:s3+$0x0];
	_ =	sdelay $0x1  }
0xe6: {  	s12 =	sadd.s32 $0x3, s10;
	s10 =	smov.u32 s11  }
0xe7: {  	v8 =	vmov s12;
	_ =	sdelay $0x1  }
.Ltmp2:
0xe8: {  	v6 =	vmul.f32 v7, v6;
	(pc) =	sbr.rel @p0 .LBB2_7-.Ltmp2, $4  }
0xe9: {  	_ = 	snop  }
0xea: {  	[tilespmem:s9+$0x0] =	vst v6  }
0xeb: {  	v6 =	vld.idx.msk [tilespmem:v8+s31+$0x0], $0xffff  }
0xec: {  	s11 =	sadd.s32 $0x4, s11;
	v8 =	vmov s10;
	v7 =	vld [tilespmem:s3+$0x10]  }
0xed: {  	v8 =	vand.u32 $0xFFFFFFFC, v8  }
0xee: {  	v8 =	vbroadcast v8, $0x0;
	_ =	sdelay $0x2  }
0xef: {  	v6 =	vmul.f32 v7, v6;
	_ =	sdelay $0x1  }
0xf0: {  	[tilespmem:s9+$0x10] =	vst v6  }
0xf1: {  	s11 =	sadd.s32 $0x1, s10;
	s3 =	sadd.s32 $0x80, s3;
	v6 =	vld.idx.msk [tilespmem:v8+s31+$0x0], $0xffff  }
0xf2: {  	v61 =	vmov s11;
	v7 =	vld [tilespmem:s3+$0xFFFFFFE0]  }
0xf3: {  	v8 =	vand.u32 $0xFFFFFFFD, v61  }
0xf4: {  	v8 =	vbroadcast v8, $0x0;
	_ =	sdelay $0x2  }
0xf5: {  	v6 =	vmul.f32 v7, v6  }
0xf6: {  	s9 =	sadd.s32 $0x80, s9  }
0xf7: {  	[tilespmem:s9+$0xFFFFFFE0] =	vst v6  }
0xf8: {  	s12 =	sadd.s32 $0x2, s10;
	v6 =	vld.idx.msk [tilespmem:v8+s31+$0x0], $0xffff  }
0xf9: {  	v62 =	vmov s12;
	v7 =	vld [tilespmem:s3+$0xFFFFFFF0]  }
0xfa: {  	v8 =	vand.u32 $0xFFFFFFFE, v62  }
0xfb: {  	v8 =	vbroadcast v8, $0x0;
	_ =	sdelay $0x2  }
0xfc: {  	v6 =	vmul.f32 v7, v6;
	_ =	sdelay $0x1  }
0xfd: {  	[tilespmem:s9+$0xFFFFFFF0] =	vst v6  }
0xfe: {  	v6 =	vld.idx.msk [tilespmem:v8+s31+$0x0], $0xffff  }
0xff: {  	v7 =	vld [tilespmem:s3+$0x0];
	_ =	sdelay $0x1  }
0x100: {  	s12 =	sadd.s32 $0x3, s10  }
0x101: {  	v63 =	vmov s12;
	_ =	sdelay $0x1  }
0x102: {  	v6 =	vmul.f32 v7, v6;
	_ =	sdelay $0x1  }
0x103: {  	[tilespmem:s9+$0x0] =	vst v6  }
0x104: {  	v6 =	vld.idx.msk [tilespmem:v63+s31+$0x0], $0xffff  }
0x105: {  	v7 =	vld [tilespmem:s3+$0x10];
	_ =	sdelay $0x4  }
0x106: {  	s22 =	sadd.s32 $0x1, s22;
	v6 =	vmul.f32 v7, v6  }
0x107: {  	p0 =	sne.s32 s22, $0xA2  }
.Ltmp3:
0x108: {  	[tilespmem:s9+$0x10] =	vst v6;
	(pc) =	sbr.rel @p0 .LBB2_4-.Ltmp3, $4  }
0x109: {  	[spmem:s2] =	stream.indirect.scatter.add.f32 [tilespmem:s30], [sflag:$0x3], $0x80, s0, s23, $0xb8;
	[tilespmem:$0x18C00] =	vst v63  }
0x10a: {  	_ =	swait.ge [sflag:s21], $0x4000  }
0x10b: {  	[sflag:s21] =	ssyncset.done $0x0  }
0x10c: {  	[sflag:s21] =	ssyncadd.s32 $0xFFFFC000  }
0x10d: {  	s1 =	stileid.u32;
	s4 =	sadd.s32 $0x1, s4  }
0x10e: {  	s1 =	sshll.u32 s1, $0x6;
	p0 =	sne.s32 s4, s19  }
.Ltmp4:
0x10f: {  	[bflag:$0x0] =	sbarrier.arrive $0xFFFF;
	s1 =	sor.u32 $0x1C03, s1;
	(pc) =	sbr.rel @p0 .LBB2_1-.Ltmp4, $4  }
0x110: {  	[hbm:s18], [sflag:s1] =	dma.local [spmem:s25], $0x1400  }
0x111: {  	_ =	swait.ge [sflag:s21], $0x1400  }
0x112: {  	[sflag:s21] =	ssyncset.done $0x0  }
0x113: {  	[sflag:s21] =	ssyncadd.s32 $0xFFFFEC00  }
0x114: {  	_ =	sfence.sel $0x180000  }
0x115: {  	[bflag:$0x0] =	sbarrier.arrive $0xFFFF  }
0x116: {  	_ =	strace $0x9000004A  }
0x117: {  	s0 =	stileid.u32;
	[bflag:$0x2] =	sbarrier.arrive $0xFFFF  }
0x118: {  	p0 =	sne.s32 s0, $0x0;
	s0 =	rddreg [dreg:$0x3]  }
0x119: {  	s0 =	sadd.s32 @!p0 $0x100000, s0  }
0x11a: {  	[sflag:s0] =	ssyncadd.tile.s32 @!p0 $0x1;
	_ =	shalt  }
.Lfunc_end2:
_tile_overlayer_lowered:
.L_overlay_start_2:
0x11b: {  	(tag) =	ssettag $0x2  }
0x11c: {  	s0 =	rddreg [dreg:$0x0];
	s2 =	stileid.u32  }
0x11d: {  	s1 =	rddreg [dreg:$0x1];
	p0 =	sne.s32 s2, $0x0  }
0x11e: {  	s3 =	rddreg [dreg:$0x2];
	[bflag:$0x3] =	sbarrier.arrive $0xFFFF;
	s2 =	simm.s32 @!p0 $0x1C03  }
0x11f: {  	[timem:s3], [sflag:s2] =	dma.local @!p0 [hbm:s0], s1  }
0x120: {  	s0 =	simm.s32 @!p0 $0x3  }
0x121: {  	_ =	swait.ge @!p0 [sflag:s0], s1  }
0x122: {  	s1 =	ssub.s32 @!p0 $0x0, s1;
	[sflag:s0] =	ssyncset.done @!p0 $0x0  }
0x123: {  	[sflag:s0] =	ssyncadd.s32 @!p0 s1  }
0x124: {  	[bflag:$0x3] =	sbarrier.arrive $0xFFFF  }
0x125: {  	_ =	shalt  }

// kernel: kernel.15.cloned.1.call-start
scs
__scs_entry_jumppad:
0x0: {  	(pc) =	sbr.rel $0x88, $3  }
0x1: {  	(tag) =	ssettag $0x0;
	lr =	simm.s32 $0x1  }
0x2: {  	[smem:$0x3F93] =	sst lr;
	_ =	strace $0xD0000000  }
0x3: {  	_ = 	snop  }
0x4: {  	_ = 	snop  }
0x5: {  	_ = 	snop  }
0x6: {  	_ = 	snop  }
0x7: {  	_ = 	snop  }
__scs_overlays_trampoline_lowered:
0x8: {  	[smem:$0x3FA2] =	sst s0  }
0x9: {  	[smem:$0x3FA3] =	sst s1  }
0xa: {  	[smem:$0x3FA4] =	sst s2  }
0xb: {  	[smem:$0x3FA5] =	sst s3  }
0xc: {  	[smem:$0x3FA6] =	sst s4  }
0xd: {  	[smem:$0x3FA7] =	sst s5  }
0xe: {  	[smem:$0x3FA8] =	sst s6  }
0xf: {  	[smem:$0x3FA9] =	sst s7  }
0x10: {  	[smem:$0x3FAA] =	sst s8  }
0x11: {  	[smem:$0x3FAB] =	sst s9;
	s0 =	simm.s32 @!p0 $0x0  }
0x12: {  	s1 =	sld [smem:$0x3F91];
	s0 =	simm.s32 @p0 $0x1  }
0x13: {  	[smem:$0x3FAC] =	sst s0;
	s0 =	simm.s32 @!p1 $0x0  }
0x14: {  	s2 =	sld [smem:$0x3F90];
	s0 =	simm.s32 @p1 $0x1  }
0x15: {  	[smem:$0x3FAD] =	sst s0;
	s0 =	simm.s32 @!p2 $0x0  }
0x16: {  	s3 =	sld [smem:$0x3FDB];
	s0 =	simm.s32 @p2 $0x1  }
0x17: {  	s4 =	simm.s32 $0x1BF5;
	[smem:$0x3FAF] =	sst s0  }
0x18: {  	s0 =	sld [smem:$0x3F92];
	_ =	swait.ge [sflag:s4], $0x0  }
0x19: {  	s7 =	sld [smem:$0x3F93]  }
0x1a: {  	s8 =	sadd.s32 $0xFFFFE003, lr  }
0x1b: {  	s9 =	sadd.s32 $0xFFFFFEF7, lr;
	s5 =	simm.s32 $0xFFFFFFFF;
	p2 =	slt.u32 s8, $0xFFFFF086  }
0x1c: {  	p1 =	slt.u32 s9, $0xF7A;
	s5 =	simm.s32 @!p2 $0x0  }
0x1d: {  	s5 =	simm.s32 @p1 $0x1;
	p0 =	seq.s32 s7, s2  }
0x1e: {  	s7 =	smul.u32 @!p0 $0xF7A, s2;
	p2 =	seq.s32 @!p0 s5, $0x0  }
0x1f: {  	s9 =	smul.u32 $0xF7A, s1;
	s8 =	simm.s32 @!p0 $0x1BF5;
	p2 =	por !p2, p0  }
0x20: {  	[sflag:s8] =	ssyncset.s32 @!p0 $0xFFFFF086;
	s6 =	sadd.s32 @!p0 s3, s7;
	s7 =	simm.s32 @!p0 $0x108  }
0x21: {  	s3 =	sadd.s32 s3, s9;
	s6 =	sadd.s32 @!p0 $0x88, s6;
	s7 =	simm.s32 @p2 $0x1082  }
0x22: {  	[simem:s7], [sflag:s8] =	dma.local @!p0 [hbm:s6], $0xF7A  }
0x23: {  	s9 =	sor.u32 $0xD0000000, s2;
	s6 =	simm.s32 $0x108;
	_ =	swait.ge @!p0 [sflag:s8], $0x0  }
0x24: {  	s3 =	sadd.s32 $0x88, s3;
	s6 =	simm.s32 @!p1 $0x1082;
	[sflag:s4] =	ssyncset.s32 $0xFFFFF086  }
0x25: {  	[simem:s6], [sflag:s4] =	dma.local [hbm:s3], $0xF7A  }
0x26: {  	[smem:$0x3F93] =	sst s1;
	(tag) =	ssettag s2;
	_ =	strace s9  }
0x27: {  	s1 =	sld [smem:$0x3FA3]  }
0x28: {  	s2 =	sld [smem:$0x3FA4]  }
0x29: {  	s4 =	sld [smem:$0x3FA6]  }
0x2a: {  	p0 =	seq.s32 s5, $0x0;
	s5 =	sld [smem:$0x3FA7]  }
0x2b: {  	s6 =	sld [smem:$0x3FA8]  }
0x2c: {  	s7 =	sld [smem:$0x3FA9]  }
0x2d: {  	s3 =	simm.s32 $0x108;
	s8 =	sld [smem:$0x3FAA]  }
0x2e: {  	s3 =	simm.s32 @!p0 $0x1082;
	s9 =	sld [smem:$0x3FAB]  }
0x2f: {  	lr =	sadd.s32 s0, s3;
	s0 =	sld [smem:$0x3FA2]  }
0x30: {  	s3 =	sld [smem:$0x3FA5]  }
0x31: {  	[smem:$0x3FAE] =	sst s10  }
0x32: {  	s10 =	sld [smem:$0x3FAC];
	_ =	sdelay $0x3  }
0x33: {  	p0 =	seq.s32 s10, $0x1;
	s10 =	sld [smem:$0x3FAE];
	_ =	sdelay $0x3  }
0x34: {  	[smem:$0x3FAE] =	sst s10  }
0x35: {  	s10 =	sld [smem:$0x3FAD];
	_ =	sdelay $0x3  }
0x36: {  	p1 =	seq.s32 s10, $0x1;
	s10 =	sld [smem:$0x3FAE];
	_ =	sdelay $0x3  }
0x37: {  	[smem:$0x3FAE] =	sst s10  }
0x38: {  	s10 =	sld [smem:$0x3FAF]  }
0x39: {  	_ = 	snop;
	(pc) =	sbr.ind lr, $3  }
0x3a: {  	_ = 	snop  }
0x3b: {  	_ = 	snop  }
0x3c: {  	p2 =	seq.s32 s10, $0x1;
	s10 =	sld [smem:$0x3FAE]  }
0x3d: {  	_ =	shalt  }
0x3e: {  	_ =	shalt  }
0x3f: {  	_ =	shalt  }
0x40: {  	_ =	shalt  }
0x41: {  	_ =	shalt  }
0x42: {  	_ =	shalt  }
0x43: {  	_ =	shalt  }
0x44: {  	_ =	shalt  }
0x45: {  	_ =	shalt  }
0x46: {  	_ =	shalt  }
0x47: {  	_ =	shalt  }
0x48: {  	_ =	shalt  }
0x49: {  	_ =	shalt  }
0x4a: {  	_ =	shalt  }
0x4b: {  	_ =	shalt  }
0x4c: {  	_ =	shalt  }
0x4d: {  	_ =	shalt  }
0x4e: {  	_ =	shalt  }
0x4f: {  	_ =	shalt  }
0x50: {  	_ =	shalt  }
0x51: {  	_ =	shalt  }
0x52: {  	_ =	shalt  }
0x53: {  	_ =	shalt  }
0x54: {  	_ =	shalt  }
0x55: {  	_ =	shalt  }
0x56: {  	_ =	shalt  }
0x57: {  	_ =	shalt  }
0x58: {  	_ =	shalt  }
0x59: {  	_ =	shalt  }
0x5a: {  	_ =	shalt  }
0x5b: {  	_ =	shalt  }
0x5c: {  	_ =	shalt  }
0x5d: {  	_ =	shalt  }
0x5e: {  	_ =	shalt  }
0x5f: {  	_ =	shalt  }
0x60: {  	_ =	shalt  }
0x61: {  	_ =	shalt  }
0x62: {  	_ =	shalt  }
0x63: {  	_ =	shalt  }
0x64: {  	_ =	shalt  }
0x65: {  	_ =	shalt  }
0x66: {  	_ =	shalt  }
0x67: {  	_ =	shalt  }
0x68: {  	_ =	shalt  }
0x69: {  	_ =	shalt  }
0x6a: {  	_ =	shalt  }
0x6b: {  	_ =	shalt  }
0x6c: {  	_ =	shalt  }
0x6d: {  	_ =	shalt  }
0x6e: {  	_ =	shalt  }
0x6f: {  	_ =	shalt  }
0x70: {  	_ =	shalt  }
0x71: {  	_ =	shalt  }
0x72: {  	_ =	shalt  }
0x73: {  	_ =	shalt  }
0x74: {  	_ =	shalt  }
0x75: {  	_ =	shalt  }
0x76: {  	_ =	shalt  }
0x77: {  	_ =	shalt  }
0x78: {  	_ =	shalt  }
0x79: {  	_ =	shalt  }
0x7a: {  	_ =	shalt  }
0x7b: {  	_ =	shalt  }
0x7c: {  	_ =	shalt  }
0x7d: {  	_ =	shalt  }
0x7e: {  	_ =	shalt  }
0x7f: {  	_ =	shalt  }
0x80: {  	_ =	shalt  }
0x81: {  	_ =	shalt  }
0x82: {  	_ =	shalt  }
0x83: {  	_ =	shalt  }
0x84: {  	_ =	shalt  }
0x85: {  	_ =	shalt  }
0x86: {  	_ =	shalt  }
0x87: {  	_ =	shalt  }
.Lfunc_end0:
.L_simem_size_0:
called_computation.2_lowered:
.L_overlay_start_0:
0x88: {  	s2 =	sld [smem:$0x3FD9]  }
0x89: {  	s3 =	sld [smem:$0x3FFE];
	_ =	sdelay $0x1  }
0x8a: {  	s1 =	srdreg.scid  }
0x8b: {  	s0 =	sand.u32 $0x1, s1  }
0x8c: {  	s17 =	sshll.u32 s0, $0xA;
	s2 =	sadd.s32 s3, s2  }
0x8d: {  	s2 =	sadd.s32 s2, s17  }
0x8e: {  	[smem:$0x3FBA] =	sst s2  }
0x8f: {  	_ = 	snop  }
0x90: {  	s2 =	sld [smem:$0x3FD0];
	(tm) =	ssettm $0x1  }
0x91: {  	s18 =	sld [smem:$0x3FFB];
	_ =	sdelay $0x3  }
0x92: {  	_ =	strace s18  }
0x93: {  	s3 =	sld [smem:$0x3FFC];
	_ =	sdelay $0x3  }
0x94: {  	_ =	strace s3  }
0x95: {  	s3 =	sld [smem:$0x3FFD];
	_ =	sdelay $0x3  }
0x96: {  	_ =	strace s3  }
0x97: {  	_ =	strace $0x8FFFFFFF  }
0x98: {  	s19 =	sld [smem:$0x3FDB];
	_ =	sdelay $0x1  }
0x99: {  	s4 =	simm.s32 $_scs_section_size  }
0x9a: {  	s5 =	simm.s32 $_size__tile_overlayer_lowered;
	s6 =	simm.s32 $_tile_overlayer_lowered  }
0x9b: {  	s22 =	simm.s32 $0x1BFF;
	s21 =	sshll.u32 s6, $0x1;
	s3 =	sadd.s32 s4, s19  }
0x9c: {  	s7 =	simm.s32 $0x0;
	s20 =	sshll.u32 s5, $0x1;
	s5 =	sadd.s32 s21, s3  }
0x9d: {  	[timem:s7], [sflag:s22] =	dma.local [hbm:s5], s20  }
0x9e: {  	_ =	swait.ge [sflag:s22], s20  }
0x9f: {  	s4 =	ssub.s32 $0x0, s20;
	[sflag:s22] =	ssyncset.done $0x0  }
0xa0: {  	[sflag:s22] =	ssyncadd.s32 s4;
	_ =	sdelay $0x1  }
0xa1: {  	s23 =	simm.s32 $0x1B8B  }
0xa2: {  	_ =	swait.ge [sflag:s23], $0x1  }
0xa3: {  	[sflag:s23] =	ssyncset.done $0x0  }
0xa4: {  	s25 =	simm.s32 $0x1B8E;
	s24 =	sld [smem:$0x3FFE];
	[sflag:s23] =	ssyncadd.s32 $0xFFFFFFFF  }
0xa5: {  	s26 =	simm.s32 $execute0_lowered;
	[smem:$0x3FD2] =	sst s25  }
0xa6: {  	s5 =	sshll.u32 s26, $0x1;
	_ =	strace $0x8000004C;
	[dreg:$0x1] =	wrdreg $0xFFFFFFFF  }
0xa7: {  	s28 =	simm.s32 $_size_execute0_lowered;
	s3 =	sadd.s32 s3, s5;
	[dreg:$0x0] =	wrdreg $0x0  }
0xa8: {  	s5 =	sshll.u32 s28, $0x1;
	[dreg:$0x2] =	wrdreg s3  }
0xa9: {  	[dreg:$0x3] =	wrdreg s5  }
0xaa: {  	[dreg:$0x4] =	wrdreg $0xC0  }
0xab: {  	_ =	task [dreg:s7], $0x5FFFF  }
0xac: {  	[dreg:$0x1] =	wrdreg $0xFFFFFFFF  }
0xad: {  	[dreg:$0x0] =	wrdreg $0x60  }
0xae: {  	[dreg:$0x2] =	wrdreg s24  }
0xaf: {  	[dreg:$0x3] =	wrdreg s2  }
0xb0: {  	[dreg:$0x4] =	wrdreg $0xD9000  }
0xb1: {  	[dreg:$0x5] =	wrdreg $0x9  }
0xb2: {  	_ =	task.clear_ibuf [dreg:s7], $0x6FFFF;
	_ =	strace $0x9000004C  }
0xb3: {  	s29 =	simm.s32 $0x9;
	_ =	strace $0x8000004E  }
0xb4: {  	_ =	swait.ge [sflag:s29], $0x1  }
0xb5: {  	[sflag:s29] =	ssyncadd.s32 $0xFFFFFFFF  }
0xb6: {  	_ =	strace $0x9000004E  }
0xb7: {  	_ =	sfence  }
0xb8: {  	s30 =	sld [smem:$0x0];
	_ =	sdelay $0x2  }
0xb9: {  	s31 =	sshll.u32 s1, $0xD;
	s1 =	sshrl.u32 s1, $0x2  }
0xba: {  	s3 =	sand.u32 $0x4000, s31;
	s1 =	sadd.s32 s1, s30  }
0xbb: {  	s0 =	sor.u32 s3, s0;
	s1 =	sshll.u32 s1, $0x11  }
0xbc: {  	s0 =	sor.u32 s1, s0  }
0xbd: {  	s0 =	sadd.s32 $0x8F2B, s0  }
0xbe: {  	[sflag:s0] =	ssyncadd.remote.s32 $0x1  }
0xbf: {  	_ =	sfence.sel $0xFFFF  }
0xc0: {  	[dreg:$0x0] =	wrdreg $0xFFFFFFFF;
	(pc) =	sbr.abs _section_cstart, $3  }
0xc1: {  	[dreg:$0x1] =	wrdreg $0xFFFFFFFF  }
0xc2: {  	_ =	task.clear_ibuf [dreg:s7], $0x2FFFF;
	_ =	strace $0x9FFFFFFF  }
0xc3: {  	(tm) =	ssettm $0x7FFFFFFF  }
tec
execute0_lowered:
.L_overlay_start_1:
0x0: {  	(tag) =	ssettag $0x1  }
0x1: {  	s0 =	rddreg [dreg:$0x0]  }
0x2: {  	s2 =	rddreg [dreg:$0x2];
	s1 =	srdreg.scid  }
0x3: {  	s4 =	simm.s32 $0x0;
	s11 =	stileid.u32;
	s20 =	simm.s32 $0xC500  }
0x4: {  	s21 =	simm.s32 $0x3;
	s28 =	simm.s32 $0x1;
	s8 =	smul.u32 $0x140, s11  }
0x5: {  	s29 =	simm.s32 $0x2;
	s30 =	simm.s32 $0x8180;
	s9 =	smul.u32 $0x2D000, s11  }
0x6: {  	s31 =	simm.s32 $0xC180;
	s1 =	sand.u32 $0x1, s1;
	s26 =	smul.u32 $0x28000, s11  }
0x7: {  	[smem:$0x7FF] =	sst s4;
	s5 =	sadd.s32 $0x1E00, s0;
	s3 =	smul.u32 $0x1400, s1  }
0x8: {  	s6 =	sadd.s32 $0x29E00, s0;
	s7 =	sadd.s32 $0x34000, s0;
	s17 =	smul.u32 $0xA2, s11  }
0x9: {  	_ =	strace $0x8000004D;
	s1 =	ssub.s32 $0x2, s1;
	s8 =	sadd.s32 s8, s3  }
0xa: {  	s9 =	sshrl.u32 s9, $0x2;
	s10 =	sshrl.u32 s1, $0x1;
	s8 =	sshll.u32 s8, $0x4  }
0xb: {  	s1 =	ssub.s32 s1, s10;
	s0 =	sadd.s32 s8, s0;
	s8 =	sadd.s32 s9, s2  }
0xc: {  	s19 =	smax.u32 s1, $0x1;
	s9 =	sadd.s32 $0x1400, s8;
	s23 =	sadd.s32 $0x2800, s8  }
0xd: {  	s24 =	sadd.s32 $0x3C00, s8;
	s25 =	sadd.s32 $0x5000, s8;
	s13 =	sadd.s32 $0x6400, s8  }
0xe: {  	s14 =	sadd.s32 $0x7800, s8;
	s15 =	sadd.s32 $0x8C00, s8;
	[dreg:$0x4] =	wrdreg s9  }
0xf: {  	s16 =	sadd.s32 $0xA000, s8;
	s18 =	sadd.s32 $0x3E200, s0;
	[dreg:$0x5] =	wrdreg s23  }
0x10: {  	s0 =	simm.s32 $0x100;
	[dreg:$0x6] =	wrdreg s24;
	s9 =	sshrl.u32 s26, $0x2  }
0x11: {  	v1 =	vimm.f32 $0.0e+00;
	[dreg:$0x7] =	wrdreg s25;
	s23 =	simm.s32 $0x80;
	s9 =	sadd.s32 s9, s2  }
0x12: {  	v2 =	vlaneseq.u32;
	v3 =	vimm.s32 $0x0;
	v0 =	vmov s3;
	s25 =	simm.s32 $0x180;
	s26 =	simm.s32 $0x4180;
	s24 =	sshrl.u32 s9, $0x3  }
.LBB2_1:
0x13: {  	s1 =	simm.s32 $0x0;
	s3 =	simm.s32 $0x200  }
.LBB2_2:
0x14: {  	p0 =	sne.s32 s3, $0x4E00;
	[tilespmem:s1+$0xC570] =	vst v1  }
0x15: {  	[tilespmem:s1+$0xC500] =	vst v1  }
0x16: {  	[tilespmem:s1+$0xC510] =	vst v1  }
.Ltmp0:
0x17: {  	[tilespmem:s1+$0xC520] =	vst v1;
	(pc) =	sbr.rel @p0 .LBB2_2-.Ltmp0, $4  }
0x18: {  	[tilespmem:s1+$0xC530] =	vst v1  }
0x19: {  	[tilespmem:s1+$0xC540] =	vst v1  }
0x1a: {  	[tilespmem:s1+$0xC550] =	vst v1  }
0x1b: {  	[tilespmem:s1+$0xC560] =	vst v1;
	s1 =	sshra.s32 s3, $0x2;
	s3 =	sadd.s32 $0x200, s3  }
0x1c: {  	[tilespmem:s1+$0xC570] =	vst v1  }
0x1d: {  	[tilespmem:s1+$0xC500] =	vst v1  }
0x1e: {  	[tilespmem:s1+$0xC510] =	vst v1  }
0x1f: {  	[tilespmem:s1+$0xC520] =	vst v1  }
0x20: {  	[tilespmem:s1+$0xC530] =	vst v1  }
0x21: {  	[tilespmem:s1+$0xC540] =	vst v1  }
0x22: {  	[tilespmem:s1+$0xC550] =	vst v1  }
0x23: {  	[tilespmem:s1+$0xC560] =	vst v1  }
0x24: {  	[spmem:s8] =	stream.linear.scatter [tilespmem:s20], [sflag:$0x3], $0x1400, $0x38;
	[tilespmem:$0x18D00] =	vst v63  }
0x25: {  	_ =	swait.ge [sflag:s21], $0x1400  }
0x26: {  	[sflag:s21] =	ssyncset.done $0x0  }
0x27: {  	s10 =	rddreg [dreg:$0x4];
	[sflag:s21] =	ssyncadd.s32 $0xFFFFEC00  }
0x28: {  	[spmem:s10] =	stream.linear.scatter [tilespmem:s20], [sflag:$0x3], $0x1400, $0x38;
	[tilespmem:$0x18D00] =	vst v63  }
0x29: {  	_ =	swait.ge [sflag:s21], $0x1400  }
0x2a: {  	[sflag:s21] =	ssyncset.done $0x0  }
0x2b: {  	s11 =	rddreg [dreg:$0x5];
	[sflag:s21] =	ssyncadd.s32 $0xFFFFEC00  }
0x2c: {  	[spmem:s11] =	stream.linear.scatter [tilespmem:s20], [sflag:$0x3], $0x1400, $0x38;
	[tilespmem:$0x18D00] =	vst v63  }
0x2d: {  	_ =	swait.ge [sflag:s21], $0x1400  }
0x2e: {  	[sflag:s21] =	ssyncset.done $0x0  }
0x2f: {  	s12 =	rddreg [dreg:$0x6];
	[sflag:s21] =	ssyncadd.s32 $0xFFFFEC00  }
0x30: {  	[spmem:s12] =	stream.linear.scatter [tilespmem:s20], [sflag:$0x3], $0x1400, $0x38;
	[tilespmem:$0x18D00] =	vst v63  }
0x31: {  	_ =	swait.ge [sflag:s21], $0x1400  }
0x32: {  	[sflag:s21] =	ssyncset.done $0x0  }
0x33: {  	s22 =	rddreg [dreg:$0x7];
	[sflag:s21] =	ssyncadd.s32 $0xFFFFEC00  }
0x34: {  	[spmem:s22] =	stream.linear.scatter [tilespmem:s20], [sflag:$0x3], $0x1400, $0x38;
	[tilespmem:$0x18D00] =	vst v63  }
0x35: {  	_ =	swait.ge [sflag:s21], $0x1400  }
0x36: {  	[sflag:s21] =	ssyncset.done $0x0  }
0x37: {  	[sflag:s21] =	ssyncadd.s32 $0xFFFFEC00  }
0x38: {  	[spmem:s13] =	stream.linear.scatter [tilespmem:s20], [sflag:$0x3], $0x1400, $0x38;
	[tilespmem:$0x18D00] =	vst v63  }
0x39: {  	_ =	swait.ge [sflag:s21], $0x1400  }
0x3a: {  	[sflag:s21] =	ssyncset.done $0x0  }
0x3b: {  	[sflag:s21] =	ssyncadd.s32 $0xFFFFEC00  }
0x3c: {  	[spmem:s14] =	stream.linear.scatter [tilespmem:s20], [sflag:$0x3], $0x1400, $0x38;
	[tilespmem:$0x18D00] =	vst v63  }
0x3d: {  	_ =	swait.ge [sflag:s21], $0x1400  }
0x3e: {  	[sflag:s21] =	ssyncset.done $0x0  }
0x3f: {  	[sflag:s21] =	ssyncadd.s32 $0xFFFFEC00  }
0x40: {  	[spmem:s15] =	stream.linear.scatter [tilespmem:s20], [sflag:$0x3], $0x1400, $0x38;
	[tilespmem:$0x18D00] =	vst v63  }
0x41: {  	_ =	swait.ge [sflag:s21], $0x1400  }
0x42: {  	[sflag:s21] =	ssyncset.done $0x0  }
0x43: {  	[sflag:s21] =	ssyncadd.s32 $0xFFFFEC00  }
0x44: {  	[spmem:s16] =	stream.linear.scatter [tilespmem:s20], [sflag:$0x3], $0x1400, $0x38;
	[tilespmem:$0x18D00] =	vst v63  }
0x45: {  	_ =	swait.ge [sflag:s21], $0x1400  }
0x46: {  	[sflag:s21] =	ssyncset.done $0x0  }
0x47: {  	[sflag:s21] =	ssyncadd.s32 $0xFFFFEC00  }
0x48: {  	s1 =	simm.s32 $0x0;
	s9 =	simm.s32 $0xC480;
	s3 =	rddreg [dreg:$0x1]  }
0x49: {  	[tilespmem:s9], [sflag:$0x3] =	stream.linear.gather [hbm4b:s3+s1], $0x80, $0x38;
	[tilespmem:$0x18D00] =	vst v63  }
0x4a: {  	_ =	swait.ge [sflag:s21], $0x80  }
0x4b: {  	[sflag:s21] =	ssyncset.done $0x0  }
0x4c: {  	[sflag:s21] =	ssyncadd.s32 $0xFFFFFF80  }
0x4d: {  	s22 =	simm.s32 $0x0;
	[bflag:$0x0] =	sbarrier.arrive $0xFFFF  }
.LBB2_4:
0x4e: {  	s3 =	sadd.s32 s17, s22  }
0x4f: {  	s3 =	sshll.u32 s3, $0x4  }
0x50: {  	s9 =	sadd.s32 s6, s3  }
0x51: {  	[tilespmem:s1], [sflag:$0x3] =	stream.linear.gather [hbm4b:s9+s1], $0x80, $0x38;
	[tilespmem:$0x18D00] =	vst v63  }
0x52: {  	_ =	swait.ge [sflag:s21], $0x80  }
0x53: {  	[sflag:s21] =	ssyncset.done $0x0  }
0x54: {  	s3 =	sadd.s32 s7, s3;
	[sflag:s21] =	ssyncadd.s32 $0xFFFFFF80  }
0x55: {  	[tilespmem:s23], [sflag:$0x3] =	stream.linear.gather [hbm4b:s3+s1], $0x80, $0x38;
	[tilespmem:$0x18D00] =	vst v63  }
0x56: {  	_ =	swait.ge [sflag:s21], $0x80  }
0x57: {  	[sflag:s21] =	ssyncset.done $0x0  }
0x58: {  	[sflag:s21] =	ssyncadd.s32 $0xFFFFFF80  }
0x59: {  	[tilespmem:s25], [sflag:$0x1] =	stream.indirect.gather [hbm4b:s5+s23], $0x80, s1, s23, $0xb8;
	[tilespmem:$0x18D00] =	vst v63  }
0x5a: {  	_ = 	snop  }
0x5b: {  	[tilespmem:s26], [sflag:$0x2] =	stream.indirect.gather [hbm4b:s5+s23], $0x80, s23, s23, $0xb8;
	[tilespmem:$0x18D00] =	vst v63  }
0x5c: {  	v4 =	vld [tilespmem:$0x80]  }
0x5d: {  	v5 =	vld [tilespmem:$0x90]  }
0x5e: {  	v7 =	vor.u32 s1, v2;
	v6 =	vld [tilespmem:$0xA0]  }
0x5f: {  	v9 =	vmulhi.u32 $0xAAAAAAAB, v7  }
0x60: {  	v8 =	vld [tilespmem:$0xB0]  }
0x61: {  	v9 =	vshrl.u32 v9, $0x2;
	v10 =	vld [tilespmem:$0xC0]  }
0x62: {  	v13 =	vmul.u32 $0xFFFFFFFA, v9;
	v11 =	vld [tilespmem:$0xD0];
	v4 =	vsub.s32 v4, v0  }
0x63: {  	v12 =	vld [tilespmem:$0xE0];
	v5 =	vsub.s32 v5, v0;
	v6 =	vsub.s32 v6, v0;
	v4 =	vmin.u32 v4, $0x1400  }
0x64: {  	v7 =	vadd.s32 v7, v13;
	[tilespmem:$0x100] =	vst v4;
	v4 =	vmin.u32 v5, $0x1400;
	v5 =	vmin.u32 v6, $0x1400;
	v6 =	vld [tilespmem:$0xF0]  }
0x65: {  	vm1 =	vne.s32 v7, $0x0;
	[tilespmem:$0x110] =	vst v4;
	v4 =	vsub.s32 v8, v0  }
0x66: {  	v8 =	vmov s1;
	[tilespmem:$0x120] =	vst v5;
	v5 =	vsub.s32 v10, v0;
	v4 =	vmin.u32 v4, $0x1400  }
0x67: {  	vm0 =	veq.s32 v8, v2;
	[tilespmem:$0x130] =	vst v4;
	v4 =	vmin.u32 v5, $0x1400;
	v5 =	vsub.s32 v11, v0  }
0x68: {  	vm0 =	vmand vm0, vm1;
	[tilespmem:$0x140] =	vst v4;
	v4 =	vmin.u32 v5, $0x1400;
	v5 =	vsub.s32 v12, v0  }
0x69: {  	[tilespmem:$0x150] =	vst v4;
	v4 =	vmin.u32 v5, $0x1400;
	v5 =	vsub.s32 v6, v0;
	v6 =	vsel vm0, $0xFFFFFFFF, v3  }
0x6a: {  	[tilespmem:$0x160] =	vst v4;
	v4 =	vmin.u32 v5, $0x1400;
	v5 =	vadd.s32 v6, v9  }
0x6b: {  	[tilespmem:$0x170] =	vst v4;
	v4 =	vshll.u32 v5, $0x7  }
0x6c: {  	s9 =	smul.u32 $0xAB, s1;
	_ =	swait.ge [sflag:s28], $0x4000;
	v5 =	vor.u32 v4, v7  }
0x6d: {  	v4 =	vadd.s32 v4, v7;
	[sflag:s28] =	ssyncset.done $0x0;
	v5 =	vor.u32 $0x60, v5  }
0x6e: {  	s3 =	sshrl.u32 s9, $0x9;
	v4 =	vadd.s32 $0x66, v4;
	[sflag:s28] =	ssyncadd.s32 $0xFFFFC000  }
0x6f: {  	s3 =	sand.u32 $0x7F, s3;
	_ =	swait.ge [sflag:s29], $0x4000  }
0x70: {  	s3 =	smul.u32 $0x3, s3;
	[sflag:s29] =	ssyncset.done $0x0  }
0x71: {  	[sflag:s29] =	ssyncadd.s32 $0xFFFFC000  }
0x72: {  	s3 =	ssub.s32 $0x0, s3;
	v6 =	vld.idx.msk [tilespmem:v5+s25+$0x0], $0xffff  }
0x73: {  	s3 =	sand.u32 $0xB7, s3;
	v4 =	vld.idx.msk [tilespmem:v4+s26+$0x0], $0xffff  }
0x74: {  	s3 =	sshll.u32 s3, $0x4  }
0x75: {  	v7 =	vld [tilespmem:s3+$0xC480];
	_ =	sdelay $0x2  }
0x76: {  	v6 =	vadd.f32 v4, v6;
	_ =	sdelay $0x1  }
0x77: {  	s10 =	simm.s32 $0x10;
	v4 =	vadd.f32 v7, v4;
	v8 =	vmul.f32 $2.000000030e-01, v6  }
0x78: {  	v7 =	vor.u32 s10, v2  }
0x79: {  	v61 =	vmulhi.u32 $0xAAAAAAAB, v7;
	v4 =	vmax.f32 v4, $0.0e+00;
	v6 =	vmax.f32 v6, v8  }
0x7a: {  	v4 =	vsub.f32 v6, v4  }
0x7b: {  	v6 =	vshrl.u32 v61, $0x2  }
0x7c: {  	v8 =	vmul.u32 $0xFFFFFFFA, v6;
	v4 =	vmul.f32 $1.442695020e+00, v4;
	_ =	sdelay $0x1  }
0x7d: {  	v62 =	vmov s10;
	v7 =	vadd.s32 v7, v8;
	(erf) = vpow2.f32 v4  }
0x7e: {  	vm14 =	veq.s32 v62, v2;
	vm15 =	vne.s32 v7, $0x0  }
0x7f: {  	vm0 =	vmand vm14, vm15  }
0x80: {  	v4 =	vsel vm0, $0xFFFFFFFF, v3  }
0x81: {  	v4 =	vadd.s32 v4, v6  }
0x82: {  	s11 =	simm.s32 $0x1;
	v6 =	vshll.u32 v4, $0x7  }
0x83: {  	s3 =	smul.u32 $0xAB, s11;
	v4 =	vor.u32 v6, v7  }
0x84: {  	v6 =	vadd.s32 v6, v7;
	v4 =	vor.u32 $0x60, v4  }
0x85: {  	s12 =	sshrl.u32 s3, $0x9;
	v6 =	vadd.s32 $0x66, v6  }
0x86: {  	s3 =	simm.s32 $0xC180;
	s9 =	sand.u32 $0x7F, s12;
	v7 =	vpop (erf)  }
0x87: {  	s9 =	smul.u32 $0x3, s9;
	[tilespmem:s3+$0x0] =	vst v7  }
0x88: {  	[tilespmem:v5+s30+$0x0] =	vst.idx.msk $0xffff, v7  }
0x89: {  	s9 =	ssub.s32 $0x1, s9;
	v5 =	vld.idx.msk [tilespmem:v4+s25+$0x0], $0xffff  }
0x8a: {  	s9 =	sand.u32 $0xB7, s9;
	v6 =	vld.idx.msk [tilespmem:v6+s26+$0x0], $0xffff  }
0x8b: {  	s9 =	sshll.u32 s9, $0x4  }
0x8c: {  	v7 =	vld [tilespmem:s9+$0xC480];
	_ =	sdelay $0x2  }
0x8d: {  	v8 =	vadd.f32 v6, v5;
	_ =	sdelay $0x1  }
0x8e: {  	s10 =	simm.s32 $0x20;
	v6 =	vadd.f32 v7, v6;
	v63 =	vmul.f32 $2.000000030e-01, v8  }
0x8f: {  	v5 =	vor.u32 s10, v2  }
0x90: {  	v7 =	vmax.f32 v8, v63;
	v8 =	vmax.f32 v6, $0.0e+00;
	v6 =	vmulhi.u32 $0xAAAAAAAB, v5  }
0x91: {  	s11 =	simm.s32 $0x3;
	s9 =	simm.s32 $0x2;
	v7 =	vsub.f32 v7, v8  }
.LBB2_5:
0x92: {  	p0 =	sne.s32 s11, $0x2F;
	v6 =	vshrl.u32 v6, $0x2  }
0x93: {  	v8 =	vmul.u32 $0xFFFFFFFA, v6;
	v7 =	vmul.f32 $1.442695020e+00, v7;
	_ =	sdelay $0x1  }
0x94: {  	v9 =	vmov s10;
	v5 =	vadd.s32 v5, v8;
	(erf) = vpow2.f32 v7  }
0x95: {  	vm0 =	veq.s32 v9, v2;
	vm1 =	vne.s32 v5, $0x0  }
0x96: {  	vm0 =	vmand vm0, vm1  }
0x97: {  	v7 =	vsel vm0, $0xFFFFFFFF, v3  }
0x98: {  	v6 =	vadd.s32 v7, v6  }
0x99: {  	v6 =	vshll.u32 v6, $0x7  }
0x9a: {  	v7 =	vor.u32 v6, v5  }
0x9b: {  	s12 =	smul.u32 $0xAB, s9;
	v5 =	vadd.s32 v6, v5;
	v7 =	vor.u32 $0x60, v7  }
0x9c: {  	v5 =	vadd.s32 $0x66, v5  }
0x9d: {  	s3 =	sadd.s32 $0x10, s3;
	s12 =	sshrl.u32 s12, $0x9;
	v6 =	vpop (erf)  }
0x9e: {  	s12 =	sand.u32 $0x7F, s12;
	[tilespmem:s3+$0x0] =	vst v6  }
0x9f: {  	s12 =	smul.u32 $0x3, s12;
	[tilespmem:v4+s30+$0x0] =	vst.idx.msk $0xffff, v6;
	v4 =	vmov v7  }
0xa0: {  	v6 =	vld.idx.msk [tilespmem:v7+s25+$0x0], $0xffff  }
0xa1: {  	s12 =	ssub.s32 s9, s12;
	s9 =	smov.u32 s11;
	v5 =	vld.idx.msk [tilespmem:v5+s26+$0x0], $0xffff  }
0xa2: {  	s12 =	sand.u32 $0xB7, s12  }
0xa3: {  	s12 =	sshll.u32 s12, $0x4  }
0xa4: {  	v7 =	vld [tilespmem:s12+$0xC480];
	_ =	sdelay $0x2  }
0xa5: {  	v8 =	vadd.f32 v5, v6  }
.Ltmp1:
0xa6: {  	(pc) =	sbr.rel @p0 .LBB2_5-.Ltmp1, $4  }
0xa7: {  	s10 =	sadd.s32 $0x10, s10;
	v9 =	vmul.f32 $2.000000030e-01, v8;
	v7 =	vadd.f32 v7, v5  }
0xa8: {  	v5 =	vor.u32 s10, v2  }
0xa9: {  	v6 =	vmulhi.u32 $0xAAAAAAAB, v5;
	v8 =	vmax.f32 v8, v9;
	v7 =	vmax.f32 v7, $0.0e+00  }
0xaa: {  	s11 =	sadd.s32 $0x1, s11;
	v7 =	vsub.f32 v8, v7  }
0xab: {  	v6 =	vshrl.u32 v6, $0x2  }
0xac: {  	v8 =	vmul.u32 $0xFFFFFFFA, v6;
	v7 =	vmul.f32 $1.442695020e+00, v7;
	_ =	sdelay $0x1  }
0xad: {  	v9 =	vmov s10;
	v5 =	vadd.s32 v5, v8;
	(erf) = vpow2.f32 v7  }
0xae: {  	vm0 =	veq.s32 v9, v2;
	vm1 =	vne.s32 v5, $0x0  }
0xaf: {  	vm0 =	vmand vm0, vm1  }
0xb0: {  	v7 =	vsel vm0, $0xFFFFFFFF, v3  }
0xb1: {  	v6 =	vadd.s32 v7, v6  }
0xb2: {  	v6 =	vshll.u32 v6, $0x7  }
0xb3: {  	s12 =	smul.u32 $0xAB, s9;
	v7 =	vor.u32 v6, v5  }
0xb4: {  	v5 =	vadd.s32 v6, v5;
	v7 =	vor.u32 $0x60, v7  }
0xb5: {  	s10 =	sshrl.u32 s12, $0x9;
	v5 =	vadd.s32 $0x66, v5  }
0xb6: {  	s3 =	sadd.s32 $0x10, s3;
	s10 =	sand.u32 $0x7F, s10;
	v6 =	vpop (erf)  }
0xb7: {  	s10 =	smul.u32 $0x3, s10;
	[tilespmem:s3+$0x0] =	vst v6  }
0xb8: {  	[tilespmem:v4+s30+$0x0] =	vst.idx.msk $0xffff, v6  }
0xb9: {  	s11 =	ssub.s32 s9, s10;
	v4 =	vld.idx.msk [tilespmem:v7+s25+$0x0], $0xffff  }
0xba: {  	s9 =	sand.u32 $0xB7, s11;
	v5 =	vld.idx.msk [tilespmem:v5+s26+$0x0], $0xffff  }
0xbb: {  	s9 =	sshll.u32 s9, $0x4  }
0xbc: {  	v6 =	vld [tilespmem:s9+$0xC480];
	_ =	sdelay $0x2  }
0xbd: {  	v4 =	vadd.f32 v5, v4;
	_ =	sdelay $0x1  }
0xbe: {  	v5 =	vadd.f32 v6, v5;
	v63 =	vmul.f32 $2.000000030e-01, v4;
	_ =	sdelay $0x1  }
0xbf: {  	v5 =	vmax.f32 v5, $0.0e+00;
	v4 =	vmax.f32 v4, v63  }
0xc0: {  	v4 =	vsub.f32 v4, v5;
	_ =	sdelay $0x1  }
0xc1: {  	v4 =	vmul.f32 $1.442695020e+00, v4;
	_ =	sdelay $0x1  }
0xc2: {  	(erf) = vpow2.f32 v4;
	_ =	sdelay $0x2  }
0xc3: {  	s12 =	simm.s32 $0x0  }
0xc4: {  	v4 =	vmov s12  }
0xc5: {  	v4 =	vand.u32 $0xFFFFFFFE, v4  }
0xc6: {  	v4 =	vbroadcast v4, $0x0;
	_ =	sdelay $0x2  }
0xc7: {  	s3 =	sadd.s32 $0x10, s3;
	v5 =	vpop (erf)  }
0xc8: {  	[tilespmem:s3+$0x0] =	vst v5  }
0xc9: {  	[tilespmem:v7+s30+$0x0] =	vst.idx.msk $0xffff, v5  }
0xca: {  	s3 =	simm.s32 $0x1B0;
	v4 =	vld.idx.msk [tilespmem:v4+s31+$0x0], $0xffff  }
0xcb: {  	v5 =	vld [tilespmem:s3+$0xFFFFFFD0];
	_ =	sdelay $0x1  }
0xcc: {  	s10 =	simm.s32 $0x1  }
0xcd: {  	v6 =	vmov s10;
	_ =	sdelay $0x1  }
0xce: {  	v4 =	vmul.f32 v5, v4  }
0xcf: {  	s9 =	simm.s32 $0x81B0  }
0xd0: {  	[tilespmem:s9+$0xFFFFFFD0] =	vst v4  }
0xd1: {  	s11 =	simm.s32 $0x2;
	v4 =	vld.idx.msk [tilespmem:v6+s31+$0x0], $0xffff  }
0xd2: {  	v5 =	vld [tilespmem:s3+$0xFFFFFFE0];
	v6 =	vmov s11  }
0xd3: {  	v6 =	vand.u32 $0xFFFFFFFE, v6  }
0xd4: {  	v6 =	vbroadcast v6, $0x0;
	_ =	sdelay $0x2  }
0xd5: {  	v4 =	vmul.f32 v5, v4;
	_ =	sdelay $0x1  }
0xd6: {  	[tilespmem:s9+$0xFFFFFFE0] =	vst v4  }
0xd7: {  	v4 =	vld.idx.msk [tilespmem:v6+s31+$0x0], $0xffff  }
0xd8: {  	v5 =	vld [tilespmem:s3+$0xFFFFFFF0];
	_ =	sdelay $0x1  }
0xd9: {  	s12 =	simm.s32 $0x3  }
0xda: {  	v6 =	vmov s12;
	_ =	sdelay $0x1  }
0xdb: {  	v4 =	vmul.f32 v5, v4;
	_ =	sdelay $0x1  }
0xdc: {  	[tilespmem:s9+$0xFFFFFFF0] =	vst v4  }
0xdd: {  	s11 =	simm.s32 $0x4;
	v4 =	vld.idx.msk [tilespmem:v6+s31+$0x0], $0xffff  }
0xde: {  	v5 =	vld [tilespmem:s3+$0x0];
	v6 =	vmov s11  }
0xdf: {  	v6 =	vand.u32 $0xFFFFFFFE, v6  }
0xe0: {  	v6 =	vbroadcast v6, $0x0;
	_ =	sdelay $0x2  }
0xe1: {  	v4 =	vmul.f32 v5, v4;
	_ =	sdelay $0x1  }
0xe2: {  	[tilespmem:s9+$0x0] =	vst v4  }
0xe3: {  	v4 =	vld.idx.msk [tilespmem:v6+s31+$0x0], $0xffff  }
0xe4: {  	v5 =	vld [tilespmem:s3+$0x10];
	_ =	sdelay $0x1  }
0xe5: {  	s12 =	simm.s32 $0x5  }
0xe6: {  	v6 =	vmov s12;
	_ =	sdelay $0x1  }
0xe7: {  	v4 =	vmul.f32 v5, v4;
	_ =	sdelay $0x1  }
0xe8: {  	[tilespmem:s9+$0x10] =	vst v4  }
0xe9: {  	s10 =	simm.s32 $0xB;
	s11 =	simm.s32 $0x11;
	s12 =	simm.s32 $0x6;
	v4 =	vld.idx.msk [tilespmem:v6+s31+$0x0], $0xffff  }
.LBB2_7:
0xea: {  	p0 =	sne.s32 s11, $0x2FF;
	v5 =	vmov s12;
	v6 =	vld [tilespmem:s3+$0x20]  }
0xeb: {  	v5 =	vand.u32 $0xFFFFFFFE, v5  }
0xec: {  	v5 =	vbroadcast v5, $0x0;
	_ =	sdelay $0x2  }
0xed: {  	v4 =	vmul.f32 v6, v4;
	_ =	sdelay $0x1  }
0xee: {  	[tilespmem:s9+$0x20] =	vst v4  }
0xef: {  	s3 =	sadd.s32 $0x80, s3;
	v4 =	vld.idx.msk [tilespmem:v5+s31+$0x0], $0xffff  }
0xf0: {  	v5 =	vld [tilespmem:s3+$0xFFFFFFD0];
	_ =	sdelay $0x1  }
0xf1: {  	s12 =	sadd.s32 $0xFFFFFFFC, s10  }
0xf2: {  	v6 =	vmov s12;
	_ =	sdelay $0x1  }
0xf3: {  	v4 =	vmul.f32 v5, v4  }
0xf4: {  	s9 =	sadd.s32 $0x80, s9  }
0xf5: {  	[tilespmem:s9+$0xFFFFFFD0] =	vst v4  }
0xf6: {  	s12 =	sadd.s32 $0xFFFFFFFD, s10;
	v4 =	vld.idx.msk [tilespmem:v6+s31+$0x0], $0xffff  }
0xf7: {  	v6 =	vmov s12;
	v5 =	vld [tilespmem:s3+$0xFFFFFFE0]  }
0xf8: {  	v6 =	vand.u32 $0xFFFFFFFE, v6  }
0xf9: {  	v6 =	vbroadcast v6, $0x0;
	_ =	sdelay $0x2  }
0xfa: {  	v4 =	vmul.f32 v5, v4;
	_ =	sdelay $0x1  }
0xfb: {  	[tilespmem:s9+$0xFFFFFFE0] =	vst v4  }
0xfc: {  	v4 =	vld.idx.msk [tilespmem:v6+s31+$0x0], $0xffff  }
0xfd: {  	v5 =	vld [tilespmem:s3+$0xFFFFFFF0];
	_ =	sdelay $0x1  }
0xfe: {  	s12 =	sadd.s32 $0xFFFFFFFE, s10  }
0xff: {  	v6 =	vmov s12;
	_ =	sdelay $0x1  }
0x100: {  	v4 =	vmul.f32 v5, v4;
	_ =	sdelay $0x1  }
0x101: {  	[tilespmem:s9+$0xFFFFFFF0] =	vst v4  }
0x102: {  	s12 =	sadd.s32 $0xFFFFFFFF, s10;
	v4 =	vld.idx.msk [tilespmem:v6+s31+$0x0], $0xffff  }
0x103: {  	v6 =	vmov s12;
	v5 =	vld [tilespmem:s3+$0x0]  }
0x104: {  	v6 =	vand.u32 $0xFFFFFFFE, v6  }
0x105: {  	v6 =	vbroadcast v6, $0x0;
	_ =	sdelay $0x2  }
0x106: {  	v4 =	vmul.f32 v5, v4;
	_ =	sdelay $0x1  }
0x107: {  	[tilespmem:s9+$0x0] =	vst v4  }
0x108: {  	v4 =	vld.idx.msk [tilespmem:v6+s31+$0x0], $0xffff  }
0x109: {  	v5 =	vld [tilespmem:s3+$0x10];
	_ =	sdelay $0x2  }
0x10a: {  	v6 =	vmov s10;
	s10 =	smov.u32 s11  }
.Ltmp2:
0x10b: {  	(pc) =	sbr.rel @p0 .LBB2_7-.Ltmp2, $3  }
0x10c: {  	v4 =	vmul.f32 v5, v4;
	_ =	sdelay $0x1  }
0x10d: {  	[tilespmem:s9+$0x10] =	vst v4  }
0x10e: {  	s11 =	sadd.s32 $0x6, s11;
	s12 =	sadd.s32 $0xFFFFFFFB, s10;
	v4 =	vld.idx.msk [tilespmem:v6+s31+$0x0], $0xffff  }
0x10f: {  	v5 =	vmov s12;
	v6 =	vld [tilespmem:s3+$0x20]  }
0x110: {  	v5 =	vand.u32 $0xFFFFFFFE, v5  }
0x111: {  	v5 =	vbroadcast v5, $0x0;
	_ =	sdelay $0x2  }
0x112: {  	v4 =	vmul.f32 v6, v4;
	_ =	sdelay $0x1  }
0x113: {  	[tilespmem:s9+$0x20] =	vst v4  }
0x114: {  	s3 =	sadd.s32 $0x80, s3;
	v4 =	vld.idx.msk [tilespmem:v5+s31+$0x0], $0xffff  }
0x115: {  	v5 =	vld [tilespmem:s3+$0xFFFFFFD0];
	_ =	sdelay $0x1  }
0x116: {  	s11 =	sadd.s32 $0xFFFFFFFC, s10  }
0x117: {  	v59 =	vmov s11;
	_ =	sdelay $0x1  }
0x118: {  	v4 =	vmul.f32 v5, v4  }
0x119: {  	s9 =	sadd.s32 $0x80, s9  }
0x11a: {  	[tilespmem:s9+$0xFFFFFFD0] =	vst v4  }
0x11b: {  	s12 =	sadd.s32 $0xFFFFFFFD, s10;
	v4 =	vld.idx.msk [tilespmem:v59+s31+$0x0], $0xffff  }
0x11c: {  	v60 =	vmov s12;
	v5 =	vld [tilespmem:s3+$0xFFFFFFE0]  }
0x11d: {  	v6 =	vand.u32 $0xFFFFFFFE, v60  }
0x11e: {  	v6 =	vbroadcast v6, $0x0;
	_ =	sdelay $0x2  }
0x11f: {  	v4 =	vmul.f32 v5, v4;
	_ =	sdelay $0x1  }
0x120: {  	[tilespmem:s9+$0xFFFFFFE0] =	vst v4  }
0x121: {  	v4 =	vld.idx.msk [tilespmem:v6+s31+$0x0], $0xffff  }
0x122: {  	v5 =	vld [tilespmem:s3+$0xFFFFFFF0];
	_ =	sdelay $0x1  }
0x123: {  	s12 =	sadd.s32 $0xFFFFFFFE, s10  }
0x124: {  	v61 =	vmov s12;
	_ =	sdelay $0x1  }
0x125: {  	v4 =	vmul.f32 v5, v4;
	_ =	sdelay $0x1  }
0x126: {  	[tilespmem:s9+$0xFFFFFFF0] =	vst v4  }
0x127: {  	s12 =	sadd.s32 $0xFFFFFFFF, s10;
	v4 =	vld.idx.msk [tilespmem:v61+s31+$0x0], $0xffff  }
0x128: {  	v62 =	vmov s12;
	v5 =	vld [tilespmem:s3+$0x0]  }
0x129: {  	v6 =	vand.u32 $0xFFFFFFFE, v62  }
0x12a: {  	v6 =	vbroadcast v6, $0x0;
	_ =	sdelay $0x2  }
0x12b: {  	v4 =	vmul.f32 v5, v4;
	_ =	sdelay $0x1  }
0x12c: {  	[tilespmem:s9+$0x0] =	vst v4  }
0x12d: {  	v4 =	vld.idx.msk [tilespmem:v6+s31+$0x0], $0xffff  }
0x12e: {  	v5 =	vld [tilespmem:s3+$0x10];
	_ =	sdelay $0x2  }
0x12f: {  	v63 =	vmov s10;
	_ =	sdelay $0x1  }
0x130: {  	v4 =	vmul.f32 v5, v4;
	_ =	sdelay $0x1  }
0x131: {  	[tilespmem:s9+$0x10] =	vst v4  }
0x132: {  	v4 =	vld.idx.msk [tilespmem:v63+s31+$0x0], $0xffff  }
0x133: {  	v5 =	vld [tilespmem:s3+$0x20];
	_ =	sdelay $0x4  }
0x134: {  	s22 =	sadd.s32 $0x1, s22;
	v4 =	vmul.f32 v5, v4  }
0x135: {  	p0 =	sne.s32 s22, $0xA2  }
.Ltmp3:
0x136: {  	[tilespmem:s9+$0x20] =	vst v4;
	(pc) =	sbr.rel @p0 .LBB2_4-.Ltmp3, $4  }
0x137: {  	[spmem:s2] =	stream.indirect.scatter.add.f32 [tilespmem:s30], [sflag:$0x3], $0x80, s0, s23, $0xb8;
	[tilespmem:$0x18D00] =	vst v63  }
0x138: {  	_ =	swait.ge [sflag:s21], $0x4000  }
0x139: {  	[sflag:s21] =	ssyncset.done $0x0  }
0x13a: {  	[sflag:s21] =	ssyncadd.s32 $0xFFFFC000  }
0x13b: {  	s1 =	stileid.u32;
	s4 =	sadd.s32 $0x1, s4  }
0x13c: {  	s1 =	sshll.u32 s1, $0x6;
	p0 =	sne.s32 s4, s19  }
.Ltmp4:
0x13d: {  	[bflag:$0x0] =	sbarrier.arrive $0xFFFF;
	s1 =	sor.u32 $0x1C03, s1;
	(pc) =	sbr.rel @p0 .LBB2_1-.Ltmp4, $4  }
0x13e: {  	[hbm:s18], [sflag:s1] =	dma.local [spmem:s24], $0x1400  }
0x13f: {  	_ =	swait.ge [sflag:s21], $0x1400  }
0x140: {  	[sflag:s21] =	ssyncset.done $0x0  }
0x141: {  	[sflag:s21] =	ssyncadd.s32 $0xFFFFEC00  }
0x142: {  	_ =	sfence.sel $0x180000  }
0x143: {  	[bflag:$0x0] =	sbarrier.arrive $0xFFFF  }
0x144: {  	_ =	strace $0x9000004D  }
0x145: {  	s0 =	stileid.u32;
	[bflag:$0x2] =	sbarrier.arrive $0xFFFF  }
0x146: {  	p0 =	sne.s32 s0, $0x0;
	s0 =	rddreg [dreg:$0x3]  }
0x147: {  	s0 =	sadd.s32 @!p0 $0x100000, s0  }
0x148: {  	[sflag:s0] =	ssyncadd.tile.s32 @!p0 $0x1;
	_ =	shalt  }
.Lfunc_end2:
_tile_overlayer_lowered:
.L_overlay_start_2:
0x149: {  	(tag) =	ssettag $0x2  }
0x14a: {  	s0 =	rddreg [dreg:$0x0];
	s2 =	stileid.u32  }
0x14b: {  	s1 =	rddreg [dreg:$0x1];
	p0 =	sne.s32 s2, $0x0  }
0x14c: {  	s3 =	rddreg [dreg:$0x2];
	[bflag:$0x3] =	sbarrier.arrive $0xFFFF;
	s2 =	simm.s32 @!p0 $0x1C03  }
0x14d: {  	[timem:s3], [sflag:s2] =	dma.local @!p0 [hbm:s0], s1  }
0x14e: {  	s0 =	simm.s32 @!p0 $0x3  }
0x14f: {  	_ =	swait.ge @!p0 [sflag:s0], s1  }
0x150: {  	s1 =	ssub.s32 @!p0 $0x0, s1;
	[sflag:s0] =	ssyncset.done @!p0 $0x0  }
0x151: {  	[sflag:s0] =	ssyncadd.s32 @!p0 s1  }
0x152: {  	[bflag:$0x3] =	sbarrier.arrive $0xFFFF  }
0x153: {  	_ =	shalt  }

// kernel: kernel.9.cloned.1.call-start
scs
__scs_entry_jumppad:
0x0: {  	(pc) =	sbr.rel $0x88, $3  }
0x1: {  	(tag) =	ssettag $0x0;
	lr =	simm.s32 $0x1  }
0x2: {  	[smem:$0x3F93] =	sst lr;
	_ =	strace $0xD0000000  }
0x3: {  	_ = 	snop  }
0x4: {  	_ = 	snop  }
0x5: {  	_ = 	snop  }
0x6: {  	_ = 	snop  }
0x7: {  	_ = 	snop  }
__scs_overlays_trampoline_lowered:
0x8: {  	[smem:$0x3FA2] =	sst s0  }
0x9: {  	[smem:$0x3FA3] =	sst s1  }
0xa: {  	[smem:$0x3FA4] =	sst s2  }
0xb: {  	[smem:$0x3FA5] =	sst s3  }
0xc: {  	[smem:$0x3FA6] =	sst s4  }
0xd: {  	[smem:$0x3FA7] =	sst s5  }
0xe: {  	[smem:$0x3FA8] =	sst s6  }
0xf: {  	[smem:$0x3FA9] =	sst s7  }
0x10: {  	[smem:$0x3FAA] =	sst s8  }
0x11: {  	[smem:$0x3FAB] =	sst s9;
	s0 =	simm.s32 @!p0 $0x0  }
0x12: {  	s1 =	sld [smem:$0x3F91];
	s0 =	simm.s32 @p0 $0x1  }
0x13: {  	[smem:$0x3FAC] =	sst s0;
	s0 =	simm.s32 @!p1 $0x0  }
0x14: {  	s2 =	sld [smem:$0x3F90];
	s0 =	simm.s32 @p1 $0x1  }
0x15: {  	[smem:$0x3FAD] =	sst s0;
	s0 =	simm.s32 @!p2 $0x0  }
0x16: {  	s3 =	sld [smem:$0x3FDB];
	s0 =	simm.s32 @p2 $0x1  }
0x17: {  	s4 =	simm.s32 $0x1BF5;
	[smem:$0x3FAF] =	sst s0  }
0x18: {  	s0 =	sld [smem:$0x3F92];
	_ =	swait.ge [sflag:s4], $0x0  }
0x19: {  	s7 =	sld [smem:$0x3F93]  }
0x1a: {  	s8 =	sadd.s32 $0xFFFFE003, lr  }
0x1b: {  	s9 =	sadd.s32 $0xFFFFFEF7, lr;
	s5 =	simm.s32 $0xFFFFFFFF;
	p2 =	slt.u32 s8, $0xFFFFF086  }
0x1c: {  	p1 =	slt.u32 s9, $0xF7A;
	s5 =	simm.s32 @!p2 $0x0  }
0x1d: {  	s5 =	simm.s32 @p1 $0x1;
	p0 =	seq.s32 s7, s2  }
0x1e: {  	s7 =	smul.u32 @!p0 $0xF7A, s2;
	p2 =	seq.s32 @!p0 s5, $0x0  }
0x1f: {  	s9 =	smul.u32 $0xF7A, s1;
	s8 =	simm.s32 @!p0 $0x1BF5;
	p2 =	por !p2, p0  }
0x20: {  	[sflag:s8] =	ssyncset.s32 @!p0 $0xFFFFF086;
	s6 =	sadd.s32 @!p0 s3, s7;
	s7 =	simm.s32 @!p0 $0x108  }
0x21: {  	s3 =	sadd.s32 s3, s9;
	s6 =	sadd.s32 @!p0 $0x88, s6;
	s7 =	simm.s32 @p2 $0x1082  }
0x22: {  	[simem:s7], [sflag:s8] =	dma.local @!p0 [hbm:s6], $0xF7A  }
0x23: {  	s9 =	sor.u32 $0xD0000000, s2;
	s6 =	simm.s32 $0x108;
	_ =	swait.ge @!p0 [sflag:s8], $0x0  }
0x24: {  	s3 =	sadd.s32 $0x88, s3;
	s6 =	simm.s32 @!p1 $0x1082;
	[sflag:s4] =	ssyncset.s32 $0xFFFFF086  }
0x25: {  	[simem:s6], [sflag:s4] =	dma.local [hbm:s3], $0xF7A  }
0x26: {  	[smem:$0x3F93] =	sst s1;
	(tag) =	ssettag s2;
	_ =	strace s9  }
0x27: {  	s1 =	sld [smem:$0x3FA3]  }
0x28: {  	s2 =	sld [smem:$0x3FA4]  }
0x29: {  	s4 =	sld [smem:$0x3FA6]  }
0x2a: {  	p0 =	seq.s32 s5, $0x0;
	s5 =	sld [smem:$0x3FA7]  }
0x2b: {  	s6 =	sld [smem:$0x3FA8]  }
0x2c: {  	s7 =	sld [smem:$0x3FA9]  }
0x2d: {  	s3 =	simm.s32 $0x108;
	s8 =	sld [smem:$0x3FAA]  }
0x2e: {  	s3 =	simm.s32 @!p0 $0x1082;
	s9 =	sld [smem:$0x3FAB]  }
0x2f: {  	lr =	sadd.s32 s0, s3;
	s0 =	sld [smem:$0x3FA2]  }
0x30: {  	s3 =	sld [smem:$0x3FA5]  }
0x31: {  	[smem:$0x3FAE] =	sst s10  }
0x32: {  	s10 =	sld [smem:$0x3FAC];
	_ =	sdelay $0x3  }
0x33: {  	p0 =	seq.s32 s10, $0x1;
	s10 =	sld [smem:$0x3FAE];
	_ =	sdelay $0x3  }
0x34: {  	[smem:$0x3FAE] =	sst s10  }
0x35: {  	s10 =	sld [smem:$0x3FAD];
	_ =	sdelay $0x3  }
0x36: {  	p1 =	seq.s32 s10, $0x1;
	s10 =	sld [smem:$0x3FAE];
	_ =	sdelay $0x3  }
0x37: {  	[smem:$0x3FAE] =	sst s10  }
0x38: {  	s10 =	sld [smem:$0x3FAF]  }
0x39: {  	_ = 	snop;
	(pc) =	sbr.ind lr, $3  }
0x3a: {  	_ = 	snop  }
0x3b: {  	_ = 	snop  }
0x3c: {  	p2 =	seq.s32 s10, $0x1;
	s10 =	sld [smem:$0x3FAE]  }
0x3d: {  	_ =	shalt  }
0x3e: {  	_ =	shalt  }
0x3f: {  	_ =	shalt  }
0x40: {  	_ =	shalt  }
0x41: {  	_ =	shalt  }
0x42: {  	_ =	shalt  }
0x43: {  	_ =	shalt  }
0x44: {  	_ =	shalt  }
0x45: {  	_ =	shalt  }
0x46: {  	_ =	shalt  }
0x47: {  	_ =	shalt  }
0x48: {  	_ =	shalt  }
0x49: {  	_ =	shalt  }
0x4a: {  	_ =	shalt  }
0x4b: {  	_ =	shalt  }
0x4c: {  	_ =	shalt  }
0x4d: {  	_ =	shalt  }
0x4e: {  	_ =	shalt  }
0x4f: {  	_ =	shalt  }
0x50: {  	_ =	shalt  }
0x51: {  	_ =	shalt  }
0x52: {  	_ =	shalt  }
0x53: {  	_ =	shalt  }
0x54: {  	_ =	shalt  }
0x55: {  	_ =	shalt  }
0x56: {  	_ =	shalt  }
0x57: {  	_ =	shalt  }
0x58: {  	_ =	shalt  }
0x59: {  	_ =	shalt  }
0x5a: {  	_ =	shalt  }
0x5b: {  	_ =	shalt  }
0x5c: {  	_ =	shalt  }
0x5d: {  	_ =	shalt  }
0x5e: {  	_ =	shalt  }
0x5f: {  	_ =	shalt  }
0x60: {  	_ =	shalt  }
0x61: {  	_ =	shalt  }
0x62: {  	_ =	shalt  }
0x63: {  	_ =	shalt  }
0x64: {  	_ =	shalt  }
0x65: {  	_ =	shalt  }
0x66: {  	_ =	shalt  }
0x67: {  	_ =	shalt  }
0x68: {  	_ =	shalt  }
0x69: {  	_ =	shalt  }
0x6a: {  	_ =	shalt  }
0x6b: {  	_ =	shalt  }
0x6c: {  	_ =	shalt  }
0x6d: {  	_ =	shalt  }
0x6e: {  	_ =	shalt  }
0x6f: {  	_ =	shalt  }
0x70: {  	_ =	shalt  }
0x71: {  	_ =	shalt  }
0x72: {  	_ =	shalt  }
0x73: {  	_ =	shalt  }
0x74: {  	_ =	shalt  }
0x75: {  	_ =	shalt  }
0x76: {  	_ =	shalt  }
0x77: {  	_ =	shalt  }
0x78: {  	_ =	shalt  }
0x79: {  	_ =	shalt  }
0x7a: {  	_ =	shalt  }
0x7b: {  	_ =	shalt  }
0x7c: {  	_ =	shalt  }
0x7d: {  	_ =	shalt  }
0x7e: {  	_ =	shalt  }
0x7f: {  	_ =	shalt  }
0x80: {  	_ =	shalt  }
0x81: {  	_ =	shalt  }
0x82: {  	_ =	shalt  }
0x83: {  	_ =	shalt  }
0x84: {  	_ =	shalt  }
0x85: {  	_ =	shalt  }
0x86: {  	_ =	shalt  }
0x87: {  	_ =	shalt  }
.Lfunc_end0:
.L_simem_size_0:
called_computation_lowered:
.L_overlay_start_0:
0x88: {  	s2 =	sld [smem:$0x3FD9]  }
0x89: {  	s3 =	sld [smem:$0x3FFE];
	_ =	sdelay $0x1  }
0x8a: {  	s1 =	srdreg.scid  }
0x8b: {  	s0 =	sand.u32 $0x1, s1  }
0x8c: {  	s17 =	sshll.u32 s0, $0xA;
	s2 =	sadd.s32 s3, s2  }
0x8d: {  	s2 =	sadd.s32 s2, s17  }
0x8e: {  	[smem:$0x3FBA] =	sst s2  }
0x8f: {  	_ = 	snop  }
0x90: {  	s2 =	sld [smem:$0x3FD0];
	(tm) =	ssettm $0x1  }
0x91: {  	s18 =	sld [smem:$0x3FFB];
	_ =	sdelay $0x3  }
0x92: {  	_ =	strace s18  }
0x93: {  	s3 =	sld [smem:$0x3FFC];
	_ =	sdelay $0x3  }
0x94: {  	_ =	strace s3  }
0x95: {  	s3 =	sld [smem:$0x3FFD];
	_ =	sdelay $0x3  }
0x96: {  	_ =	strace s3  }
0x97: {  	_ =	strace $0x8FFFFFFF  }
0x98: {  	s19 =	sld [smem:$0x3FDB];
	_ =	sdelay $0x1  }
0x99: {  	s4 =	simm.s32 $_scs_section_size  }
0x9a: {  	s5 =	simm.s32 $_size__tile_overlayer_lowered;
	s6 =	simm.s32 $_tile_overlayer_lowered  }
0x9b: {  	s22 =	simm.s32 $0x1BFF;
	s21 =	sshll.u32 s6, $0x1;
	s3 =	sadd.s32 s4, s19  }
0x9c: {  	s7 =	simm.s32 $0x0;
	s20 =	sshll.u32 s5, $0x1;
	s5 =	sadd.s32 s21, s3  }
0x9d: {  	[timem:s7], [sflag:s22] =	dma.local [hbm:s5], s20  }
0x9e: {  	_ =	swait.ge [sflag:s22], s20  }
0x9f: {  	s4 =	ssub.s32 $0x0, s20;
	[sflag:s22] =	ssyncset.done $0x0  }
0xa0: {  	[sflag:s22] =	ssyncadd.s32 s4;
	_ =	sdelay $0x1  }
0xa1: {  	s23 =	simm.s32 $0x1B8B  }
0xa2: {  	_ =	swait.ge [sflag:s23], $0x1  }
0xa3: {  	[sflag:s23] =	ssyncset.done $0x0  }
0xa4: {  	s25 =	simm.s32 $0x1B8E;
	s24 =	sld [smem:$0x3FFE];
	[sflag:s23] =	ssyncadd.s32 $0xFFFFFFFF  }
0xa5: {  	s26 =	simm.s32 $execute0_lowered;
	[smem:$0x3FD2] =	sst s25  }
0xa6: {  	s5 =	sshll.u32 s26, $0x1;
	_ =	strace $0x80000046;
	[dreg:$0x1] =	wrdreg $0xFFFFFFFF  }
0xa7: {  	s28 =	simm.s32 $_size_execute0_lowered;
	s3 =	sadd.s32 s3, s5;
	[dreg:$0x0] =	wrdreg $0x0  }
0xa8: {  	s5 =	sshll.u32 s28, $0x1;
	[dreg:$0x2] =	wrdreg s3  }
0xa9: {  	[dreg:$0x3] =	wrdreg s5  }
0xaa: {  	[dreg:$0x4] =	wrdreg $0xC0  }
0xab: {  	_ =	task [dreg:s7], $0x5FFFF  }
0xac: {  	[dreg:$0x1] =	wrdreg $0xFFFFFFFF  }
0xad: {  	[dreg:$0x0] =	wrdreg $0x60  }
0xae: {  	[dreg:$0x2] =	wrdreg s24  }
0xaf: {  	[dreg:$0x3] =	wrdreg s2  }
0xb0: {  	[dreg:$0x4] =	wrdreg $0xD8000  }
0xb1: {  	[dreg:$0x5] =	wrdreg $0x9  }
0xb2: {  	_ =	task.clear_ibuf [dreg:s7], $0x6FFFF;
	_ =	strace $0x90000046  }
0xb3: {  	s29 =	simm.s32 $0x9;
	_ =	strace $0x80000048  }
0xb4: {  	_ =	swait.ge [sflag:s29], $0x1  }
0xb5: {  	[sflag:s29] =	ssyncadd.s32 $0xFFFFFFFF  }
0xb6: {  	_ =	strace $0x90000048  }
0xb7: {  	_ =	sfence  }
0xb8: {  	s30 =	sld [smem:$0x0];
	_ =	sdelay $0x2  }
0xb9: {  	s31 =	sshll.u32 s1, $0xD;
	s1 =	sshrl.u32 s1, $0x2  }
0xba: {  	s3 =	sand.u32 $0x4000, s31;
	s1 =	sadd.s32 s1, s30  }
0xbb: {  	s0 =	sor.u32 s3, s0;
	s1 =	sshll.u32 s1, $0x11  }
0xbc: {  	s0 =	sor.u32 s1, s0  }
0xbd: {  	s0 =	sadd.s32 $0x8F2B, s0  }
0xbe: {  	[sflag:s0] =	ssyncadd.remote.s32 $0x1  }
0xbf: {  	_ =	sfence.sel $0xFFFF  }
0xc0: {  	[dreg:$0x0] =	wrdreg $0xFFFFFFFF;
	(pc) =	sbr.abs _section_cstart, $3  }
0xc1: {  	[dreg:$0x1] =	wrdreg $0xFFFFFFFF  }
0xc2: {  	_ =	task.clear_ibuf [dreg:s7], $0x2FFFF;
	_ =	strace $0x9FFFFFFF  }
0xc3: {  	(tm) =	ssettm $0x7FFFFFFF  }
tec
execute0_lowered:
.L_overlay_start_1:
0x0: {  	(tag) =	ssettag $0x1  }
0x1: {  	s0 =	rddreg [dreg:$0x0]  }
0x2: {  	s2 =	rddreg [dreg:$0x2];
	s1 =	srdreg.scid  }
0x3: {  	s4 =	simm.s32 $0x0;
	s11 =	stileid.u32;
	s20 =	simm.s32 $0xC400  }
0x4: {  	s21 =	simm.s32 $0x3;
	s28 =	simm.s32 $0x1;
	s8 =	smul.u32 $0x140, s11  }
0x5: {  	s29 =	simm.s32 $0x2;
	s30 =	simm.s32 $0x8180;
	s9 =	smul.u32 $0x2D000, s11  }
0x6: {  	s31 =	simm.s32 $0xC180;
	s1 =	sand.u32 $0x1, s1;
	s26 =	smul.u32 $0x28000, s11  }
0x7: {  	[smem:$0x7FF] =	sst s4;
	s5 =	sadd.s32 $0x1E00, s0;
	s3 =	smul.u32 $0x1400, s1  }
0x8: {  	s6 =	sadd.s32 $0x29E00, s0;
	s7 =	sadd.s32 $0x34000, s0;
	s17 =	smul.u32 $0xA2, s11  }
0x9: {  	_ =	strace $0x80000047;
	s1 =	ssub.s32 $0x2, s1;
	s8 =	sadd.s32 s8, s3  }
0xa: {  	s9 =	sshrl.u32 s9, $0x2;
	s10 =	sshrl.u32 s1, $0x1;
	s8 =	sshll.u32 s8, $0x4  }
0xb: {  	s1 =	ssub.s32 s1, s10;
	s0 =	sadd.s32 s8, s0;
	s8 =	sadd.s32 s9, s2  }
0xc: {  	s19 =	smax.u32 s1, $0x1;
	s9 =	sadd.s32 $0x1400, s8;
	s23 =	sadd.s32 $0x2800, s8  }
0xd: {  	s24 =	sadd.s32 $0x3C00, s8;
	s25 =	sadd.s32 $0x5000, s8;
	s13 =	sadd.s32 $0x6400, s8  }
0xe: {  	vm0 =	vcmask $0x1F14;
	vm1 =	vcmask $0xF04;
	s14 =	sadd.s32 $0x7800, s8;
	s15 =	sadd.s32 $0x8C00, s8;
	[dreg:$0x4] =	wrdreg s9  }
0xf: {  	v1 =	vlaneseq.u32;
	v2 =	vimm.f32 $0.0e+00;
	v3 =	vimm.s32 $0x0;
	s16 =	sadd.s32 $0xA000, s8;
	s18 =	sadd.s32 $0x3E200, s0;
	[dreg:$0x5] =	wrdreg s23  }
0x10: {  	vm0 =	vmor vm1, vm0;
	vm1 =	vcmask $0x2F24;
	v5 =	vand.u32 $0x3, v1;
	s0 =	simm.s32 $0x100;
	[dreg:$0x6] =	wrdreg s24;
	s9 =	sshrl.u32 s26, $0x2  }
0x11: {  	vm0 =	vmor vm0, vm1;
	vm1 =	vcmask $0x3F34;
	v4 =	vor.u32 $0x40, v5;
	[dreg:$0x7] =	wrdreg s25;
	s23 =	simm.s32 $0x80;
	s9 =	sadd.s32 s9, s2  }
0x12: {  	v5 =	vor.u32 $0x44, v5;
	vm0 =	vmor vm0, vm1;
	v0 =	vmov s3;
	s24 =	simm.s32 $0x180;
	s26 =	simm.s32 $0x4180;
	s25 =	sshrl.u32 s9, $0x3  }
.LBB2_1:
0x13: {  	s1 =	simm.s32 $0x0;
	s3 =	simm.s32 $0x200  }
.LBB2_2:
0x14: {  	p0 =	sne.s32 s3, $0x4E00;
	[tilespmem:s1+$0xC470] =	vst v2  }
0x15: {  	[tilespmem:s1+$0xC400] =	vst v2  }
0x16: {  	[tilespmem:s1+$0xC410] =	vst v2  }
.Ltmp0:
0x17: {  	[tilespmem:s1+$0xC420] =	vst v2;
	(pc) =	sbr.rel @p0 .LBB2_2-.Ltmp0, $4  }
0x18: {  	[tilespmem:s1+$0xC430] =	vst v2  }
0x19: {  	[tilespmem:s1+$0xC440] =	vst v2  }
0x1a: {  	[tilespmem:s1+$0xC450] =	vst v2  }
0x1b: {  	[tilespmem:s1+$0xC460] =	vst v2;
	s1 =	sshra.s32 s3, $0x2;
	s3 =	sadd.s32 $0x200, s3  }
0x1c: {  	[tilespmem:s1+$0xC470] =	vst v2  }
0x1d: {  	[tilespmem:s1+$0xC400] =	vst v2  }
0x1e: {  	[tilespmem:s1+$0xC410] =	vst v2  }
0x1f: {  	[tilespmem:s1+$0xC420] =	vst v2  }
0x20: {  	[tilespmem:s1+$0xC430] =	vst v2  }
0x21: {  	[tilespmem:s1+$0xC440] =	vst v2  }
0x22: {  	[tilespmem:s1+$0xC450] =	vst v2  }
0x23: {  	[tilespmem:s1+$0xC460] =	vst v2  }
0x24: {  	[spmem:s8] =	stream.linear.scatter [tilespmem:s20], [sflag:$0x3], $0x1400, $0x38;
	[tilespmem:$0x18C00] =	vst v63  }
0x25: {  	_ =	swait.ge [sflag:s21], $0x1400  }
0x26: {  	[sflag:s21] =	ssyncset.done $0x0  }
0x27: {  	s10 =	rddreg [dreg:$0x4];
	[sflag:s21] =	ssyncadd.s32 $0xFFFFEC00  }
0x28: {  	[spmem:s10] =	stream.linear.scatter [tilespmem:s20], [sflag:$0x3], $0x1400, $0x38;
	[tilespmem:$0x18C00] =	vst v63  }
0x29: {  	_ =	swait.ge [sflag:s21], $0x1400  }
0x2a: {  	[sflag:s21] =	ssyncset.done $0x0  }
0x2b: {  	s11 =	rddreg [dreg:$0x5];
	[sflag:s21] =	ssyncadd.s32 $0xFFFFEC00  }
0x2c: {  	[spmem:s11] =	stream.linear.scatter [tilespmem:s20], [sflag:$0x3], $0x1400, $0x38;
	[tilespmem:$0x18C00] =	vst v63  }
0x2d: {  	_ =	swait.ge [sflag:s21], $0x1400  }
0x2e: {  	[sflag:s21] =	ssyncset.done $0x0  }
0x2f: {  	s12 =	rddreg [dreg:$0x6];
	[sflag:s21] =	ssyncadd.s32 $0xFFFFEC00  }
0x30: {  	[spmem:s12] =	stream.linear.scatter [tilespmem:s20], [sflag:$0x3], $0x1400, $0x38;
	[tilespmem:$0x18C00] =	vst v63  }
0x31: {  	_ =	swait.ge [sflag:s21], $0x1400  }
0x32: {  	[sflag:s21] =	ssyncset.done $0x0  }
0x33: {  	s22 =	rddreg [dreg:$0x7];
	[sflag:s21] =	ssyncadd.s32 $0xFFFFEC00  }
0x34: {  	[spmem:s22] =	stream.linear.scatter [tilespmem:s20], [sflag:$0x3], $0x1400, $0x38;
	[tilespmem:$0x18C00] =	vst v63  }
0x35: {  	_ =	swait.ge [sflag:s21], $0x1400  }
0x36: {  	[sflag:s21] =	ssyncset.done $0x0  }
0x37: {  	[sflag:s21] =	ssyncadd.s32 $0xFFFFEC00  }
0x38: {  	[spmem:s13] =	stream.linear.scatter [tilespmem:s20], [sflag:$0x3], $0x1400, $0x38;
	[tilespmem:$0x18C00] =	vst v63  }
0x39: {  	_ =	swait.ge [sflag:s21], $0x1400  }
0x3a: {  	[sflag:s21] =	ssyncset.done $0x0  }
0x3b: {  	[sflag:s21] =	ssyncadd.s32 $0xFFFFEC00  }
0x3c: {  	[spmem:s14] =	stream.linear.scatter [tilespmem:s20], [sflag:$0x3], $0x1400, $0x38;
	[tilespmem:$0x18C00] =	vst v63  }
0x3d: {  	_ =	swait.ge [sflag:s21], $0x1400  }
0x3e: {  	[sflag:s21] =	ssyncset.done $0x0  }
0x3f: {  	[sflag:s21] =	ssyncadd.s32 $0xFFFFEC00  }
0x40: {  	[spmem:s15] =	stream.linear.scatter [tilespmem:s20], [sflag:$0x3], $0x1400, $0x38;
	[tilespmem:$0x18C00] =	vst v63  }
0x41: {  	_ =	swait.ge [sflag:s21], $0x1400  }
0x42: {  	[sflag:s21] =	ssyncset.done $0x0  }
0x43: {  	[sflag:s21] =	ssyncadd.s32 $0xFFFFEC00  }
0x44: {  	[spmem:s16] =	stream.linear.scatter [tilespmem:s20], [sflag:$0x3], $0x1400, $0x38;
	[tilespmem:$0x18C00] =	vst v63  }
0x45: {  	_ =	swait.ge [sflag:s21], $0x1400  }
0x46: {  	[sflag:s21] =	ssyncset.done $0x0  }
0x47: {  	[sflag:s21] =	ssyncadd.s32 $0xFFFFEC00  }
0x48: {  	s1 =	simm.s32 $0x0;
	s9 =	simm.s32 $0xC380;
	s3 =	rddreg [dreg:$0x1]  }
0x49: {  	[tilespmem:s9], [sflag:$0x3] =	stream.linear.gather [hbm4b:s3+s1], $0x80, $0x38;
	[tilespmem:$0x18C00] =	vst v63  }
0x4a: {  	_ =	swait.ge [sflag:s21], $0x80  }
0x4b: {  	[sflag:s21] =	ssyncset.done $0x0  }
0x4c: {  	[sflag:s21] =	ssyncadd.s32 $0xFFFFFF80  }
0x4d: {  	s22 =	simm.s32 $0x0;
	[bflag:$0x0] =	sbarrier.arrive $0xFFFF  }
.LBB2_4:
0x4e: {  	s3 =	sadd.s32 s17, s22  }
0x4f: {  	s3 =	sshll.u32 s3, $0x4  }
0x50: {  	s9 =	sadd.s32 s6, s3  }
0x51: {  	[tilespmem:s1], [sflag:$0x3] =	stream.linear.gather [hbm4b:s9+s1], $0x80, $0x38;
	[tilespmem:$0x18C00] =	vst v63  }
0x52: {  	_ =	swait.ge [sflag:s21], $0x80  }
0x53: {  	[sflag:s21] =	ssyncset.done $0x0  }
0x54: {  	s3 =	sadd.s32 s7, s3;
	[sflag:s21] =	ssyncadd.s32 $0xFFFFFF80  }
0x55: {  	[tilespmem:s23], [sflag:$0x3] =	stream.linear.gather [hbm4b:s3+s1], $0x80, $0x38;
	[tilespmem:$0x18C00] =	vst v63  }
0x56: {  	_ =	swait.ge [sflag:s21], $0x80  }
0x57: {  	[sflag:s21] =	ssyncset.done $0x0  }
0x58: {  	[sflag:s21] =	ssyncadd.s32 $0xFFFFFF80  }
0x59: {  	[tilespmem:s24], [sflag:$0x1] =	stream.indirect.gather [hbm4b:s5+s23], $0x80, s1, s23, $0xb8;
	[tilespmem:$0x18C00] =	vst v63  }
0x5a: {  	_ = 	snop  }
0x5b: {  	[tilespmem:s26], [sflag:$0x2] =	stream.indirect.gather [hbm4b:s5+s23], $0x80, s23, s23, $0xb8;
	[tilespmem:$0x18C00] =	vst v63  }
0x5c: {  	v6 =	vld [tilespmem:$0x80]  }
0x5d: {  	v7 =	vld [tilespmem:$0x90]  }
0x5e: {  	v8 =	vld [tilespmem:$0xA0]  }
0x5f: {  	v9 =	vld [tilespmem:$0xB0]  }
0x60: {  	v10 =	vld [tilespmem:$0xC0]  }
0x61: {  	v11 =	vld [tilespmem:$0xD0];
	v6 =	vsub.s32 v6, v0  }
0x62: {  	v12 =	vld [tilespmem:$0xE0];
	v7 =	vsub.s32 v7, v0;
	v6 =	vmin.u32 v6, $0x1400  }
0x63: {  	[tilespmem:$0x100] =	vst v6;
	v6 =	vmin.u32 v7, $0x1400;
	v7 =	vsub.s32 v8, v0;
	v8 =	vld [tilespmem:$0xF0]  }
0x64: {  	[tilespmem:$0x110] =	vst v6;
	v6 =	vmin.u32 v7, $0x1400;
	v7 =	vsub.s32 v9, v0  }
0x65: {  	v59 =	vmov s1;
	v57 =	vsub.s32 v10, v0;
	[tilespmem:$0x120] =	vst v6;
	v6 =	vmin.u32 v7, $0x1400  }
0x66: {  	vm1 =	veq.s32 v59, v1;
	v7 =	vmin.u32 v57, $0x1400;
	[tilespmem:$0x130] =	vst v6;
	v6 =	vsub.s32 v11, v0  }
0x67: {  	vm1 =	vmand vm1, vm0;
	v58 =	vsub.s32 v12, v0;
	[tilespmem:$0x140] =	vst v7;
	v6 =	vmin.u32 v6, $0x1400  }
0x68: {  	v7 =	vmin.u32 v58, $0x1400;
	[tilespmem:$0x150] =	vst v6;
	v6 =	vsub.s32 v8, v0;
	v8 =	vor.u32 s1, v1  }
0x69: {  	[tilespmem:$0x160] =	vst v7;
	v6 =	vmin.u32 v6, $0x1400;
	v7 =	vshrl.u32 v8, $0x2;
	v8 =	vsel vm1, $0xFFFFFFFF, v3  }
0x6a: {  	[tilespmem:$0x170] =	vst v6;
	v6 =	vadd.s32 v8, v7  }
0x6b: {  	_ =	swait.ge [sflag:s28], $0x4000;
	v6 =	vshll.u32 v6, $0x7  }
0x6c: {  	[sflag:s28] =	ssyncset.done $0x0;
	v7 =	vor.u32 v4, v6  }
0x6d: {  	v6 =	vor.u32 v5, v6;
	[sflag:s28] =	ssyncadd.s32 $0xFFFFC000  }
0x6e: {  	_ =	swait.ge [sflag:s29], $0x4000  }
0x6f: {  	[sflag:s29] =	ssyncset.done $0x0  }
0x70: {  	[sflag:s29] =	ssyncadd.s32 $0xFFFFC000  }
0x71: {  	v8 =	vld.idx.msk [tilespmem:v7+s24+$0x0], $0xffff  }
0x72: {  	v6 =	vld.idx.msk [tilespmem:v6+s26+$0x0], $0xffff;
	_ =	sdelay $0x1  }
0x73: {  	v60 =	vld [tilespmem:$0xC380];
	_ =	sdelay $0x2  }
0x74: {  	v8 =	vadd.f32 v6, v8;
	_ =	sdelay $0x1  }
0x75: {  	v6 =	vadd.f32 v60, v6;
	v61 =	vmul.f32 $2.000000030e-01, v8;
	_ =	sdelay $0x1  }
0x76: {  	v6 =	vmax.f32 v6, $0.0e+00;
	v8 =	vmax.f32 v8, v61  }
0x77: {  	v6 =	vsub.f32 v8, v6;
	_ =	sdelay $0x1  }
0x78: {  	v6 =	vmul.f32 $1.442695020e+00, v6;
	_ =	sdelay $0x1  }
0x79: {  	s11 =	simm.s32 $0x10;
	(erf) = vpow2.f32 v6  }
0x7a: {  	v6 =	vmov s11  }
0x7b: {  	vm1 =	veq.s32 v6, v1  }
0x7c: {  	v6 =	vor.u32 s11, v1;
	vm1 =	vmand vm1, vm0  }
0x7d: {  	v6 =	vshrl.u32 v6, $0x2;
	v8 =	vsel vm1, $0xFFFFFFFF, v3  }
0x7e: {  	v6 =	vadd.s32 v8, v6  }
0x7f: {  	v8 =	vshll.u32 v6, $0x7  }
0x80: {  	v6 =	vor.u32 v4, v8  }
0x81: {  	v8 =	vor.u32 v5, v8  }
0x82: {  	s3 =	simm.s32 $0xC180;
	v62 =	vpop (erf)  }
0x83: {  	[tilespmem:s3+$0x0] =	vst v62  }
0x84: {  	[tilespmem:v7+s30+$0x0] =	vst.idx.msk $0xffff, v62  }
0x85: {  	v7 =	vld.idx.msk [tilespmem:v6+s24+$0x0], $0xffff  }
0x86: {  	v8 =	vld.idx.msk [tilespmem:v8+s26+$0x0], $0xffff;
	_ =	sdelay $0x1  }
0x87: {  	v9 =	vld [tilespmem:$0xC380];
	_ =	sdelay $0x2  }
0x88: {  	v7 =	vadd.f32 v8, v7;
	_ =	sdelay $0x1  }
0x89: {  	v8 =	vadd.f32 v9, v8;
	v63 =	vmul.f32 $2.000000030e-01, v7;
	_ =	sdelay $0x1  }
0x8a: {  	v8 =	vmax.f32 v8, $0.0e+00;
	v7 =	vmax.f32 v7, v63  }
0x8b: {  	v7 =	vsub.f32 v7, v8;
	_ =	sdelay $0x1  }
0x8c: {  	v7 =	vmul.f32 $1.442695020e+00, v7;
	_ =	sdelay $0x1  }
0x8d: {  	s12 =	simm.s32 $0x20;
	(erf) = vpow2.f32 v7  }
0x8e: {  	v8 =	vmov s12  }
0x8f: {  	vm1 =	veq.s32 v8, v1  }
0x90: {  	s9 =	simm.s32 $0x30;
	vm1 =	vmand vm1, vm0;
	v7 =	vor.u32 s12, v1  }
.LBB2_5:
0x91: {  	p0 =	sne.s32 s9, $0x1F0;
	v7 =	vshrl.u32 v7, $0x2;
	v8 =	vsel vm1, $0xFFFFFFFF, v3  }
0x92: {  	v7 =	vadd.s32 v8, v7  }
0x93: {  	v7 =	vshll.u32 v7, $0x7  }
0x94: {  	v8 =	vor.u32 v4, v7  }
0x95: {  	v7 =	vor.u32 v5, v7  }
0x96: {  	s3 =	sadd.s32 $0x10, s3;
	v9 =	vpop (erf)  }
0x97: {  	[tilespmem:s3+$0x0] =	vst v9  }
0x98: {  	[tilespmem:v6+s30+$0x0] =	vst.idx.msk $0xffff, v9;
	v6 =	vmov v8  }
0x99: {  	v8 =	vld.idx.msk [tilespmem:v8+s24+$0x0], $0xffff  }
0x9a: {  	v7 =	vld.idx.msk [tilespmem:v7+s26+$0x0], $0xffff;
	_ =	sdelay $0x2  }
0x9b: {  	v9 =	vld [tilespmem:$0xC380];
	_ =	sdelay $0x2  }
0x9c: {  	v8 =	vadd.f32 v7, v8;
	_ =	sdelay $0x1  }
0x9d: {  	v10 =	vmul.f32 $2.000000030e-01, v8;
	v7 =	vadd.f32 v9, v7;
	_ =	sdelay $0x1  }
0x9e: {  	v8 =	vmax.f32 v8, v10;
	v7 =	vmax.f32 v7, $0.0e+00  }
0x9f: {  	v7 =	vsub.f32 v8, v7;
	_ =	sdelay $0x1  }
0xa0: {  	v7 =	vmul.f32 $1.442695020e+00, v7  }
.Ltmp1:
0xa1: {  	(pc) =	sbr.rel @p0 .LBB2_5-.Ltmp1, $4  }
0xa2: {  	(erf) = vpow2.f32 v7  }
0xa3: {  	v7 =	vmov s9  }
0xa4: {  	vm1 =	veq.s32 v7, v1  }
0xa5: {  	v7 =	vor.u32 s9, v1;
	s9 =	sadd.s32 $0x10, s9;
	vm1 =	vmand vm1, vm0  }
0xa6: {  	v7 =	vshrl.u32 v7, $0x2;
	v8 =	vsel vm1, $0xFFFFFFFF, v3  }
0xa7: {  	v7 =	vadd.s32 v8, v7  }
0xa8: {  	v7 =	vshll.u32 v7, $0x7  }
0xa9: {  	v8 =	vor.u32 v4, v7  }
0xaa: {  	v7 =	vor.u32 v5, v7  }
0xab: {  	s3 =	sadd.s32 $0x10, s3;
	v9 =	vpop (erf)  }
0xac: {  	[tilespmem:s3+$0x0] =	vst v9  }
0xad: {  	[tilespmem:v6+s30+$0x0] =	vst.idx.msk $0xffff, v9  }
0xae: {  	v6 =	vld.idx.msk [tilespmem:v8+s24+$0x0], $0xffff  }
0xaf: {  	v7 =	vld.idx.msk [tilespmem:v7+s26+$0x0], $0xffff;
	_ =	sdelay $0x1  }
0xb0: {  	v9 =	vld [tilespmem:$0xC380];
	_ =	sdelay $0x2  }
0xb1: {  	v6 =	vadd.f32 v7, v6;
	_ =	sdelay $0x1  }
0xb2: {  	v7 =	vadd.f32 v9, v7;
	v10 =	vmul.f32 $2.000000030e-01, v6;
	_ =	sdelay $0x1  }
0xb3: {  	v7 =	vmax.f32 v7, $0.0e+00;
	v6 =	vmax.f32 v6, v10  }
0xb4: {  	v6 =	vsub.f32 v6, v7;
	_ =	sdelay $0x1  }
0xb5: {  	v6 =	vmul.f32 $1.442695020e+00, v6;
	_ =	sdelay $0x1  }
0xb6: {  	(erf) = vpow2.f32 v6;
	_ =	sdelay $0x2  }
0xb7: {  	s9 =	simm.s32 $0x0  }
0xb8: {  	v6 =	vmov s9  }
0xb9: {  	v6 =	vand.u32 $0xFFFFFFFC, v6  }
0xba: {  	v6 =	vbroadcast v6, $0x0;
	_ =	sdelay $0x2  }
0xbb: {  	s3 =	sadd.s32 $0x10, s3;
	v7 =	vpop (erf)  }
0xbc: {  	[tilespmem:s3+$0x0] =	vst v7  }
0xbd: {  	[tilespmem:v8+s30+$0x0] =	vst.idx.msk $0xffff, v7  }
0xbe: {  	s11 =	simm.s32 $0x1;
	s3 =	simm.s32 $0x1A0;
	v6 =	vld.idx.msk [tilespmem:v6+s31+$0x0], $0xffff  }
0xbf: {  	v8 =	vmov s11;
	v7 =	vld [tilespmem:s3+$0xFFFFFFE0]  }
0xc0: {  	v8 =	vand.u32 $0xFFFFFFFD, v8  }
0xc1: {  	v8 =	vbroadcast v8, $0x0;
	_ =	sdelay $0x2  }
0xc2: {  	v6 =	vmul.f32 v7, v6  }
0xc3: {  	s9 =	simm.s32 $0x81A0  }
0xc4: {  	[tilespmem:s9+$0xFFFFFFE0] =	vst v6  }
0xc5: {  	s10 =	simm.s32 $0x2;
	v6 =	vld.idx.msk [tilespmem:v8+s31+$0x0], $0xffff  }
0xc6: {  	v7 =	vld [tilespmem:s3+$0xFFFFFFF0];
	v8 =	vmov s10  }
0xc7: {  	v8 =	vand.u32 $0xFFFFFFFE, v8  }
0xc8: {  	v8 =	vbroadcast v8, $0x0;
	_ =	sdelay $0x2  }
0xc9: {  	v6 =	vmul.f32 v7, v6;
	_ =	sdelay $0x1  }
0xca: {  	[tilespmem:s9+$0xFFFFFFF0] =	vst v6  }
0xcb: {  	v6 =	vld.idx.msk [tilespmem:v8+s31+$0x0], $0xffff  }
0xcc: {  	v7 =	vld [tilespmem:s3+$0x0];
	_ =	sdelay $0x1  }
0xcd: {  	s12 =	simm.s32 $0x3  }
0xce: {  	v8 =	vmov s12;
	_ =	sdelay $0x1  }
0xcf: {  	v6 =	vmul.f32 v7, v6;
	_ =	sdelay $0x1  }
0xd0: {  	[tilespmem:s9+$0x0] =	vst v6  }
0xd1: {  	s10 =	simm.s32 $0x4;
	v6 =	vld.idx.msk [tilespmem:v8+s31+$0x0], $0xffff  }
0xd2: {  	s11 =	simm.s32 $0x8;
	v8 =	vmov s10;
	v7 =	vld [tilespmem:s3+$0x10]  }
.LBB2_7:
0xd3: {  	p0 =	sne.s32 s11, $0x1FC;
	v8 =	vand.u32 $0xFFFFFFFC, v8  }
0xd4: {  	v8 =	vbroadcast v8, $0x0;
	_ =	sdelay $0x2  }
0xd5: {  	v6 =	vmul.f32 v7, v6;
	_ =	sdelay $0x1  }
0xd6: {  	[tilespmem:s9+$0x10] =	vst v6  }
0xd7: {  	s12 =	sadd.s32 $0x1, s10;
	s3 =	sadd.s32 $0x80, s3;
	v6 =	vld.idx.msk [tilespmem:v8+s31+$0x0], $0xffff  }
0xd8: {  	v8 =	vmov s12;
	v7 =	vld [tilespmem:s3+$0xFFFFFFE0]  }
0xd9: {  	v8 =	vand.u32 $0xFFFFFFFD, v8  }
0xda: {  	v8 =	vbroadcast v8, $0x0;
	_ =	sdelay $0x2  }
0xdb: {  	v6 =	vmul.f32 v7, v6  }
0xdc: {  	s9 =	sadd.s32 $0x80, s9  }
0xdd: {  	[tilespmem:s9+$0xFFFFFFE0] =	vst v6  }
0xde: {  	s12 =	sadd.s32 $0x2, s10;
	v6 =	vld.idx.msk [tilespmem:v8+s31+$0x0], $0xffff  }
0xdf: {  	v8 =	vmov s12;
	v7 =	vld [tilespmem:s3+$0xFFFFFFF0]  }
0xe0: {  	v8 =	vand.u32 $0xFFFFFFFE, v8  }
0xe1: {  	v8 =	vbroadcast v8, $0x0;
	_ =	sdelay $0x2  }
0xe2: {  	v6 =	vmul.f32 v7, v6;
	_ =	sdelay $0x1  }
0xe3: {  	[tilespmem:s9+$0xFFFFFFF0] =	vst v6  }
0xe4: {  	v6 =	vld.idx.msk [tilespmem:v8+s31+$0x0], $0xffff  }
0xe5: {  	v7 =	vld [tilespmem:s3+$0x0];
	_ =	sdelay $0x1  }
0xe6: {  	s12 =	sadd.s32 $0x3, s10;
	s10 =	smov.u32 s11  }
0xe7: {  	v8 =	vmov s12;
	_ =	sdelay $0x1  }
.Ltmp2:
0xe8: {  	v6 =	vmul.f32 v7, v6;
	(pc) =	sbr.rel @p0 .LBB2_7-.Ltmp2, $4  }
0xe9: {  	_ = 	snop  }
0xea: {  	[tilespmem:s9+$0x0] =	vst v6  }
0xeb: {  	v6 =	vld.idx.msk [tilespmem:v8+s31+$0x0], $0xffff  }
0xec: {  	s11 =	sadd.s32 $0x4, s11;
	v8 =	vmov s10;
	v7 =	vld [tilespmem:s3+$0x10]  }
0xed: {  	v8 =	vand.u32 $0xFFFFFFFC, v8  }
0xee: {  	v8 =	vbroadcast v8, $0x0;
	_ =	sdelay $0x2  }
0xef: {  	v6 =	vmul.f32 v7, v6;
	_ =	sdelay $0x1  }
0xf0: {  	[tilespmem:s9+$0x10] =	vst v6  }
0xf1: {  	s11 =	sadd.s32 $0x1, s10;
	s3 =	sadd.s32 $0x80, s3;
	v6 =	vld.idx.msk [tilespmem:v8+s31+$0x0], $0xffff  }
0xf2: {  	v61 =	vmov s11;
	v7 =	vld [tilespmem:s3+$0xFFFFFFE0]  }
0xf3: {  	v8 =	vand.u32 $0xFFFFFFFD, v61  }
0xf4: {  	v8 =	vbroadcast v8, $0x0;
	_ =	sdelay $0x2  }
0xf5: {  	v6 =	vmul.f32 v7, v6  }
0xf6: {  	s9 =	sadd.s32 $0x80, s9  }
0xf7: {  	[tilespmem:s9+$0xFFFFFFE0] =	vst v6  }
0xf8: {  	s12 =	sadd.s32 $0x2, s10;
	v6 =	vld.idx.msk [tilespmem:v8+s31+$0x0], $0xffff  }
0xf9: {  	v62 =	vmov s12;
	v7 =	vld [tilespmem:s3+$0xFFFFFFF0]  }
0xfa: {  	v8 =	vand.u32 $0xFFFFFFFE, v62  }
0xfb: {  	v8 =	vbroadcast v8, $0x0;
	_ =	sdelay $0x2  }
0xfc: {  	v6 =	vmul.f32 v7, v6;
	_ =	sdelay $0x1  }
0xfd: {  	[tilespmem:s9+$0xFFFFFFF0] =	vst v6  }
0xfe: {  	v6 =	vld.idx.msk [tilespmem:v8+s31+$0x0], $0xffff  }
0xff: {  	v7 =	vld [tilespmem:s3+$0x0];
	_ =	sdelay $0x1  }
0x100: {  	s12 =	sadd.s32 $0x3, s10  }
0x101: {  	v63 =	vmov s12;
	_ =	sdelay $0x1  }
0x102: {  	v6 =	vmul.f32 v7, v6;
	_ =	sdelay $0x1  }
0x103: {  	[tilespmem:s9+$0x0] =	vst v6  }
0x104: {  	v6 =	vld.idx.msk [tilespmem:v63+s31+$0x0], $0xffff  }
0x105: {  	v7 =	vld [tilespmem:s3+$0x10];
	_ =	sdelay $0x4  }
0x106: {  	s22 =	sadd.s32 $0x1, s22;
	v6 =	vmul.f32 v7, v6  }
0x107: {  	p0 =	sne.s32 s22, $0xA2  }
.Ltmp3:
0x108: {  	[tilespmem:s9+$0x10] =	vst v6;
	(pc) =	sbr.rel @p0 .LBB2_4-.Ltmp3, $4  }
0x109: {  	[spmem:s2] =	stream.indirect.scatter.add.f32 [tilespmem:s30], [sflag:$0x3], $0x80, s0, s23, $0xb8;
	[tilespmem:$0x18C00] =	vst v63  }
0x10a: {  	_ =	swait.ge [sflag:s21], $0x4000  }
0x10b: {  	[sflag:s21] =	ssyncset.done $0x0  }
0x10c: {  	[sflag:s21] =	ssyncadd.s32 $0xFFFFC000  }
0x10d: {  	s1 =	stileid.u32;
	s4 =	sadd.s32 $0x1, s4  }
0x10e: {  	s1 =	sshll.u32 s1, $0x6;
	p0 =	sne.s32 s4, s19  }
.Ltmp4:
0x10f: {  	[bflag:$0x0] =	sbarrier.arrive $0xFFFF;
	s1 =	sor.u32 $0x1C03, s1;
	(pc) =	sbr.rel @p0 .LBB2_1-.Ltmp4, $4  }
0x110: {  	[hbm:s18], [sflag:s1] =	dma.local [spmem:s25], $0x1400  }
0x111: {  	_ =	swait.ge [sflag:s21], $0x1400  }
0x112: {  	[sflag:s21] =	ssyncset.done $0x0  }
0x113: {  	[sflag:s21] =	ssyncadd.s32 $0xFFFFEC00  }
0x114: {  	_ =	sfence.sel $0x180000  }
0x115: {  	[bflag:$0x0] =	sbarrier.arrive $0xFFFF  }
0x116: {  	_ =	strace $0x90000047  }
0x117: {  	s0 =	stileid.u32;
	[bflag:$0x2] =	sbarrier.arrive $0xFFFF  }
0x118: {  	p0 =	sne.s32 s0, $0x0;
	s0 =	rddreg [dreg:$0x3]  }
0x119: {  	s0 =	sadd.s32 @!p0 $0x100000, s0  }
0x11a: {  	[sflag:s0] =	ssyncadd.tile.s32 @!p0 $0x1;
	_ =	shalt  }
.Lfunc_end2:
_tile_overlayer_lowered:
.L_overlay_start_2:
0x11b: {  	(tag) =	ssettag $0x2  }
0x11c: {  	s0 =	rddreg [dreg:$0x0];
	s2 =	stileid.u32  }
0x11d: {  	s1 =	rddreg [dreg:$0x1];
	p0 =	sne.s32 s2, $0x0  }
0x11e: {  	s3 =	rddreg [dreg:$0x2];
	[bflag:$0x3] =	sbarrier.arrive $0xFFFF;
	s2 =	simm.s32 @!p0 $0x1C03  }
0x11f: {  	[timem:s3], [sflag:s2] =	dma.local @!p0 [hbm:s0], s1  }
0x120: {  	s0 =	simm.s32 @!p0 $0x3  }
0x121: {  	_ =	swait.ge @!p0 [sflag:s0], s1  }
0x122: {  	s1 =	ssub.s32 @!p0 $0x0, s1;
	[sflag:s0] =	ssyncset.done @!p0 $0x0  }
0x123: {  	[sflag:s0] =	ssyncadd.s32 @!p0 s1  }
0x124: {  	[bflag:$0x3] =	sbarrier.arrive $0xFFFF  }
0x125: {  	_ =	shalt  }

</sc_bundles>
